<compile_context>
chip_gen: v7x
topology: tpu7x:2x2x1
jax: 0.10.2.dev20260603
libtpu: 0.0.44.dev20260713+nightly
codegen_flags: <defaults>
</compile_context>

<pallas_src>
import functools

import jax
import jax.numpy as jnp
from jax import lax
from jax.experimental import pallas as pl
from jax.experimental.pallas import tpu as pltpu
from jax.experimental.pallas import tpu_sc as plsc

N = 10000
D = 128
E = 320000

NC = 2
NS = 16
NW = NC * NS
CHUNK = 128
CPG = 8
CPW0 = 80
CPW1 = 80
NCH = NS * (CPW0 + CPW1)
NCH_PAD = NCH + CPW0 - CPW1
E_PAD = NCH * CHUNK
EPW = E // NW
ROWS_PAD = 10240
RPT = ROWS_PAD // NS


def _agg_body(x_hbm, src_hbm, dst_hbm, z_hbm, agg_out,
              src_v, dst_v, rows0, rows1, agg_sh, sem0, sem1):
    cid = lax.axis_index("c")
    sid = lax.axis_index("s")

    rows = (rows0, rows1)
    sems = (sem0, sem1)

    start = jnp.where(cid == 0, sid * CPW0, NS * CPW0 + sid * CPW1)
    start_g = start // CPG
    ngroups = jnp.where(cid == 0, CPW0 // CPG, CPW1 // CPG)

    pltpu.sync_copy(src_hbm.at[pl.ds(start, CPW0)], src_v)
    pltpu.sync_copy(z_hbm, agg_sh.at[pl.ds(sid * RPT, RPT)])
    plsc.subcore_barrier()

    def gather(c, b):
        pltpu.async_copy(x_hbm.at[src_v.at[c]], rows[b], sems[b])

    def gather_wait(c, b):
        pltpu.make_async_copy(x_hbm.at[src_v.at[c]], rows[b], sems[b]).wait()

    gather(0, 0)

    def group_body(g, carry):
        pltpu.sync_copy(dst_hbm.at[start_g + g], dst_v)
        for j in range(CPG):
            c = g * CPG + j
            b = j & 1
            gather_wait(c, b)

            if j < CPG - 1:
                gather(c + 1, 1 - b)
            else:
                @pl.when(g < ngroups - 1)
                def _():
                    gather(c + 1, 1 - b)

            pltpu.sync_copy(rows[b], agg_sh.at[dst_v.at[j]], add=True)
        return carry

    lax.fori_loop(0, ngroups, group_body, 0)
    plsc.subcore_barrier()

    pltpu.sync_copy(agg_sh.at[pl.ds(sid * RPT, RPT)],
                    agg_out.at[cid, pl.ds(sid * RPT, RPT)])


def _cnt_body(dst_hbm, cnt_out, dst_v, hist_v, sem):
    cid = lax.axis_index("c")
    sid = lax.axis_index("s")
    wid = cid * NS + sid

    pltpu.sync_copy(dst_hbm.at[wid], dst_v)

    z16 = jnp.zeros((16,), jnp.float32)
    o16 = jnp.ones((16,), jnp.float32)

    def fill_zero(i, carry):
        hist_v[pl.ds(i * 16, 16)] = z16
        return carry

    lax.fori_loop(0, ROWS_PAD // 16, fill_zero, 0)

    def count_step(e, carry):
        idx = dst_v[pl.ds(e * 16, 16)]
        plsc.addupdate_scatter(hist_v, [idx], o16)
        return carry

    lax.fori_loop(0, EPW // 16, count_step, 0)

    pltpu.sync_copy(hist_v, cnt_out.at[wid])


_SC_MESH = plsc.VectorSubcoreMesh(core_axis_name="c", subcore_axis_name="s")

_agg = pl.kernel(
    _agg_body,
    out_type=jax.ShapeDtypeStruct((NC, ROWS_PAD, D), jnp.float32),
    mesh=_SC_MESH,
    scratch_types=[
        pltpu.VMEM((CPW0, CHUNK), jnp.int32),
        pltpu.VMEM((CPG, CHUNK), jnp.int32),
        pltpu.VMEM((CHUNK, D), jnp.float32),
        pltpu.VMEM((CHUNK, D), jnp.float32),
        pltpu.VMEM_SHARED((ROWS_PAD, D), jnp.float32),
        pltpu.SemaphoreType.DMA,
        pltpu.SemaphoreType.DMA,
    ],
)

_counts = pl.kernel(
    _cnt_body,
    out_type=jax.ShapeDtypeStruct((NW, ROWS_PAD), jnp.float32),
    mesh=_SC_MESH,
    scratch_types=[
        pltpu.VMEM((EPW,), jnp.int32),
        pltpu.VMEM((ROWS_PAD,), jnp.float32),
        pltpu.SemaphoreType.DMA,
    ],
    compiler_params=pltpu.CompilerParams(needs_layout_passes=False),
)


def _layer_body(agg0_ref, agg1_ref, cnt_ref, x_ref,
                wlT_ref, wrT_ref, b_ref, out_ref, *, act):
    cnt = jnp.sum(cnt_ref[...], axis=1, keepdims=True)
    mean = (agg0_ref[0] + agg1_ref[0]) / jnp.maximum(cnt, 1.0)
    z = (jnp.dot(mean, wlT_ref[...], preferred_element_type=jnp.float32)
         + jnp.dot(x_ref[...], wrT_ref[...], preferred_element_type=jnp.float32)
         + b_ref[...])
    if act == "relu":
        out_ref[...] = jnp.maximum(z, 0.0)
    else:
        m = jnp.max(z, axis=1, keepdims=True)
        e = jnp.exp(z - m)
        out_ref[...] = (z - m) - jnp.log(jnp.sum(e, axis=1, keepdims=True))


def _tc_layer(agg, cnt, x, wlT, wrT, b, act):
    blk = 1000
    return pl.pallas_call(
        functools.partial(_layer_body, act=act),
        grid=(N // blk,),
        in_specs=[
            pl.BlockSpec((1, blk, D), lambda i: (0, i, 0)),
            pl.BlockSpec((1, blk, D), lambda i: (1, i, 0)),
            pl.BlockSpec((blk, NW), lambda i: (i, 0)),
            pl.BlockSpec((blk, D), lambda i: (i, 0)),
            pl.BlockSpec((D, D), lambda i: (0, 0)),
            pl.BlockSpec((D, D), lambda i: (0, 0)),
            pl.BlockSpec((1, D), lambda i: (0, 0)),
        ],
        out_specs=pl.BlockSpec((blk, D), lambda i: (i, 0)),
        out_shape=jax.ShapeDtypeStruct((N, D), jnp.float32),
    )(agg, agg, cnt, x, wlT, wrT, b)


def kernel(x, edge_index, Wl1, Wr1, b1, Wl2, Wr2, b2):
    src = edge_index[0]
    dst = edge_index[1]
    pad = E_PAD - E
    pad_src = jnp.arange((NCH_PAD * CHUNK) - E, dtype=jnp.int32) % N
    src_w = jnp.concatenate([src, pad_src]).reshape(NCH_PAD, CHUNK)
    pad_dst = N + jnp.arange(pad, dtype=jnp.int32) % (ROWS_PAD - N)
    dst_w = jnp.concatenate([dst, pad_dst]).reshape(NCH // CPG, CPG, CHUNK)
    dst_flat = dst.reshape(NW, EPW)

    zeros = jnp.zeros((RPT, D), jnp.float32)

    cnt = _counts(dst_flat).T
    agg1 = _agg(x, src_w, dst_w, zeros)
    h = _tc_layer(agg1, cnt, x, Wl1.T, Wr1.T, b1.reshape(1, D), "relu")
    agg2 = _agg(h, src_w, dst_w, zeros)
    return _tc_layer(agg2, cnt, h, Wl2.T, Wr2.T, b2.reshape(1, D), "logsoftmax")

# --- scband reference (transcript-rebuilt; emitter-appended) ---
"""Pipeline reference for scband-graph-sagecustom-47648367182185 (READ-ONLY COPY).

The authoritative reference and input builder live on the scoring server;
editing this copy changes nothing except your own understanding.
"""

import jax, jax.numpy as jnp
import numpy as np

N = 10000
E = 320000
D_IN = 128
D_HID = 128
D_OUT = 128


def setup_inputs(seed: int = 0) -> dict:
    key = jax.random.key(seed)
    ks = jax.random.split(key, 9)
    x = jax.random.normal(ks[0], (N, D_IN), dtype=jnp.float32)
    edge_index = jax.random.randint(ks[1], (2, E), 0, N, dtype=jnp.int32)
    s1 = 1.0 / np.sqrt(D_IN)
    s2 = 1.0 / np.sqrt(D_HID)
    Wl1 = jax.random.normal(ks[2], (D_HID, D_IN), dtype=jnp.float32) * s1
    Wr1 = jax.random.normal(ks[3], (D_HID, D_IN), dtype=jnp.float32) * s1
    b1 = jnp.zeros((D_HID,), dtype=jnp.float32)
    Wl2 = jax.random.normal(ks[4], (D_OUT, D_HID), dtype=jnp.float32) * s2
    Wr2 = jax.random.normal(ks[5], (D_OUT, D_HID), dtype=jnp.float32) * s2
    b2 = jnp.zeros((D_OUT,), dtype=jnp.float32)
    return {"x": x, "edge_index": edge_index, "Wl1": Wl1, "Wr1": Wr1, "b1": b1,
            "Wl2": Wl2, "Wr2": Wr2, "b2": b2}


def _sage_conv(x, edge_index, Wl, Wr, b):
    # PyG SAGEConv (aggr='mean'): out = lin_l(mean_{j in N(i)} x_j) + lin_r(x_i)
    src = edge_index[0]
    dst = edge_index[1]
    msgs = jnp.take(x, src, axis=0)                                   # gather [E, d]
    agg = jax.ops.segment_sum(msgs, dst, num_segments=x.shape[0])     # scatter-add
    cnt = jax.ops.segment_sum(jnp.ones((edge_index.shape[1], 1), x.dtype), dst,
                              num_segments=x.shape[0])
    mean = agg / jnp.maximum(cnt, 1.0)
    return mean @ Wl.T + x @ Wr.T + b


def reference(x, edge_index, Wl1, Wr1, b1, Wl2, Wr2, b2):
    # layer 1 + relu (dropout is identity in eval mode)
    h = _sage_conv(x, edge_index, Wl1, Wr1, b1)
    h = jax.nn.relu(h)
    # final layer + log_softmax over feature dim
    h = _sage_conv(h, edge_index, Wl2, Wr2, b2)
    return jax.nn.log_softmax(h, axis=1)

if __name__ == "__main__":
    import jax
    _d = setup_inputs()
    print(jax.jit(kernel)(*tuple(_d.values())))

</pallas_src>

<mosaic_0001>
#map = affine_map<(d0, d1) -> (0, 0)>
#map1 = affine_map<(d0, d1) -> (0, 0, 0)>
module attributes {stable_mosaic.version = 14 : i64} {
  func.func @_agg_body(%arg0: i32, %arg1: i32, %arg2: memref<10000x128xf32, #tpu.memory_space<hbm>>, %arg3: memref<2560x128xi32, #tpu.memory_space<hbm>>, %arg4: memref<320x8x128xi32, #tpu.memory_space<hbm>>, %arg5: memref<640x128xf32, #tpu.memory_space<hbm>>, %arg6: memref<2x10240x128xf32, #tpu.memory_space<hbm>>, %arg7: memref<80x128xi32, #tpu.memory_space<vmem>>, %arg8: memref<8x128xi32, #tpu.memory_space<vmem>>, %arg9: memref<128x128xf32, #tpu.memory_space<vmem>>, %arg10: memref<128x128xf32, #tpu.memory_space<vmem>>, %arg11: memref<10240x128xf32, #tpu.memory_space<vmem_shared>>, %arg12: memref<!tpu.dma_semaphore, #tpu.memory_space<semaphore_mem>>, %arg13: memref<!tpu.dma_semaphore, #tpu.memory_space<semaphore_mem>>) attributes {dimension_semantics = [#tpu.dimension_semantics<core_parallel>, #tpu.dimension_semantics<subcore_parallel>], iteration_bounds = array<i64: 2, 16>, scalar_prefetch = 0 : i64, scratch_operands = 7 : i64, tpu.core_type = #tpu.core_type<sc_vector_subcore>, window_params = [{transform_indices = #map}, {transform_indices = #map}, {transform_indices = #map1}, {transform_indices = #map}, {transform_indices = #map1}]} {
    %eq3A = arith.constant 0 : i32
    %eq3A_0 = arith.cmpi eq, %arg0, %eq3A : i32
    %mul3A = arith.constant 80 : i32
    %mul3A_1 = arith.muli %arg1, %mul3A : i32
    %mul3A_2 = arith.constant 80 : i32
    %mul3A_3 = arith.muli %arg1, %mul3A_2 : i32
    %add3A = arith.constant 1280 : i32
    %add3A_4 = arith.addi %add3A, %mul3A_3 : i32
    %select_n3A = arith.select %eq3A_0, %mul3A_1, %add3A_4 : i32
    %jit3A = arith.constant 8 : i32
    %div3A = arith.divsi %select_n3A, %jit3A : i32
    %sign3A = arith.constant 0 : i32
    %sign3A_5 = arith.cmpi sgt, %select_n3A, %sign3A : i32
    %sign3A_6 = arith.extui %sign3A_5 : i1 to i32
    %sign3A_7 = arith.constant 0 : i32
    %sign3A_8 = arith.cmpi slt, %select_n3A, %sign3A_7 : i32
    %sign3A_9 = arith.extui %sign3A_8 : i1 to i32
    %sign3A_10 = arith.subi %sign3A_6, %sign3A_9 : i32
    %sign3A_11 = arith.constant 0 : i32
    %sign3A_12 = arith.cmpi sgt, %jit3A, %sign3A_11 : i32
    %sign3A_13 = arith.extui %sign3A_12 : i1 to i32
    %sign3A_14 = arith.constant 0 : i32
    %sign3A_15 = arith.cmpi slt, %jit3A, %sign3A_14 : i32
    %sign3A_16 = arith.extui %sign3A_15 : i1 to i32
    %sign3A_17 = arith.subi %sign3A_13, %sign3A_16 : i32
    %ne3A = arith.cmpi ne, %sign3A_10, %sign3A_17 : i32
    %rem3A = arith.remsi %select_n3A, %jit3A : i32
    %ne3A_18 = arith.constant 0 : i32
    %ne3A_19 = arith.cmpi ne, %rem3A, %ne3A_18 : i32
    %and3A = arith.andi %ne3A, %ne3A_19 : i1
    %sub3A = arith.constant 1 : i32
    %sub3A_20 = arith.subi %div3A, %sub3A : i32
    %select_n3A_21 = arith.select %and3A, %sub3A_20, %div3A : i32
    %eq3A_22 = arith.constant 0 : i32
    %eq3A_23 = arith.cmpi eq, %arg0, %eq3A_22 : i32
    %jit3A_24 = arith.constant 10 : i32
    %jit3A_25 = arith.constant 10 : i32
    %select_n3A_26 = arith.select %eq3A_23, %jit3A_24, %jit3A_25 : i32
    "tpu.region"() ({
      %run_scoped3A = tpu.sem_alloc : memref<!tpu.dma_semaphore, #tpu.memory_space<semaphore_mem>>
      %dma_start3A_49 = arith.constant 0 : i32
      %dma_start3A_50 = tpu.memref_slice %arg3[%select_n3A, %dma_start3A_49] : memref<2560x128xi32, #tpu.memory_space<hbm>> -> memref<80x128xi32, #tpu.memory_space<hbm>>
      %dma_start3A_51 = arith.constant 0 : i32
      %dma_start3A_52 = tpu.memref_slice %arg3[%select_n3A, %dma_start3A_51] : memref<2560x128xi32, #tpu.memory_space<hbm>> -> memref<80x128xi32, #tpu.memory_space<hbm>>
      tpu.enqueue_dma source(%dma_start3A_52 : memref<80x128xi32, #tpu.memory_space<hbm>>) target(%arg7 : memref<80x128xi32, #tpu.memory_space<vmem>>) target_semaphore(%run_scoped3A : memref<!tpu.dma_semaphore, #tpu.memory_space<semaphore_mem>>)
      %dma_wait3A = arith.constant 0 : i32
      %dma_wait3A_53 = tpu.memref_slice %arg3[%select_n3A, %dma_wait3A] : memref<2560x128xi32, #tpu.memory_space<hbm>> -> memref<80x128xi32, #tpu.memory_space<hbm>>
      %dma_wait3A_54 = arith.constant 0 : i32
      %dma_wait3A_55 = tpu.memref_slice %arg3[%select_n3A, %dma_wait3A_54] : memref<2560x128xi32, #tpu.memory_space<hbm>> -> memref<80x128xi32, #tpu.memory_space<hbm>>
      tpu.wait_dma2 semaphore(%run_scoped3A : memref<!tpu.dma_semaphore, #tpu.memory_space<semaphore_mem>>) src(%dma_wait3A_55 : memref<80x128xi32, #tpu.memory_space<hbm>>) dst(%arg7 : memref<80x128xi32, #tpu.memory_space<vmem>>)
      tpu.yield
    }) : () -> ()
    %mul3A_27 = arith.constant 640 : i32
    %mul3A_28 = arith.muli %arg1, %mul3A_27 : i32
    "tpu.region"() ({
      %run_scoped3A = tpu.sem_alloc : memref<!tpu.dma_semaphore, #tpu.memory_space<semaphore_mem>>
      %dma_start3A_49 = arith.constant 0 : i32
      %dma_start3A_50 = tpu.memref_slice %arg11[%mul3A_28, %dma_start3A_49] : memref<10240x128xf32, #tpu.memory_space<vmem_shared>> -> memref<640x128xf32, #tpu.memory_space<vmem_shared>>
      tpu.enqueue_dma source(%arg5 : memref<640x128xf32, #tpu.memory_space<hbm>>) target(%dma_start3A_50 : memref<640x128xf32, #tpu.memory_space<vmem_shared>>) target_semaphore(%run_scoped3A : memref<!tpu.dma_semaphore, #tpu.memory_space<semaphore_mem>>)
      %dma_wait3A = arith.constant 0 : i32
      %dma_wait3A_51 = tpu.memref_slice %arg11[%mul3A_28, %dma_wait3A] : memref<10240x128xf32, #tpu.memory_space<vmem_shared>> -> memref<640x128xf32, #tpu.memory_space<vmem_shared>>
      tpu.wait_dma2 semaphore(%run_scoped3A : memref<!tpu.dma_semaphore, #tpu.memory_space<semaphore_mem>>) src(%arg5 : memref<640x128xf32, #tpu.memory_space<hbm>>) dst(%dma_wait3A_51 : memref<640x128xf32, #tpu.memory_space<vmem_shared>>)
      tpu.yield
    }) : () -> ()
    %barrier3A = arith.constant 0 : index
    tpu.barrier barrier_id(%barrier3A)
    %dma_start3A = arith.constant 0 : i32
    %dma_start3A_29 = arith.constant 0 : i32
    %dma_start3A_30 = tpu.memref_slice %arg7[%dma_start3A, %dma_start3A_29] : memref<80x128xi32, #tpu.memory_space<vmem>> -> memref<1x128xi32, #tpu.memory_space<vmem>>
    %dma_start3A_31 = tpu.memref_squeeze %dma_start3A_30 : memref<1x128xi32, #tpu.memory_space<vmem>> -> memref<128xi32, #tpu.memory_space<vmem>>
    %dma_start3A_32 = arith.constant 0 : i32
    %dma_start3A_33 = arith.constant 0 : i32
    %dma_start3A_34 = tpu.memref_slice %arg2[%dma_start3A_32, %dma_start3A_33] : memref<10000x128xf32, #tpu.memory_space<hbm>> -> memref<10000x128xf32, #tpu.memory_space<hbm>>
    tpu.enqueue_indirect_dma source(%dma_start3A_34 : memref<10000x128xf32, #tpu.memory_space<hbm>>) target(%arg9 : memref<128x128xf32, #tpu.memory_space<vmem>>) offsets(%dma_start3A_31 : memref<128xi32, #tpu.memory_space<vmem>>) semaphore(%arg12 : memref<!tpu.dma_semaphore, #tpu.memory_space<semaphore_mem>>)
    %while3A = arith.constant 0 : i32
    %while3A_35 = arith.constant 0 : i32
    %while3A_36 = arith.subi %select_n3A_26, %while3A_35 : i32
    %while3A_37 = arith.addi %while3A_35, %while3A_36 : i32
    %while3A_38 = arith.constant 1 : i32
    %while3A_39 = arith.divsi %while3A_36, %while3A_38 : i32
    %while3A_40 = arith.muli %while3A_39, %while3A_38 : i32
    %while3A_41 = arith.addi %while3A_35, %while3A_40 : i32
    %while3A_42 = arith.constant 1 : i32
    scf.for %while3A_49 = %while3A_35 to %while3A_41 step %while3A_42  : i32 {
      %add3A_50 = arith.addi %select_n3A_21, %while3A_49 : i32
      "tpu.region"() ({
        %run_scoped3A_196 = tpu.sem_alloc : memref<!tpu.dma_semaphore, #tpu.memory_space<semaphore_mem>>
        %dma_start3A_197 = arith.constant 0 : i32
        %dma_start3A_198 = arith.constant 0 : i32
        %dma_start3A_199 = tpu.memref_slice %arg4[%add3A_50, %dma_start3A_197, %dma_start3A_198] : memref<320x8x128xi32, #tpu.memory_space<hbm>> -> memref<1x8x128xi32, #tpu.memory_space<hbm>>
        %dma_start3A_200 = tpu.memref_squeeze %dma_start3A_199 : memref<1x8x128xi32, #tpu.memory_space<hbm>> -> memref<8x128xi32, #tpu.memory_space<hbm>>
        %dma_start3A_201 = arith.constant 0 : i32
        %dma_start3A_202 = arith.constant 0 : i32
        %dma_start3A_203 = tpu.memref_slice %arg4[%add3A_50, %dma_start3A_201, %dma_start3A_202] : memref<320x8x128xi32, #tpu.memory_space<hbm>> -> memref<1x8x128xi32, #tpu.memory_space<hbm>>
        %dma_start3A_204 = tpu.memref_squeeze %dma_start3A_203 : memref<1x8x128xi32, #tpu.memory_space<hbm>> -> memref<8x128xi32, #tpu.memory_space<hbm>>
        tpu.enqueue_dma source(%dma_start3A_204 : memref<8x128xi32, #tpu.memory_space<hbm>>) target(%arg8 : memref<8x128xi32, #tpu.memory_space<vmem>>) target_semaphore(%run_scoped3A_196 : memref<!tpu.dma_semaphore, #tpu.memory_space<semaphore_mem>>)
        %dma_wait3A_205 = arith.constant 0 : i32
        %dma_wait3A_206 = arith.constant 0 : i32
        %dma_wait3A_207 = tpu.memref_slice %arg4[%add3A_50, %dma_wait3A_205, %dma_wait3A_206] : memref<320x8x128xi32, #tpu.memory_space<hbm>> -> memref<1x8x128xi32, #tpu.memory_space<hbm>>
        %dma_wait3A_208 = tpu.memref_squeeze %dma_wait3A_207 : memref<1x8x128xi32, #tpu.memory_space<hbm>> -> memref<8x128xi32, #tpu.memory_space<hbm>>
        %dma_wait3A_209 = arith.constant 0 : i32
        %dma_wait3A_210 = arith.constant 0 : i32
        %dma_wait3A_211 = tpu.memref_slice %arg4[%add3A_50, %dma_wait3A_209, %dma_wait3A_210] : memref<320x8x128xi32, #tpu.memory_space<hbm>> -> memref<1x8x128xi32, #tpu.memory_space<hbm>>
        %dma_wait3A_212 = tpu.memref_squeeze %dma_wait3A_211 : memref<1x8x128xi32, #tpu.memory_space<hbm>> -> memref<8x128xi32, #tpu.memory_space<hbm>>
        tpu.wait_dma2 semaphore(%run_scoped3A_196 : memref<!tpu.dma_semaphore, #tpu.memory_space<semaphore_mem>>) src(%dma_wait3A_212 : memref<8x128xi32, #tpu.memory_space<hbm>>) dst(%arg8 : memref<8x128xi32, #tpu.memory_space<vmem>>)
        tpu.yield
      }) : () -> ()
      %mul3A_51 = arith.constant 8 : i32
      %mul3A_52 = arith.muli %while3A_49, %mul3A_51 : i32
      %add3A_53 = arith.constant 0 : i32
      %add3A_54 = arith.addi %mul3A_52, %add3A_53 : i32
      %dma_wait3A = arith.constant 0 : i32
      %dma_wait3A_55 = tpu.memref_slice %arg7[%add3A_54, %dma_wait3A] : memref<80x128xi32, #tpu.memory_space<vmem>> -> memref<1x128xi32, #tpu.memory_space<vmem>>
      %dma_wait3A_56 = tpu.memref_squeeze %dma_wait3A_55 : memref<1x128xi32, #tpu.memory_space<vmem>> -> memref<128xi32, #tpu.memory_space<vmem>>
      %dma_wait3A_57 = arith.constant 0 : i32
      %dma_wait3A_58 = arith.constant 0 : i32
      %dma_wait3A_59 = tpu.memref_slice %arg2[%dma_wait3A_57, %dma_wait3A_58] : memref<10000x128xf32, #tpu.memory_space<hbm>> -> memref<10000x128xf32, #tpu.memory_space<hbm>>
      tpu.wait_indirect_dma semaphore(%arg12 : memref<!tpu.dma_semaphore, #tpu.memory_space<semaphore_mem>>) src(%dma_wait3A_59 : memref<10000x128xf32, #tpu.memory_space<hbm>>) dst(%arg9 : memref<128x128xf32, #tpu.memory_space<vmem>>)
      %add3A_60 = arith.constant 1 : i32
      %add3A_61 = arith.addi %add3A_54, %add3A_60 : i32
      %dma_start3A_62 = arith.constant 0 : i32
      %dma_start3A_63 = tpu.memref_slice %arg7[%add3A_61, %dma_start3A_62] : memref<80x128xi32, #tpu.memory_space<vmem>> -> memref<1x128xi32, #tpu.memory_space<vmem>>
      %dma_start3A_64 = tpu.memref_squeeze %dma_start3A_63 : memref<1x128xi32, #tpu.memory_space<vmem>> -> memref<128xi32, #tpu.memory_space<vmem>>
      %dma_start3A_65 = arith.constant 0 : i32
      %dma_start3A_66 = arith.constant 0 : i32
      %dma_start3A_67 = tpu.memref_slice %arg2[%dma_start3A_65, %dma_start3A_66] : memref<10000x128xf32, #tpu.memory_space<hbm>> -> memref<10000x128xf32, #tpu.memory_space<hbm>>
      tpu.enqueue_indirect_dma source(%dma_start3A_67 : memref<10000x128xf32, #tpu.memory_space<hbm>>) target(%arg10 : memref<128x128xf32, #tpu.memory_space<vmem>>) offsets(%dma_start3A_64 : memref<128xi32, #tpu.memory_space<vmem>>) semaphore(%arg13 : memref<!tpu.dma_semaphore, #tpu.memory_space<semaphore_mem>>)
      %run_scoped3A = arith.constant 0 : i32
      "tpu.region"() ({
        %run_scoped3A_196 = tpu.sem_alloc : memref<!tpu.dma_semaphore, #tpu.memory_space<semaphore_mem>>
        %dma_start3A_197 = arith.constant 0 : i32
        %dma_start3A_198 = tpu.memref_slice %arg8[%run_scoped3A, %dma_start3A_197] : memref<8x128xi32, #tpu.memory_space<vmem>> -> memref<1x128xi32, #tpu.memory_space<vmem>>
        %dma_start3A_199 = tpu.memref_squeeze %dma_start3A_198 : memref<1x128xi32, #tpu.memory_space<vmem>> -> memref<128xi32, #tpu.memory_space<vmem>>
        %dma_start3A_200 = arith.constant 0 : i32
        %dma_start3A_201 = arith.constant 0 : i32
        %dma_start3A_202 = tpu.memref_slice %arg11[%dma_start3A_200, %dma_start3A_201] : memref<10240x128xf32, #tpu.memory_space<vmem_shared>> -> memref<10240x128xf32, #tpu.memory_space<vmem_shared>>
        tpu.enqueue_indirect_dma source(%arg9 : memref<128x128xf32, #tpu.memory_space<vmem>>) target(%dma_start3A_202 : memref<10240x128xf32, #tpu.memory_space<vmem_shared>>) offsets(%dma_start3A_199 : memref<128xi32, #tpu.memory_space<vmem>>) semaphore(%run_scoped3A_196 : memref<!tpu.dma_semaphore, #tpu.memory_space<semaphore_mem>>) {add = true}
        %dma_wait3A_203 = arith.constant 0 : i32
        %dma_wait3A_204 = tpu.memref_slice %arg8[%run_scoped3A, %dma_wait3A_203] : memref<8x128xi32, #tpu.memory_space<vmem>> -> memref<1x128xi32, #tpu.memory_space<vmem>>
        %dma_wait3A_205 = tpu.memref_squeeze %dma_wait3A_204 : memref<1x128xi32, #tpu.memory_space<vmem>> -> memref<128xi32, #tpu.memory_space<vmem>>
        %dma_wait3A_206 = arith.constant 0 : i32
        %dma_wait3A_207 = arith.constant 0 : i32
        %dma_wait3A_208 = tpu.memref_slice %arg11[%dma_wait3A_206, %dma_wait3A_207] : memref<10240x128xf32, #tpu.memory_space<vmem_shared>> -> memref<10240x128xf32, #tpu.memory_space<vmem_shared>>
        tpu.wait_indirect_dma semaphore(%run_scoped3A_196 : memref<!tpu.dma_semaphore, #tpu.memory_space<semaphore_mem>>) src(%arg9 : memref<128x128xf32, #tpu.memory_space<vmem>>) dst(%dma_wait3A_208 : memref<10240x128xf32, #tpu.memory_space<vmem_shared>>)
        tpu.yield
      }) : () -> ()
      %mul3A_68 = arith.constant 8 : i32
      %mul3A_69 = arith.muli %while3A_49, %mul3A_68 : i32
      %add3A_70 = arith.constant 1 : i32
      %add3A_71 = arith.addi %mul3A_69, %add3A_70 : i32
      %dma_wait3A_72 = arith.constant 0 : i32
      %dma_wait3A_73 = tpu.memref_slice %arg7[%add3A_71, %dma_wait3A_72] : memref<80x128xi32, #tpu.memory_space<vmem>> -> memref<1x128xi32, #tpu.memory_space<vmem>>
      %dma_wait3A_74 = tpu.memref_squeeze %dma_wait3A_73 : memref<1x128xi32, #tpu.memory_space<vmem>> -> memref<128xi32, #tpu.memory_space<vmem>>
      %dma_wait3A_75 = arith.constant 0 : i32
      %dma_wait3A_76 = arith.constant 0 : i32
      %dma_wait3A_77 = tpu.memref_slice %arg2[%dma_wait3A_75, %dma_wait3A_76] : memref<10000x128xf32, #tpu.memory_space<hbm>> -> memref<10000x128xf32, #tpu.memory_space<hbm>>
      tpu.wait_indirect_dma semaphore(%arg13 : memref<!tpu.dma_semaphore, #tpu.memory_space<semaphore_mem>>) src(%dma_wait3A_77 : memref<10000x128xf32, #tpu.memory_space<hbm>>) dst(%arg10 : memref<128x128xf32, #tpu.memory_space<vmem>>)
      %add3A_78 = arith.constant 1 : i32
      %add3A_79 = arith.addi %add3A_71, %add3A_78 : i32
      %dma_start3A_80 = arith.constant 0 : i32
      %dma_start3A_81 = tpu.memref_slice %arg7[%add3A_79, %dma_start3A_80] : memref<80x128xi32, #tpu.memory_space<vmem>> -> memref<1x128xi32, #tpu.memory_space<vmem>>
      %dma_start3A_82 = tpu.memref_squeeze %dma_start3A_81 : memref<1x128xi32, #tpu.memory_space<vmem>> -> memref<128xi32, #tpu.memory_space<vmem>>
      %dma_start3A_83 = arith.constant 0 : i32
      %dma_start3A_84 = arith.constant 0 : i32
      %dma_start3A_85 = tpu.memref_slice %arg2[%dma_start3A_83, %dma_start3A_84] : memref<10000x128xf32, #tpu.memory_space<hbm>> -> memref<10000x128xf32, #tpu.memory_space<hbm>>
      tpu.enqueue_indirect_dma source(%dma_start3A_85 : memref<10000x128xf32, #tpu.memory_space<hbm>>) target(%arg9 : memref<128x128xf32, #tpu.memory_space<vmem>>) offsets(%dma_start3A_82 : memref<128xi32, #tpu.memory_space<vmem>>) semaphore(%arg12 : memref<!tpu.dma_semaphore, #tpu.memory_space<semaphore_mem>>)
      %run_scoped3A_86 = arith.constant 1 : i32
      "tpu.region"() ({
        %run_scoped3A_196 = tpu.sem_alloc : memref<!tpu.dma_semaphore, #tpu.memory_space<semaphore_mem>>
        %dma_start3A_197 = arith.constant 0 : i32
        %dma_start3A_198 = tpu.memref_slice %arg8[%run_scoped3A_86, %dma_start3A_197] : memref<8x128xi32, #tpu.memory_space<vmem>> -> memref<1x128xi32, #tpu.memory_space<vmem>>
        %dma_start3A_199 = tpu.memref_squeeze %dma_start3A_198 : memref<1x128xi32, #tpu.memory_space<vmem>> -> memref<128xi32, #tpu.memory_space<vmem>>
        %dma_start3A_200 = arith.constant 0 : i32
        %dma_start3A_201 = arith.constant 0 : i32
        %dma_start3A_202 = tpu.memref_slice %arg11[%dma_start3A_200, %dma_start3A_201] : memref<10240x128xf32, #tpu.memory_space<vmem_shared>> -> memref<10240x128xf32, #tpu.memory_space<vmem_shared>>
        tpu.enqueue_indirect_dma source(%arg10 : memref<128x128xf32, #tpu.memory_space<vmem>>) target(%dma_start3A_202 : memref<10240x128xf32, #tpu.memory_space<vmem_shared>>) offsets(%dma_start3A_199 : memref<128xi32, #tpu.memory_space<vmem>>) semaphore(%run_scoped3A_196 : memref<!tpu.dma_semaphore, #tpu.memory_space<semaphore_mem>>) {add = true}
        %dma_wait3A_203 = arith.constant 0 : i32
        %dma_wait3A_204 = tpu.memref_slice %arg8[%run_scoped3A_86, %dma_wait3A_203] : memref<8x128xi32, #tpu.memory_space<vmem>> -> memref<1x128xi32, #tpu.memory_space<vmem>>
        %dma_wait3A_205 = tpu.memref_squeeze %dma_wait3A_204 : memref<1x128xi32, #tpu.memory_space<vmem>> -> memref<128xi32, #tpu.memory_space<vmem>>
        %dma_wait3A_206 = arith.constant 0 : i32
        %dma_wait3A_207 = arith.constant 0 : i32
        %dma_wait3A_208 = tpu.memref_slice %arg11[%dma_wait3A_206, %dma_wait3A_207] : memref<10240x128xf32, #tpu.memory_space<vmem_shared>> -> memref<10240x128xf32, #tpu.memory_space<vmem_shared>>
        tpu.wait_indirect_dma semaphore(%run_scoped3A_196 : memref<!tpu.dma_semaphore, #tpu.memory_space<semaphore_mem>>) src(%arg10 : memref<128x128xf32, #tpu.memory_space<vmem>>) dst(%dma_wait3A_208 : memref<10240x128xf32, #tpu.memory_space<vmem_shared>>)
        tpu.yield
      }) : () -> ()
      %mul3A_87 = arith.constant 8 : i32
      %mul3A_88 = arith.muli %while3A_49, %mul3A_87 : i32
      %add3A_89 = arith.constant 2 : i32
      %add3A_90 = arith.addi %mul3A_88, %add3A_89 : i32
      %dma_wait3A_91 = arith.constant 0 : i32
      %dma_wait3A_92 = tpu.memref_slice %arg7[%add3A_90, %dma_wait3A_91] : memref<80x128xi32, #tpu.memory_space<vmem>> -> memref<1x128xi32, #tpu.memory_space<vmem>>
      %dma_wait3A_93 = tpu.memref_squeeze %dma_wait3A_92 : memref<1x128xi32, #tpu.memory_space<vmem>> -> memref<128xi32, #tpu.memory_space<vmem>>
      %dma_wait3A_94 = arith.constant 0 : i32
      %dma_wait3A_95 = arith.constant 0 : i32
      %dma_wait3A_96 = tpu.memref_slice %arg2[%dma_wait3A_94, %dma_wait3A_95] : memref<10000x128xf32, #tpu.memory_space<hbm>> -> memref<10000x128xf32, #tpu.memory_space<hbm>>
      tpu.wait_indirect_dma semaphore(%arg12 : memref<!tpu.dma_semaphore, #tpu.memory_space<semaphore_mem>>) src(%dma_wait3A_96 : memref<10000x128xf32, #tpu.memory_space<hbm>>) dst(%arg9 : memref<128x128xf32, #tpu.memory_space<vmem>>)
      %add3A_97 = arith.constant 1 : i32
      %add3A_98 = arith.addi %add3A_90, %add3A_97 : i32
      %dma_start3A_99 = arith.constant 0 : i32
      %dma_start3A_100 = tpu.memref_slice %arg7[%add3A_98, %dma_start3A_99] : memref<80x128xi32, #tpu.memory_space<vmem>> -> memref<1x128xi32, #tpu.memory_space<vmem>>
      %dma_start3A_101 = tpu.memref_squeeze %dma_start3A_100 : memref<1x128xi32, #tpu.memory_space<vmem>> -> memref<128xi32, #tpu.memory_space<vmem>>
      %dma_start3A_102 = arith.constant 0 : i32
      %dma_start3A_103 = arith.constant 0 : i32
      %dma_start3A_104 = tpu.memref_slice %arg2[%dma_start3A_102, %dma_start3A_103] : memref<10000x128xf32, #tpu.memory_space<hbm>> -> memref<10000x128xf32, #tpu.memory_space<hbm>>
      tpu.enqueue_indirect_dma source(%dma_start3A_104 : memref<10000x128xf32, #tpu.memory_space<hbm>>) target(%arg10 : memref<128x128xf32, #tpu.memory_space<vmem>>) offsets(%dma_start3A_101 : memref<128xi32, #tpu.memory_space<vmem>>) semaphore(%arg13 : memref<!tpu.dma_semaphore, #tpu.memory_space<semaphore_mem>>)
      %run_scoped3A_105 = arith.constant 2 : i32
      "tpu.region"() ({
        %run_scoped3A_196 = tpu.sem_alloc : memref<!tpu.dma_semaphore, #tpu.memory_space<semaphore_mem>>
        %dma_start3A_197 = arith.constant 0 : i32
        %dma_start3A_198 = tpu.memref_slice %arg8[%run_scoped3A_105, %dma_start3A_197] : memref<8x128xi32, #tpu.memory_space<vmem>> -> memref<1x128xi32, #tpu.memory_space<vmem>>
        %dma_start3A_199 = tpu.memref_squeeze %dma_start3A_198 : memref<1x128xi32, #tpu.memory_space<vmem>> -> memref<128xi32, #tpu.memory_space<vmem>>
        %dma_start3A_200 = arith.constant 0 : i32
        %dma_start3A_201 = arith.constant 0 : i32
        %dma_start3A_202 = tpu.memref_slice %arg11[%dma_start3A_200, %dma_start3A_201] : memref<10240x128xf32, #tpu.memory_space<vmem_shared>> -> memref<10240x128xf32, #tpu.memory_space<vmem_shared>>
        tpu.enqueue_indirect_dma source(%arg9 : memref<128x128xf32, #tpu.memory_space<vmem>>) target(%dma_start3A_202 : memref<10240x128xf32, #tpu.memory_space<vmem_shared>>) offsets(%dma_start3A_199 : memref<128xi32, #tpu.memory_space<vmem>>) semaphore(%run_scoped3A_196 : memref<!tpu.dma_semaphore, #tpu.memory_space<semaphore_mem>>) {add = true}
        %dma_wait3A_203 = arith.constant 0 : i32
        %dma_wait3A_204 = tpu.memref_slice %arg8[%run_scoped3A_105, %dma_wait3A_203] : memref<8x128xi32, #tpu.memory_space<vmem>> -> memref<1x128xi32, #tpu.memory_space<vmem>>
        %dma_wait3A_205 = tpu.memref_squeeze %dma_wait3A_204 : memref<1x128xi32, #tpu.memory_space<vmem>> -> memref<128xi32, #tpu.memory_space<vmem>>
        %dma_wait3A_206 = arith.constant 0 : i32
        %dma_wait3A_207 = arith.constant 0 : i32
        %dma_wait3A_208 = tpu.memref_slice %arg11[%dma_wait3A_206, %dma_wait3A_207] : memref<10240x128xf32, #tpu.memory_space<vmem_shared>> -> memref<10240x128xf32, #tpu.memory_space<vmem_shared>>
        tpu.wait_indirect_dma semaphore(%run_scoped3A_196 : memref<!tpu.dma_semaphore, #tpu.memory_space<semaphore_mem>>) src(%arg9 : memref<128x128xf32, #tpu.memory_space<vmem>>) dst(%dma_wait3A_208 : memref<10240x128xf32, #tpu.memory_space<vmem_shared>>)
        tpu.yield
      }) : () -> ()
      %mul3A_106 = arith.constant 8 : i32
      %mul3A_107 = arith.muli %while3A_49, %mul3A_106 : i32
      %add3A_108 = arith.constant 3 : i32
      %add3A_109 = arith.addi %mul3A_107, %add3A_108 : i32
      %dma_wait3A_110 = arith.constant 0 : i32
      %dma_wait3A_111 = tpu.memref_slice %arg7[%add3A_109, %dma_wait3A_110] : memref<80x128xi32, #tpu.memory_space<vmem>> -> memref<1x128xi32, #tpu.memory_space<vmem>>
      %dma_wait3A_112 = tpu.memref_squeeze %dma_wait3A_111 : memref<1x128xi32, #tpu.memory_space<vmem>> -> memref<128xi32, #tpu.memory_space<vmem>>
      %dma_wait3A_113 = arith.constant 0 : i32
      %dma_wait3A_114 = arith.constant 0 : i32
      %dma_wait3A_115 = tpu.memref_slice %arg2[%dma_wait3A_113, %dma_wait3A_114] : memref<10000x128xf32, #tpu.memory_space<hbm>> -> memref<10000x128xf32, #tpu.memory_space<hbm>>
      tpu.wait_indirect_dma semaphore(%arg13 : memref<!tpu.dma_semaphore, #tpu.memory_space<semaphore_mem>>) src(%dma_wait3A_115 : memref<10000x128xf32, #tpu.memory_space<hbm>>) dst(%arg10 : memref<128x128xf32, #tpu.memory_space<vmem>>)
      %add3A_116 = arith.constant 1 : i32
      %add3A_117 = arith.addi %add3A_109, %add3A_116 : i32
      %dma_start3A_118 = arith.constant 0 : i32
      %dma_start3A_119 = tpu.memref_slice %arg7[%add3A_117, %dma_start3A_118] : memref<80x128xi32, #tpu.memory_space<vmem>> -> memref<1x128xi32, #tpu.memory_space<vmem>>
      %dma_start3A_120 = tpu.memref_squeeze %dma_start3A_119 : memref<1x128xi32, #tpu.memory_space<vmem>> -> memref<128xi32, #tpu.memory_space<vmem>>
      %dma_start3A_121 = arith.constant 0 : i32
      %dma_start3A_122 = arith.constant 0 : i32
      %dma_start3A_123 = tpu.memref_slice %arg2[%dma_start3A_121, %dma_start3A_122] : memref<10000x128xf32, #tpu.memory_space<hbm>> -> memref<10000x128xf32, #tpu.memory_space<hbm>>
      tpu.enqueue_indirect_dma source(%dma_start3A_123 : memref<10000x128xf32, #tpu.memory_space<hbm>>) target(%arg9 : memref<128x128xf32, #tpu.memory_space<vmem>>) offsets(%dma_start3A_120 : memref<128xi32, #tpu.memory_space<vmem>>) semaphore(%arg12 : memref<!tpu.dma_semaphore, #tpu.memory_space<semaphore_mem>>)
      %run_scoped3A_124 = arith.constant 3 : i32
      "tpu.region"() ({
        %run_scoped3A_196 = tpu.sem_alloc : memref<!tpu.dma_semaphore, #tpu.memory_space<semaphore_mem>>
        %dma_start3A_197 = arith.constant 0 : i32
        %dma_start3A_198 = tpu.memref_slice %arg8[%run_scoped3A_124, %dma_start3A_197] : memref<8x128xi32, #tpu.memory_space<vmem>> -> memref<1x128xi32, #tpu.memory_space<vmem>>
        %dma_start3A_199 = tpu.memref_squeeze %dma_start3A_198 : memref<1x128xi32, #tpu.memory_space<vmem>> -> memref<128xi32, #tpu.memory_space<vmem>>
        %dma_start3A_200 = arith.constant 0 : i32
        %dma_start3A_201 = arith.constant 0 : i32
        %dma_start3A_202 = tpu.memref_slice %arg11[%dma_start3A_200, %dma_start3A_201] : memref<10240x128xf32, #tpu.memory_space<vmem_shared>> -> memref<10240x128xf32, #tpu.memory_space<vmem_shared>>
        tpu.enqueue_indirect_dma source(%arg10 : memref<128x128xf32, #tpu.memory_space<vmem>>) target(%dma_start3A_202 : memref<10240x128xf32, #tpu.memory_space<vmem_shared>>) offsets(%dma_start3A_199 : memref<128xi32, #tpu.memory_space<vmem>>) semaphore(%run_scoped3A_196 : memref<!tpu.dma_semaphore, #tpu.memory_space<semaphore_mem>>) {add = true}
        %dma_wait3A_203 = arith.constant 0 : i32
        %dma_wait3A_204 = tpu.memref_slice %arg8[%run_scoped3A_124, %dma_wait3A_203] : memref<8x128xi32, #tpu.memory_space<vmem>> -> memref<1x128xi32, #tpu.memory_space<vmem>>
        %dma_wait3A_205 = tpu.memref_squeeze %dma_wait3A_204 : memref<1x128xi32, #tpu.memory_space<vmem>> -> memref<128xi32, #tpu.memory_space<vmem>>
        %dma_wait3A_206 = arith.constant 0 : i32
        %dma_wait3A_207 = arith.constant 0 : i32
        %dma_wait3A_208 = tpu.memref_slice %arg11[%dma_wait3A_206, %dma_wait3A_207] : memref<10240x128xf32, #tpu.memory_space<vmem_shared>> -> memref<10240x128xf32, #tpu.memory_space<vmem_shared>>
        tpu.wait_indirect_dma semaphore(%run_scoped3A_196 : memref<!tpu.dma_semaphore, #tpu.memory_space<semaphore_mem>>) src(%arg10 : memref<128x128xf32, #tpu.memory_space<vmem>>) dst(%dma_wait3A_208 : memref<10240x128xf32, #tpu.memory_space<vmem_shared>>)
        tpu.yield
      }) : () -> ()
      %mul3A_125 = arith.constant 8 : i32
      %mul3A_126 = arith.muli %while3A_49, %mul3A_125 : i32
      %add3A_127 = arith.constant 4 : i32
      %add3A_128 = arith.addi %mul3A_126, %add3A_127 : i32
      %dma_wait3A_129 = arith.constant 0 : i32
      %dma_wait3A_130 = tpu.memref_slice %arg7[%add3A_128, %dma_wait3A_129] : memref<80x128xi32, #tpu.memory_space<vmem>> -> memref<1x128xi32, #tpu.memory_space<vmem>>
      %dma_wait3A_131 = tpu.memref_squeeze %dma_wait3A_130 : memref<1x128xi32, #tpu.memory_space<vmem>> -> memref<128xi32, #tpu.memory_space<vmem>>
      %dma_wait3A_132 = arith.constant 0 : i32
      %dma_wait3A_133 = arith.constant 0 : i32
      %dma_wait3A_134 = tpu.memref_slice %arg2[%dma_wait3A_132, %dma_wait3A_133] : memref<10000x128xf32, #tpu.memory_space<hbm>> -> memref<10000x128xf32, #tpu.memory_space<hbm>>
      tpu.wait_indirect_dma semaphore(%arg12 : memref<!tpu.dma_semaphore, #tpu.memory_space<semaphore_mem>>) src(%dma_wait3A_134 : memref<10000x128xf32, #tpu.memory_space<hbm>>) dst(%arg9 : memref<128x128xf32, #tpu.memory_space<vmem>>)
      %add3A_135 = arith.constant 1 : i32
      %add3A_136 = arith.addi %add3A_128, %add3A_135 : i32
      %dma_start3A_137 = arith.constant 0 : i32
      %dma_start3A_138 = tpu.memref_slice %arg7[%add3A_136, %dma_start3A_137] : memref<80x128xi32, #tpu.memory_space<vmem>> -> memref<1x128xi32, #tpu.memory_space<vmem>>
      %dma_start3A_139 = tpu.memref_squeeze %dma_start3A_138 : memref<1x128xi32, #tpu.memory_space<vmem>> -> memref<128xi32, #tpu.memory_space<vmem>>
      %dma_start3A_140 = arith.constant 0 : i32
      %dma_start3A_141 = arith.constant 0 : i32
      %dma_start3A_142 = tpu.memref_slice %arg2[%dma_start3A_140, %dma_start3A_141] : memref<10000x128xf32, #tpu.memory_space<hbm>> -> memref<10000x128xf32, #tpu.memory_space<hbm>>
      tpu.enqueue_indirect_dma source(%dma_start3A_142 : memref<10000x128xf32, #tpu.memory_space<hbm>>) target(%arg10 : memref<128x128xf32, #tpu.memory_space<vmem>>) offsets(%dma_start3A_139 : memref<128xi32, #tpu.memory_space<vmem>>) semaphore(%arg13 : memref<!tpu.dma_semaphore, #tpu.memory_space<semaphore_mem>>)
      %run_scoped3A_143 = arith.constant 4 : i32
      "tpu.region"() ({
        %run_scoped3A_196 = tpu.sem_alloc : memref<!tpu.dma_semaphore, #tpu.memory_space<semaphore_mem>>
        %dma_start3A_197 = arith.constant 0 : i32
        %dma_start3A_198 = tpu.memref_slice %arg8[%run_scoped3A_143, %dma_start3A_197] : memref<8x128xi32, #tpu.memory_space<vmem>> -> memref<1x128xi32, #tpu.memory_space<vmem>>
        %dma_start3A_199 = tpu.memref_squeeze %dma_start3A_198 : memref<1x128xi32, #tpu.memory_space<vmem>> -> memref<128xi32, #tpu.memory_space<vmem>>
        %dma_start3A_200 = arith.constant 0 : i32
        %dma_start3A_201 = arith.constant 0 : i32
        %dma_start3A_202 = tpu.memref_slice %arg11[%dma_start3A_200, %dma_start3A_201] : memref<10240x128xf32, #tpu.memory_space<vmem_shared>> -> memref<10240x128xf32, #tpu.memory_space<vmem_shared>>
        tpu.enqueue_indirect_dma source(%arg9 : memref<128x128xf32, #tpu.memory_space<vmem>>) target(%dma_start3A_202 : memref<10240x128xf32, #tpu.memory_space<vmem_shared>>) offsets(%dma_start3A_199 : memref<128xi32, #tpu.memory_space<vmem>>) semaphore(%run_scoped3A_196 : memref<!tpu.dma_semaphore, #tpu.memory_space<semaphore_mem>>) {add = true}
        %dma_wait3A_203 = arith.constant 0 : i32
        %dma_wait3A_204 = tpu.memref_slice %arg8[%run_scoped3A_143, %dma_wait3A_203] : memref<8x128xi32, #tpu.memory_space<vmem>> -> memref<1x128xi32, #tpu.memory_space<vmem>>
        %dma_wait3A_205 = tpu.memref_squeeze %dma_wait3A_204 : memref<1x128xi32, #tpu.memory_space<vmem>> -> memref<128xi32, #tpu.memory_space<vmem>>
        %dma_wait3A_206 = arith.constant 0 : i32
        %dma_wait3A_207 = arith.constant 0 : i32
        %dma_wait3A_208 = tpu.memref_slice %arg11[%dma_wait3A_206, %dma_wait3A_207] : memref<10240x128xf32, #tpu.memory_space<vmem_shared>> -> memref<10240x128xf32, #tpu.memory_space<vmem_shared>>
        tpu.wait_indirect_dma semaphore(%run_scoped3A_196 : memref<!tpu.dma_semaphore, #tpu.memory_space<semaphore_mem>>) src(%arg9 : memref<128x128xf32, #tpu.memory_space<vmem>>) dst(%dma_wait3A_208 : memref<10240x128xf32, #tpu.memory_space<vmem_shared>>)
        tpu.yield
      }) : () -> ()
      %mul3A_144 = arith.constant 8 : i32
      %mul3A_145 = arith.muli %while3A_49, %mul3A_144 : i32
      %add3A_146 = arith.constant 5 : i32
      %add3A_147 = arith.addi %mul3A_145, %add3A_146 : i32
      %dma_wait3A_148 = arith.constant 0 : i32
      %dma_wait3A_149 = tpu.memref_slice %arg7[%add3A_147, %dma_wait3A_148] : memref<80x128xi32, #tpu.memory_space<vmem>> -> memref<1x128xi32, #tpu.memory_space<vmem>>
      %dma_wait3A_150 = tpu.memref_squeeze %dma_wait3A_149 : memref<1x128xi32, #tpu.memory_space<vmem>> -> memref<128xi32, #tpu.memory_space<vmem>>
      %dma_wait3A_151 = arith.constant 0 : i32
      %dma_wait3A_152 = arith.constant 0 : i32
      %dma_wait3A_153 = tpu.memref_slice %arg2[%dma_wait3A_151, %dma_wait3A_152] : memref<10000x128xf32, #tpu.memory_space<hbm>> -> memref<10000x128xf32, #tpu.memory_space<hbm>>
      tpu.wait_indirect_dma semaphore(%arg13 : memref<!tpu.dma_semaphore, #tpu.memory_space<semaphore_mem>>) src(%dma_wait3A_153 : memref<10000x128xf32, #tpu.memory_space<hbm>>) dst(%arg10 : memref<128x128xf32, #tpu.memory_space<vmem>>)
      %add3A_154 = arith.constant 1 : i32
      %add3A_155 = arith.addi %add3A_147, %add3A_154 : i32
      %dma_start3A_156 = arith.constant 0 : i32
      %dma_start3A_157 = tpu.memref_slice %arg7[%add3A_155, %dma_start3A_156] : memref<80x128xi32, #tpu.memory_space<vmem>> -> memref<1x128xi32, #tpu.memory_space<vmem>>
      %dma_start3A_158 = tpu.memref_squeeze %dma_start3A_157 : memref<1x128xi32, #tpu.memory_space<vmem>> -> memref<128xi32, #tpu.memory_space<vmem>>
      %dma_start3A_159 = arith.constant 0 : i32
      %dma_start3A_160 = arith.constant 0 : i32
      %dma_start3A_161 = tpu.memref_slice %arg2[%dma_start3A_159, %dma_start3A_160] : memref<10000x128xf32, #tpu.memory_space<hbm>> -> memref<10000x128xf32, #tpu.memory_space<hbm>>
      tpu.enqueue_indirect_dma source(%dma_start3A_161 : memref<10000x128xf32, #tpu.memory_space<hbm>>) target(%arg9 : memref<128x128xf32, #tpu.memory_space<vmem>>) offsets(%dma_start3A_158 : memref<128xi32, #tpu.memory_space<vmem>>) semaphore(%arg12 : memref<!tpu.dma_semaphore, #tpu.memory_space<semaphore_mem>>)
      %run_scoped3A_162 = arith.constant 5 : i32
      "tpu.region"() ({
        %run_scoped3A_196 = tpu.sem_alloc : memref<!tpu.dma_semaphore, #tpu.memory_space<semaphore_mem>>
        %dma_start3A_197 = arith.constant 0 : i32
        %dma_start3A_198 = tpu.memref_slice %arg8[%run_scoped3A_162, %dma_start3A_197] : memref<8x128xi32, #tpu.memory_space<vmem>> -> memref<1x128xi32, #tpu.memory_space<vmem>>
        %dma_start3A_199 = tpu.memref_squeeze %dma_start3A_198 : memref<1x128xi32, #tpu.memory_space<vmem>> -> memref<128xi32, #tpu.memory_space<vmem>>
        %dma_start3A_200 = arith.constant 0 : i32
        %dma_start3A_201 = arith.constant 0 : i32
        %dma_start3A_202 = tpu.memref_slice %arg11[%dma_start3A_200, %dma_start3A_201] : memref<10240x128xf32, #tpu.memory_space<vmem_shared>> -> memref<10240x128xf32, #tpu.memory_space<vmem_shared>>
        tpu.enqueue_indirect_dma source(%arg10 : memref<128x128xf32, #tpu.memory_space<vmem>>) target(%dma_start3A_202 : memref<10240x128xf32, #tpu.memory_space<vmem_shared>>) offsets(%dma_start3A_199 : memref<128xi32, #tpu.memory_space<vmem>>) semaphore(%run_scoped3A_196 : memref<!tpu.dma_semaphore, #tpu.memory_space<semaphore_mem>>) {add = true}
        %dma_wait3A_203 = arith.constant 0 : i32
        %dma_wait3A_204 = tpu.memref_slice %arg8[%run_scoped3A_162, %dma_wait3A_203] : memref<8x128xi32, #tpu.memory_space<vmem>> -> memref<1x128xi32, #tpu.memory_space<vmem>>
        %dma_wait3A_205 = tpu.memref_squeeze %dma_wait3A_204 : memref<1x128xi32, #tpu.memory_space<vmem>> -> memref<128xi32, #tpu.memory_space<vmem>>
        %dma_wait3A_206 = arith.constant 0 : i32
        %dma_wait3A_207 = arith.constant 0 : i32
        %dma_wait3A_208 = tpu.memref_slice %arg11[%dma_wait3A_206, %dma_wait3A_207] : memref<10240x128xf32, #tpu.memory_space<vmem_shared>> -> memref<10240x128xf32, #tpu.memory_space<vmem_shared>>
        tpu.wait_indirect_dma semaphore(%run_scoped3A_196 : memref<!tpu.dma_semaphore, #tpu.memory_space<semaphore_mem>>) src(%arg10 : memref<128x128xf32, #tpu.memory_space<vmem>>) dst(%dma_wait3A_208 : memref<10240x128xf32, #tpu.memory_space<vmem_shared>>)
        tpu.yield
      }) : () -> ()
      %mul3A_163 = arith.constant 8 : i32
      %mul3A_164 = arith.muli %while3A_49, %mul3A_163 : i32
      %add3A_165 = arith.constant 6 : i32
      %add3A_166 = arith.addi %mul3A_164, %add3A_165 : i32
      %dma_wait3A_167 = arith.constant 0 : i32
      %dma_wait3A_168 = tpu.memref_slice %arg7[%add3A_166, %dma_wait3A_167] : memref<80x128xi32, #tpu.memory_space<vmem>> -> memref<1x128xi32, #tpu.memory_space<vmem>>
      %dma_wait3A_169 = tpu.memref_squeeze %dma_wait3A_168 : memref<1x128xi32, #tpu.memory_space<vmem>> -> memref<128xi32, #tpu.memory_space<vmem>>
      %dma_wait3A_170 = arith.constant 0 : i32
      %dma_wait3A_171 = arith.constant 0 : i32
      %dma_wait3A_172 = tpu.memref_slice %arg2[%dma_wait3A_170, %dma_wait3A_171] : memref<10000x128xf32, #tpu.memory_space<hbm>> -> memref<10000x128xf32, #tpu.memory_space<hbm>>
      tpu.wait_indirect_dma semaphore(%arg12 : memref<!tpu.dma_semaphore, #tpu.memory_space<semaphore_mem>>) src(%dma_wait3A_172 : memref<10000x128xf32, #tpu.memory_space<hbm>>) dst(%arg9 : memref<128x128xf32, #tpu.memory_space<vmem>>)
      %add3A_173 = arith.constant 1 : i32
      %add3A_174 = arith.addi %add3A_166, %add3A_173 : i32
      %dma_start3A_175 = arith.constant 0 : i32
      %dma_start3A_176 = tpu.memref_slice %arg7[%add3A_174, %dma_start3A_175] : memref<80x128xi32, #tpu.memory_space<vmem>> -> memref<1x128xi32, #tpu.memory_space<vmem>>
      %dma_start3A_177 = tpu.memref_squeeze %dma_start3A_176 : memref<1x128xi32, #tpu.memory_space<vmem>> -> memref<128xi32, #tpu.memory_space<vmem>>
      %dma_start3A_178 = arith.constant 0 : i32
      %dma_start3A_179 = arith.constant 0 : i32
      %dma_start3A_180 = tpu.memref_slice %arg2[%dma_start3A_178, %dma_start3A_179] : memref<10000x128xf32, #tpu.memory_space<hbm>> -> memref<10000x128xf32, #tpu.memory_space<hbm>>
      tpu.enqueue_indirect_dma source(%dma_start3A_180 : memref<10000x128xf32, #tpu.memory_space<hbm>>) target(%arg10 : memref<128x128xf32, #tpu.memory_space<vmem>>) offsets(%dma_start3A_177 : memref<128xi32, #tpu.memory_space<vmem>>) semaphore(%arg13 : memref<!tpu.dma_semaphore, #tpu.memory_space<semaphore_mem>>)
      %run_scoped3A_181 = arith.constant 6 : i32
      "tpu.region"() ({
        %run_scoped3A_196 = tpu.sem_alloc : memref<!tpu.dma_semaphore, #tpu.memory_space<semaphore_mem>>
        %dma_start3A_197 = arith.constant 0 : i32
        %dma_start3A_198 = tpu.memref_slice %arg8[%run_scoped3A_181, %dma_start3A_197] : memref<8x128xi32, #tpu.memory_space<vmem>> -> memref<1x128xi32, #tpu.memory_space<vmem>>
        %dma_start3A_199 = tpu.memref_squeeze %dma_start3A_198 : memref<1x128xi32, #tpu.memory_space<vmem>> -> memref<128xi32, #tpu.memory_space<vmem>>
        %dma_start3A_200 = arith.constant 0 : i32
        %dma_start3A_201 = arith.constant 0 : i32
        %dma_start3A_202 = tpu.memref_slice %arg11[%dma_start3A_200, %dma_start3A_201] : memref<10240x128xf32, #tpu.memory_space<vmem_shared>> -> memref<10240x128xf32, #tpu.memory_space<vmem_shared>>
        tpu.enqueue_indirect_dma source(%arg9 : memref<128x128xf32, #tpu.memory_space<vmem>>) target(%dma_start3A_202 : memref<10240x128xf32, #tpu.memory_space<vmem_shared>>) offsets(%dma_start3A_199 : memref<128xi32, #tpu.memory_space<vmem>>) semaphore(%run_scoped3A_196 : memref<!tpu.dma_semaphore, #tpu.memory_space<semaphore_mem>>) {add = true}
        %dma_wait3A_203 = arith.constant 0 : i32
        %dma_wait3A_204 = tpu.memref_slice %arg8[%run_scoped3A_181, %dma_wait3A_203] : memref<8x128xi32, #tpu.memory_space<vmem>> -> memref<1x128xi32, #tpu.memory_space<vmem>>
        %dma_wait3A_205 = tpu.memref_squeeze %dma_wait3A_204 : memref<1x128xi32, #tpu.memory_space<vmem>> -> memref<128xi32, #tpu.memory_space<vmem>>
        %dma_wait3A_206 = arith.constant 0 : i32
        %dma_wait3A_207 = arith.constant 0 : i32
        %dma_wait3A_208 = tpu.memref_slice %arg11[%dma_wait3A_206, %dma_wait3A_207] : memref<10240x128xf32, #tpu.memory_space<vmem_shared>> -> memref<10240x128xf32, #tpu.memory_space<vmem_shared>>
        tpu.wait_indirect_dma semaphore(%run_scoped3A_196 : memref<!tpu.dma_semaphore, #tpu.memory_space<semaphore_mem>>) src(%arg9 : memref<128x128xf32, #tpu.memory_space<vmem>>) dst(%dma_wait3A_208 : memref<10240x128xf32, #tpu.memory_space<vmem_shared>>)
        tpu.yield
      }) : () -> ()
      %mul3A_182 = arith.constant 8 : i32
      %mul3A_183 = arith.muli %while3A_49, %mul3A_182 : i32
      %add3A_184 = arith.constant 7 : i32
      %add3A_185 = arith.addi %mul3A_183, %add3A_184 : i32
      %dma_wait3A_186 = arith.constant 0 : i32
      %dma_wait3A_187 = tpu.memref_slice %arg7[%add3A_185, %dma_wait3A_186] : memref<80x128xi32, #tpu.memory_space<vmem>> -> memref<1x128xi32, #tpu.memory_space<vmem>>
      %dma_wait3A_188 = tpu.memref_squeeze %dma_wait3A_187 : memref<1x128xi32, #tpu.memory_space<vmem>> -> memref<128xi32, #tpu.memory_space<vmem>>
      %dma_wait3A_189 = arith.constant 0 : i32
      %dma_wait3A_190 = arith.constant 0 : i32
      %dma_wait3A_191 = tpu.memref_slice %arg2[%dma_wait3A_189, %dma_wait3A_190] : memref<10000x128xf32, #tpu.memory_space<hbm>> -> memref<10000x128xf32, #tpu.memory_space<hbm>>
      tpu.wait_indirect_dma semaphore(%arg13 : memref<!tpu.dma_semaphore, #tpu.memory_space<semaphore_mem>>) src(%dma_wait3A_191 : memref<10000x128xf32, #tpu.memory_space<hbm>>) dst(%arg10 : memref<128x128xf32, #tpu.memory_space<vmem>>)
      %sub3A_192 = arith.constant 1 : i32
      %sub3A_193 = arith.subi %select_n3A_26, %sub3A_192 : i32
      %lt3A = arith.cmpi slt, %while3A_49, %sub3A_193 : i32
      %convert_element_type3A = arith.extui %lt3A : i1 to i32
      %cond3A = arith.constant 0 : i32
      %cond3A_194 = arith.cmpi ne, %convert_element_type3A, %cond3A : i32
      scf.if %cond3A_194 {
        %add3A_196 = arith.constant 1 : i32
        %add3A_197 = arith.addi %add3A_185, %add3A_196 : i32
        %dma_start3A_198 = arith.constant 0 : i32
        %dma_start3A_199 = tpu.memref_slice %arg7[%add3A_197, %dma_start3A_198] : memref<80x128xi32, #tpu.memory_space<vmem>> -> memref<1x128xi32, #tpu.memory_space<vmem>>
        %dma_start3A_200 = tpu.memref_squeeze %dma_start3A_199 : memref<1x128xi32, #tpu.memory_space<vmem>> -> memref<128xi32, #tpu.memory_space<vmem>>
        %dma_start3A_201 = arith.constant 0 : i32
        %dma_start3A_202 = arith.constant 0 : i32
        %dma_start3A_203 = tpu.memref_slice %arg2[%dma_start3A_201, %dma_start3A_202] : memref<10000x128xf32, #tpu.memory_space<hbm>> -> memref<10000x128xf32, #tpu.memory_space<hbm>>
        tpu.enqueue_indirect_dma source(%dma_start3A_203 : memref<10000x128xf32, #tpu.memory_space<hbm>>) target(%arg9 : memref<128x128xf32, #tpu.memory_space<vmem>>) offsets(%dma_start3A_200 : memref<128xi32, #tpu.memory_space<vmem>>) semaphore(%arg12 : memref<!tpu.dma_semaphore, #tpu.memory_space<semaphore_mem>>)
      } else {
      }
      %run_scoped3A_195 = arith.constant 7 : i32
      "tpu.region"() ({
        %run_scoped3A_196 = tpu.sem_alloc : memref<!tpu.dma_semaphore, #tpu.memory_space<semaphore_mem>>
        %dma_start3A_197 = arith.constant 0 : i32
        %dma_start3A_198 = tpu.memref_slice %arg8[%run_scoped3A_195, %dma_start3A_197] : memref<8x128xi32, #tpu.memory_space<vmem>> -> memref<1x128xi32, #tpu.memory_space<vmem>>
        %dma_start3A_199 = tpu.memref_squeeze %dma_start3A_198 : memref<1x128xi32, #tpu.memory_space<vmem>> -> memref<128xi32, #tpu.memory_space<vmem>>
        %dma_start3A_200 = arith.constant 0 : i32
        %dma_start3A_201 = arith.constant 0 : i32
        %dma_start3A_202 = tpu.memref_slice %arg11[%dma_start3A_200, %dma_start3A_201] : memref<10240x128xf32, #tpu.memory_space<vmem_shared>> -> memref<10240x128xf32, #tpu.memory_space<vmem_shared>>
        tpu.enqueue_indirect_dma source(%arg10 : memref<128x128xf32, #tpu.memory_space<vmem>>) target(%dma_start3A_202 : memref<10240x128xf32, #tpu.memory_space<vmem_shared>>) offsets(%dma_start3A_199 : memref<128xi32, #tpu.memory_space<vmem>>) semaphore(%run_scoped3A_196 : memref<!tpu.dma_semaphore, #tpu.memory_space<semaphore_mem>>) {add = true}
        %dma_wait3A_203 = arith.constant 0 : i32
        %dma_wait3A_204 = tpu.memref_slice %arg8[%run_scoped3A_195, %dma_wait3A_203] : memref<8x128xi32, #tpu.memory_space<vmem>> -> memref<1x128xi32, #tpu.memory_space<vmem>>
        %dma_wait3A_205 = tpu.memref_squeeze %dma_wait3A_204 : memref<1x128xi32, #tpu.memory_space<vmem>> -> memref<128xi32, #tpu.memory_space<vmem>>
        %dma_wait3A_206 = arith.constant 0 : i32
        %dma_wait3A_207 = arith.constant 0 : i32
        %dma_wait3A_208 = tpu.memref_slice %arg11[%dma_wait3A_206, %dma_wait3A_207] : memref<10240x128xf32, #tpu.memory_space<vmem_shared>> -> memref<10240x128xf32, #tpu.memory_space<vmem_shared>>
        tpu.wait_indirect_dma semaphore(%run_scoped3A_196 : memref<!tpu.dma_semaphore, #tpu.memory_space<semaphore_mem>>) src(%arg10 : memref<128x128xf32, #tpu.memory_space<vmem>>) dst(%dma_wait3A_208 : memref<10240x128xf32, #tpu.memory_space<vmem_shared>>)
        tpu.yield
      }) : () -> ()
    }
    %while3A_43 = arith.constant 1 : i32
    scf.for %while3A_49 = %while3A_41 to %while3A_37 step %while3A_43  : i32 {
      %add3A_50 = arith.addi %select_n3A_21, %while3A_49 : i32
      "tpu.region"() ({
        %run_scoped3A_196 = tpu.sem_alloc : memref<!tpu.dma_semaphore, #tpu.memory_space<semaphore_mem>>
        %dma_start3A_197 = arith.constant 0 : i32
        %dma_start3A_198 = arith.constant 0 : i32
        %dma_start3A_199 = tpu.memref_slice %arg4[%add3A_50, %dma_start3A_197, %dma_start3A_198] : memref<320x8x128xi32, #tpu.memory_space<hbm>> -> memref<1x8x128xi32, #tpu.memory_space<hbm>>
        %dma_start3A_200 = tpu.memref_squeeze %dma_start3A_199 : memref<1x8x128xi32, #tpu.memory_space<hbm>> -> memref<8x128xi32, #tpu.memory_space<hbm>>
        %dma_start3A_201 = arith.constant 0 : i32
        %dma_start3A_202 = arith.constant 0 : i32
        %dma_start3A_203 = tpu.memref_slice %arg4[%add3A_50, %dma_start3A_201, %dma_start3A_202] : memref<320x8x128xi32, #tpu.memory_space<hbm>> -> memref<1x8x128xi32, #tpu.memory_space<hbm>>
        %dma_start3A_204 = tpu.memref_squeeze %dma_start3A_203 : memref<1x8x128xi32, #tpu.memory_space<hbm>> -> memref<8x128xi32, #tpu.memory_space<hbm>>
        tpu.enqueue_dma source(%dma_start3A_204 : memref<8x128xi32, #tpu.memory_space<hbm>>) target(%arg8 : memref<8x128xi32, #tpu.memory_space<vmem>>) target_semaphore(%run_scoped3A_196 : memref<!tpu.dma_semaphore, #tpu.memory_space<semaphore_mem>>)
        %dma_wait3A_205 = arith.constant 0 : i32
        %dma_wait3A_206 = arith.constant 0 : i32
        %dma_wait3A_207 = tpu.memref_slice %arg4[%add3A_50, %dma_wait3A_205, %dma_wait3A_206] : memref<320x8x128xi32, #tpu.memory_space<hbm>> -> memref<1x8x128xi32, #tpu.memory_space<hbm>>
        %dma_wait3A_208 = tpu.memref_squeeze %dma_wait3A_207 : memref<1x8x128xi32, #tpu.memory_space<hbm>> -> memref<8x128xi32, #tpu.memory_space<hbm>>
        %dma_wait3A_209 = arith.constant 0 : i32
        %dma_wait3A_210 = arith.constant 0 : i32
        %dma_wait3A_211 = tpu.memref_slice %arg4[%add3A_50, %dma_wait3A_209, %dma_wait3A_210] : memref<320x8x128xi32, #tpu.memory_space<hbm>> -> memref<1x8x128xi32, #tpu.memory_space<hbm>>
        %dma_wait3A_212 = tpu.memref_squeeze %dma_wait3A_211 : memref<1x8x128xi32, #tpu.memory_space<hbm>> -> memref<8x128xi32, #tpu.memory_space<hbm>>
        tpu.wait_dma2 semaphore(%run_scoped3A_196 : memref<!tpu.dma_semaphore, #tpu.memory_space<semaphore_mem>>) src(%dma_wait3A_212 : memref<8x128xi32, #tpu.memory_space<hbm>>) dst(%arg8 : memref<8x128xi32, #tpu.memory_space<vmem>>)
        tpu.yield
      }) : () -> ()
      %mul3A_51 = arith.constant 8 : i32
      %mul3A_52 = arith.muli %while3A_49, %mul3A_51 : i32
      %add3A_53 = arith.constant 0 : i32
      %add3A_54 = arith.addi %mul3A_52, %add3A_53 : i32
      %dma_wait3A = arith.constant 0 : i32
      %dma_wait3A_55 = tpu.memref_slice %arg7[%add3A_54, %dma_wait3A] : memref<80x128xi32, #tpu.memory_space<vmem>> -> memref<1x128xi32, #tpu.memory_space<vmem>>
      %dma_wait3A_56 = tpu.memref_squeeze %dma_wait3A_55 : memref<1x128xi32, #tpu.memory_space<vmem>> -> memref<128xi32, #tpu.memory_space<vmem>>
      %dma_wait3A_57 = arith.constant 0 : i32
      %dma_wait3A_58 = arith.constant 0 : i32
      %dma_wait3A_59 = tpu.memref_slice %arg2[%dma_wait3A_57, %dma_wait3A_58] : memref<10000x128xf32, #tpu.memory_space<hbm>> -> memref<10000x128xf32, #tpu.memory_space<hbm>>
      tpu.wait_indirect_dma semaphore(%arg12 : memref<!tpu.dma_semaphore, #tpu.memory_space<semaphore_mem>>) src(%dma_wait3A_59 : memref<10000x128xf32, #tpu.memory_space<hbm>>) dst(%arg9 : memref<128x128xf32, #tpu.memory_space<vmem>>)
      %add3A_60 = arith.constant 1 : i32
      %add3A_61 = arith.addi %add3A_54, %add3A_60 : i32
      %dma_start3A_62 = arith.constant 0 : i32
      %dma_start3A_63 = tpu.memref_slice %arg7[%add3A_61, %dma_start3A_62] : memref<80x128xi32, #tpu.memory_space<vmem>> -> memref<1x128xi32, #tpu.memory_space<vmem>>
      %dma_start3A_64 = tpu.memref_squeeze %dma_start3A_63 : memref<1x128xi32, #tpu.memory_space<vmem>> -> memref<128xi32, #tpu.memory_space<vmem>>
      %dma_start3A_65 = arith.constant 0 : i32
      %dma_start3A_66 = arith.constant 0 : i32
      %dma_start3A_67 = tpu.memref_slice %arg2[%dma_start3A_65, %dma_start3A_66] : memref<10000x128xf32, #tpu.memory_space<hbm>> -> memref<10000x128xf32, #tpu.memory_space<hbm>>
      tpu.enqueue_indirect_dma source(%dma_start3A_67 : memref<10000x128xf32, #tpu.memory_space<hbm>>) target(%arg10 : memref<128x128xf32, #tpu.memory_space<vmem>>) offsets(%dma_start3A_64 : memref<128xi32, #tpu.memory_space<vmem>>) semaphore(%arg13 : memref<!tpu.dma_semaphore, #tpu.memory_space<semaphore_mem>>)
      %run_scoped3A = arith.constant 0 : i32
      "tpu.region"() ({
        %run_scoped3A_196 = tpu.sem_alloc : memref<!tpu.dma_semaphore, #tpu.memory_space<semaphore_mem>>
        %dma_start3A_197 = arith.constant 0 : i32
        %dma_start3A_198 = tpu.memref_slice %arg8[%run_scoped3A, %dma_start3A_197] : memref<8x128xi32, #tpu.memory_space<vmem>> -> memref<1x128xi32, #tpu.memory_space<vmem>>
        %dma_start3A_199 = tpu.memref_squeeze %dma_start3A_198 : memref<1x128xi32, #tpu.memory_space<vmem>> -> memref<128xi32, #tpu.memory_space<vmem>>
        %dma_start3A_200 = arith.constant 0 : i32
        %dma_start3A_201 = arith.constant 0 : i32
        %dma_start3A_202 = tpu.memref_slice %arg11[%dma_start3A_200, %dma_start3A_201] : memref<10240x128xf32, #tpu.memory_space<vmem_shared>> -> memref<10240x128xf32, #tpu.memory_space<vmem_shared>>
        tpu.enqueue_indirect_dma source(%arg9 : memref<128x128xf32, #tpu.memory_space<vmem>>) target(%dma_start3A_202 : memref<10240x128xf32, #tpu.memory_space<vmem_shared>>) offsets(%dma_start3A_199 : memref<128xi32, #tpu.memory_space<vmem>>) semaphore(%run_scoped3A_196 : memref<!tpu.dma_semaphore, #tpu.memory_space<semaphore_mem>>) {add = true}
        %dma_wait3A_203 = arith.constant 0 : i32
        %dma_wait3A_204 = tpu.memref_slice %arg8[%run_scoped3A, %dma_wait3A_203] : memref<8x128xi32, #tpu.memory_space<vmem>> -> memref<1x128xi32, #tpu.memory_space<vmem>>
        %dma_wait3A_205 = tpu.memref_squeeze %dma_wait3A_204 : memref<1x128xi32, #tpu.memory_space<vmem>> -> memref<128xi32, #tpu.memory_space<vmem>>
        %dma_wait3A_206 = arith.constant 0 : i32
        %dma_wait3A_207 = arith.constant 0 : i32
        %dma_wait3A_208 = tpu.memref_slice %arg11[%dma_wait3A_206, %dma_wait3A_207] : memref<10240x128xf32, #tpu.memory_space<vmem_shared>> -> memref<10240x128xf32, #tpu.memory_space<vmem_shared>>
        tpu.wait_indirect_dma semaphore(%run_scoped3A_196 : memref<!tpu.dma_semaphore, #tpu.memory_space<semaphore_mem>>) src(%arg9 : memref<128x128xf32, #tpu.memory_space<vmem>>) dst(%dma_wait3A_208 : memref<10240x128xf32, #tpu.memory_space<vmem_shared>>)
        tpu.yield
      }) : () -> ()
      %mul3A_68 = arith.constant 8 : i32
      %mul3A_69 = arith.muli %while3A_49, %mul3A_68 : i32
      %add3A_70 = arith.constant 1 : i32
      %add3A_71 = arith.addi %mul3A_69, %add3A_70 : i32
      %dma_wait3A_72 = arith.constant 0 : i32
      %dma_wait3A_73 = tpu.memref_slice %arg7[%add3A_71, %dma_wait3A_72] : memref<80x128xi32, #tpu.memory_space<vmem>> -> memref<1x128xi32, #tpu.memory_space<vmem>>
      %dma_wait3A_74 = tpu.memref_squeeze %dma_wait3A_73 : memref<1x128xi32, #tpu.memory_space<vmem>> -> memref<128xi32, #tpu.memory_space<vmem>>
      %dma_wait3A_75 = arith.constant 0 : i32
      %dma_wait3A_76 = arith.constant 0 : i32
      %dma_wait3A_77 = tpu.memref_slice %arg2[%dma_wait3A_75, %dma_wait3A_76] : memref<10000x128xf32, #tpu.memory_space<hbm>> -> memref<10000x128xf32, #tpu.memory_space<hbm>>
      tpu.wait_indirect_dma semaphore(%arg13 : memref<!tpu.dma_semaphore, #tpu.memory_space<semaphore_mem>>) src(%dma_wait3A_77 : memref<10000x128xf32, #tpu.memory_space<hbm>>) dst(%arg10 : memref<128x128xf32, #tpu.memory_space<vmem>>)
      %add3A_78 = arith.constant 1 : i32
      %add3A_79 = arith.addi %add3A_71, %add3A_78 : i32
      %dma_start3A_80 = arith.constant 0 : i32
      %dma_start3A_81 = tpu.memref_slice %arg7[%add3A_79, %dma_start3A_80] : memref<80x128xi32, #tpu.memory_space<vmem>> -> memref<1x128xi32, #tpu.memory_space<vmem>>
      %dma_start3A_82 = tpu.memref_squeeze %dma_start3A_81 : memref<1x128xi32, #tpu.memory_space<vmem>> -> memref<128xi32, #tpu.memory_space<vmem>>
      %dma_start3A_83 = arith.constant 0 : i32
      %dma_start3A_84 = arith.constant 0 : i32
      %dma_start3A_85 = tpu.memref_slice %arg2[%dma_start3A_83, %dma_start3A_84] : memref<10000x128xf32, #tpu.memory_space<hbm>> -> memref<10000x128xf32, #tpu.memory_space<hbm>>
      tpu.enqueue_indirect_dma source(%dma_start3A_85 : memref<10000x128xf32, #tpu.memory_space<hbm>>) target(%arg9 : memref<128x128xf32, #tpu.memory_space<vmem>>) offsets(%dma_start3A_82 : memref<128xi32, #tpu.memory_space<vmem>>) semaphore(%arg12 : memref<!tpu.dma_semaphore, #tpu.memory_space<semaphore_mem>>)
      %run_scoped3A_86 = arith.constant 1 : i32
      "tpu.region"() ({
        %run_scoped3A_196 = tpu.sem_alloc : memref<!tpu.dma_semaphore, #tpu.memory_space<semaphore_mem>>
        %dma_start3A_197 = arith.constant 0 : i32
        %dma_start3A_198 = tpu.memref_slice %arg8[%run_scoped3A_86, %dma_start3A_197] : memref<8x128xi32, #tpu.memory_space<vmem>> -> memref<1x128xi32, #tpu.memory_space<vmem>>
        %dma_start3A_199 = tpu.memref_squeeze %dma_start3A_198 : memref<1x128xi32, #tpu.memory_space<vmem>> -> memref<128xi32, #tpu.memory_space<vmem>>
        %dma_start3A_200 = arith.constant 0 : i32
        %dma_start3A_201 = arith.constant 0 : i32
        %dma_start3A_202 = tpu.memref_slice %arg11[%dma_start3A_200, %dma_start3A_201] : memref<10240x128xf32, #tpu.memory_space<vmem_shared>> -> memref<10240x128xf32, #tpu.memory_space<vmem_shared>>
        tpu.enqueue_indirect_dma source(%arg10 : memref<128x128xf32, #tpu.memory_space<vmem>>) target(%dma_start3A_202 : memref<10240x128xf32, #tpu.memory_space<vmem_shared>>) offsets(%dma_start3A_199 : memref<128xi32, #tpu.memory_space<vmem>>) semaphore(%run_scoped3A_196 : memref<!tpu.dma_semaphore, #tpu.memory_space<semaphore_mem>>) {add = true}
        %dma_wait3A_203 = arith.constant 0 : i32
        %dma_wait3A_204 = tpu.memref_slice %arg8[%run_scoped3A_86, %dma_wait3A_203] : memref<8x128xi32, #tpu.memory_space<vmem>> -> memref<1x128xi32, #tpu.memory_space<vmem>>
        %dma_wait3A_205 = tpu.memref_squeeze %dma_wait3A_204 : memref<1x128xi32, #tpu.memory_space<vmem>> -> memref<128xi32, #tpu.memory_space<vmem>>
        %dma_wait3A_206 = arith.constant 0 : i32
        %dma_wait3A_207 = arith.constant 0 : i32
        %dma_wait3A_208 = tpu.memref_slice %arg11[%dma_wait3A_206, %dma_wait3A_207] : memref<10240x128xf32, #tpu.memory_space<vmem_shared>> -> memref<10240x128xf32, #tpu.memory_space<vmem_shared>>
        tpu.wait_indirect_dma semaphore(%run_scoped3A_196 : memref<!tpu.dma_semaphore, #tpu.memory_space<semaphore_mem>>) src(%arg10 : memref<128x128xf32, #tpu.memory_space<vmem>>) dst(%dma_wait3A_208 : memref<10240x128xf32, #tpu.memory_space<vmem_shared>>)
        tpu.yield
      }) : () -> ()
      %mul3A_87 = arith.constant 8 : i32
      %mul3A_88 = arith.muli %while3A_49, %mul3A_87 : i32
      %add3A_89 = arith.constant 2 : i32
      %add3A_90 = arith.addi %mul3A_88, %add3A_89 : i32
      %dma_wait3A_91 = arith.constant 0 : i32
      %dma_wait3A_92 = tpu.memref_slice %arg7[%add3A_90, %dma_wait3A_91] : memref<80x128xi32, #tpu.memory_space<vmem>> -> memref<1x128xi32, #tpu.memory_space<vmem>>
      %dma_wait3A_93 = tpu.memref_squeeze %dma_wait3A_92 : memref<1x128xi32, #tpu.memory_space<vmem>> -> memref<128xi32, #tpu.memory_space<vmem>>
      %dma_wait3A_94 = arith.constant 0 : i32
      %dma_wait3A_95 = arith.constant 0 : i32
      %dma_wait3A_96 = tpu.memref_slice %arg2[%dma_wait3A_94, %dma_wait3A_95] : memref<10000x128xf32, #tpu.memory_space<hbm>> -> memref<10000x128xf32, #tpu.memory_space<hbm>>
      tpu.wait_indirect_dma semaphore(%arg12 : memref<!tpu.dma_semaphore, #tpu.memory_space<semaphore_mem>>) src(%dma_wait3A_96 : memref<10000x128xf32, #tpu.memory_space<hbm>>) dst(%arg9 : memref<128x128xf32, #tpu.memory_space<vmem>>)
      %add3A_97 = arith.constant 1 : i32
      %add3A_98 = arith.addi %add3A_90, %add3A_97 : i32
      %dma_start3A_99 = arith.constant 0 : i32
      %dma_start3A_100 = tpu.memref_slice %arg7[%add3A_98, %dma_start3A_99] : memref<80x128xi32, #tpu.memory_space<vmem>> -> memref<1x128xi32, #tpu.memory_space<vmem>>
      %dma_start3A_101 = tpu.memref_squeeze %dma_start3A_100 : memref<1x128xi32, #tpu.memory_space<vmem>> -> memref<128xi32, #tpu.memory_space<vmem>>
      %dma_start3A_102 = arith.constant 0 : i32
      %dma_start3A_103 = arith.constant 0 : i32
      %dma_start3A_104 = tpu.memref_slice %arg2[%dma_start3A_102, %dma_start3A_103] : memref<10000x128xf32, #tpu.memory_space<hbm>> -> memref<10000x128xf32, #tpu.memory_space<hbm>>
      tpu.enqueue_indirect_dma source(%dma_start3A_104 : memref<10000x128xf32, #tpu.memory_space<hbm>>) target(%arg10 : memref<128x128xf32, #tpu.memory_space<vmem>>) offsets(%dma_start3A_101 : memref<128xi32, #tpu.memory_space<vmem>>) semaphore(%arg13 : memref<!tpu.dma_semaphore, #tpu.memory_space<semaphore_mem>>)
      %run_scoped3A_105 = arith.constant 2 : i32
      "tpu.region"() ({
        %run_scoped3A_196 = tpu.sem_alloc : memref<!tpu.dma_semaphore, #tpu.memory_space<semaphore_mem>>
        %dma_start3A_197 = arith.constant 0 : i32
        %dma_start3A_198 = tpu.memref_slice %arg8[%run_scoped3A_105, %dma_start3A_197] : memref<8x128xi32, #tpu.memory_space<vmem>> -> memref<1x128xi32, #tpu.memory_space<vmem>>
        %dma_start3A_199 = tpu.memref_squeeze %dma_start3A_198 : memref<1x128xi32, #tpu.memory_space<vmem>> -> memref<128xi32, #tpu.memory_space<vmem>>
        %dma_start3A_200 = arith.constant 0 : i32
        %dma_start3A_201 = arith.constant 0 : i32
        %dma_start3A_202 = tpu.memref_slice %arg11[%dma_start3A_200, %dma_start3A_201] : memref<10240x128xf32, #tpu.memory_space<vmem_shared>> -> memref<10240x128xf32, #tpu.memory_space<vmem_shared>>
        tpu.enqueue_indirect_dma source(%arg9 : memref<128x128xf32, #tpu.memory_space<vmem>>) target(%dma_start3A_202 : memref<10240x128xf32, #tpu.memory_space<vmem_shared>>) offsets(%dma_start3A_199 : memref<128xi32, #tpu.memory_space<vmem>>) semaphore(%run_scoped3A_196 : memref<!tpu.dma_semaphore, #tpu.memory_space<semaphore_mem>>) {add = true}
        %dma_wait3A_203 = arith.constant 0 : i32
        %dma_wait3A_204 = tpu.memref_slice %arg8[%run_scoped3A_105, %dma_wait3A_203] : memref<8x128xi32, #tpu.memory_space<vmem>> -> memref<1x128xi32, #tpu.memory_space<vmem>>
        %dma_wait3A_205 = tpu.memref_squeeze %dma_wait3A_204 : memref<1x128xi32, #tpu.memory_space<vmem>> -> memref<128xi32, #tpu.memory_space<vmem>>
        %dma_wait3A_206 = arith.constant 0 : i32
        %dma_wait3A_207 = arith.constant 0 : i32
        %dma_wait3A_208 = tpu.memref_slice %arg11[%dma_wait3A_206, %dma_wait3A_207] : memref<10240x128xf32, #tpu.memory_space<vmem_shared>> -> memref<10240x128xf32, #tpu.memory_space<vmem_shared>>
        tpu.wait_indirect_dma semaphore(%run_scoped3A_196 : memref<!tpu.dma_semaphore, #tpu.memory_space<semaphore_mem>>) src(%arg9 : memref<128x128xf32, #tpu.memory_space<vmem>>) dst(%dma_wait3A_208 : memref<10240x128xf32, #tpu.memory_space<vmem_shared>>)
        tpu.yield
      }) : () -> ()
      %mul3A_106 = arith.constant 8 : i32
      %mul3A_107 = arith.muli %while3A_49, %mul3A_106 : i32
      %add3A_108 = arith.constant 3 : i32
      %add3A_109 = arith.addi %mul3A_107, %add3A_108 : i32
      %dma_wait3A_110 = arith.constant 0 : i32
      %dma_wait3A_111 = tpu.memref_slice %arg7[%add3A_109, %dma_wait3A_110] : memref<80x128xi32, #tpu.memory_space<vmem>> -> memref<1x128xi32, #tpu.memory_space<vmem>>
      %dma_wait3A_112 = tpu.memref_squeeze %dma_wait3A_111 : memref<1x128xi32, #tpu.memory_space<vmem>> -> memref<128xi32, #tpu.memory_space<vmem>>
      %dma_wait3A_113 = arith.constant 0 : i32
      %dma_wait3A_114 = arith.constant 0 : i32
      %dma_wait3A_115 = tpu.memref_slice %arg2[%dma_wait3A_113, %dma_wait3A_114] : memref<10000x128xf32, #tpu.memory_space<hbm>> -> memref<10000x128xf32, #tpu.memory_space<hbm>>
      tpu.wait_indirect_dma semaphore(%arg13 : memref<!tpu.dma_semaphore, #tpu.memory_space<semaphore_mem>>) src(%dma_wait3A_115 : memref<10000x128xf32, #tpu.memory_space<hbm>>) dst(%arg10 : memref<128x128xf32, #tpu.memory_space<vmem>>)
      %add3A_116 = arith.constant 1 : i32
      %add3A_117 = arith.addi %add3A_109, %add3A_116 : i32
      %dma_start3A_118 = arith.constant 0 : i32
      %dma_start3A_119 = tpu.memref_slice %arg7[%add3A_117, %dma_start3A_118] : memref<80x128xi32, #tpu.memory_space<vmem>> -> memref<1x128xi32, #tpu.memory_space<vmem>>
      %dma_start3A_120 = tpu.memref_squeeze %dma_start3A_119 : memref<1x128xi32, #tpu.memory_space<vmem>> -> memref<128xi32, #tpu.memory_space<vmem>>
      %dma_start3A_121 = arith.constant 0 : i32
      %dma_start3A_122 = arith.constant 0 : i32
      %dma_start3A_123 = tpu.memref_slice %arg2[%dma_start3A_121, %dma_start3A_122] : memref<10000x128xf32, #tpu.memory_space<hbm>> -> memref<10000x128xf32, #tpu.memory_space<hbm>>
      tpu.enqueue_indirect_dma source(%dma_start3A_123 : memref<10000x128xf32, #tpu.memory_space<hbm>>) target(%arg9 : memref<128x128xf32, #tpu.memory_space<vmem>>) offsets(%dma_start3A_120 : memref<128xi32, #tpu.memory_space<vmem>>) semaphore(%arg12 : memref<!tpu.dma_semaphore, #tpu.memory_space<semaphore_mem>>)
      %run_scoped3A_124 = arith.constant 3 : i32
      "tpu.region"() ({
        %run_scoped3A_196 = tpu.sem_alloc : memref<!tpu.dma_semaphore, #tpu.memory_space<semaphore_mem>>
        %dma_start3A_197 = arith.constant 0 : i32
        %dma_start3A_198 = tpu.memref_slice %arg8[%run_scoped3A_124, %dma_start3A_197] : memref<8x128xi32, #tpu.memory_space<vmem>> -> memref<1x128xi32, #tpu.memory_space<vmem>>
        %dma_start3A_199 = tpu.memref_squeeze %dma_start3A_198 : memref<1x128xi32, #tpu.memory_space<vmem>> -> memref<128xi32, #tpu.memory_space<vmem>>
        %dma_start3A_200 = arith.constant 0 : i32
        %dma_start3A_201 = arith.constant 0 : i32
        %dma_start3A_202 = tpu.memref_slice %arg11[%dma_start3A_200, %dma_start3A_201] : memref<10240x128xf32, #tpu.memory_space<vmem_shared>> -> memref<10240x128xf32, #tpu.memory_space<vmem_shared>>
        tpu.enqueue_indirect_dma source(%arg10 : memref<128x128xf32, #tpu.memory_space<vmem>>) target(%dma_start3A_202 : memref<10240x128xf32, #tpu.memory_space<vmem_shared>>) offsets(%dma_start3A_199 : memref<128xi32, #tpu.memory_space<vmem>>) semaphore(%run_scoped3A_196 : memref<!tpu.dma_semaphore, #tpu.memory_space<semaphore_mem>>) {add = true}
        %dma_wait3A_203 = arith.constant 0 : i32
        %dma_wait3A_204 = tpu.memref_slice %arg8[%run_scoped3A_124, %dma_wait3A_203] : memref<8x128xi32, #tpu.memory_space<vmem>> -> memref<1x128xi32, #tpu.memory_space<vmem>>
        %dma_wait3A_205 = tpu.memref_squeeze %dma_wait3A_204 : memref<1x128xi32, #tpu.memory_space<vmem>> -> memref<128xi32, #tpu.memory_space<vmem>>
        %dma_wait3A_206 = arith.constant 0 : i32
        %dma_wait3A_207 = arith.constant 0 : i32
        %dma_wait3A_208 = tpu.memref_slice %arg11[%dma_wait3A_206, %dma_wait3A_207] : memref<10240x128xf32, #tpu.memory_space<vmem_shared>> -> memref<10240x128xf32, #tpu.memory_space<vmem_shared>>
        tpu.wait_indirect_dma semaphore(%run_scoped3A_196 : memref<!tpu.dma_semaphore, #tpu.memory_space<semaphore_mem>>) src(%arg10 : memref<128x128xf32, #tpu.memory_space<vmem>>) dst(%dma_wait3A_208 : memref<10240x128xf32, #tpu.memory_space<vmem_shared>>)
        tpu.yield
      }) : () -> ()
      %mul3A_125 = arith.constant 8 : i32
      %mul3A_126 = arith.muli %while3A_49, %mul3A_125 : i32
      %add3A_127 = arith.constant 4 : i32
      %add3A_128 = arith.addi %mul3A_126, %add3A_127 : i32
      %dma_wait3A_129 = arith.constant 0 : i32
      %dma_wait3A_130 = tpu.memref_slice %arg7[%add3A_128, %dma_wait3A_129] : memref<80x128xi32, #tpu.memory_space<vmem>> -> memref<1x128xi32, #tpu.memory_space<vmem>>
      %dma_wait3A_131 = tpu.memref_squeeze %dma_wait3A_130 : memref<1x128xi32, #tpu.memory_space<vmem>> -> memref<128xi32, #tpu.memory_space<vmem>>
      %dma_wait3A_132 = arith.constant 0 : i32
      %dma_wait3A_133 = arith.constant 0 : i32
      %dma_wait3A_134 = tpu.memref_slice %arg2[%dma_wait3A_132, %dma_wait3A_133] : memref<10000x128xf32, #tpu.memory_space<hbm>> -> memref<10000x128xf32, #tpu.memory_space<hbm>>
      tpu.wait_indirect_dma semaphore(%arg12 : memref<!tpu.dma_semaphore, #tpu.memory_space<semaphore_mem>>) src(%dma_wait3A_134 : memref<10000x128xf32, #tpu.memory_space<hbm>>) dst(%arg9 : memref<128x128xf32, #tpu.memory_space<vmem>>)
      %add3A_135 = arith.constant 1 : i32
      %add3A_136 = arith.addi %add3A_128, %add3A_135 : i32
      %dma_start3A_137 = arith.constant 0 : i32
      %dma_start3A_138 = tpu.memref_slice %arg7[%add3A_136, %dma_start3A_137] : memref<80x128xi32, #tpu.memory_space<vmem>> -> memref<1x128xi32, #tpu.memory_space<vmem>>
      %dma_start3A_139 = tpu.memref_squeeze %dma_start3A_138 : memref<1x128xi32, #tpu.memory_space<vmem>> -> memref<128xi32, #tpu.memory_space<vmem>>
      %dma_start3A_140 = arith.constant 0 : i32
      %dma_start3A_141 = arith.constant 0 : i32
      %dma_start3A_142 = tpu.memref_slice %arg2[%dma_start3A_140, %dma_start3A_141] : memref<10000x128xf32, #tpu.memory_space<hbm>> -> memref<10000x128xf32, #tpu.memory_space<hbm>>
      tpu.enqueue_indirect_dma source(%dma_start3A_142 : memref<10000x128xf32, #tpu.memory_space<hbm>>) target(%arg10 : memref<128x128xf32, #tpu.memory_space<vmem>>) offsets(%dma_start3A_139 : memref<128xi32, #tpu.memory_space<vmem>>) semaphore(%arg13 : memref<!tpu.dma_semaphore, #tpu.memory_space<semaphore_mem>>)
      %run_scoped3A_143 = arith.constant 4 : i32
      "tpu.region"() ({
        %run_scoped3A_196 = tpu.sem_alloc : memref<!tpu.dma_semaphore, #tpu.memory_space<semaphore_mem>>
        %dma_start3A_197 = arith.constant 0 : i32
        %dma_start3A_198 = tpu.memref_slice %arg8[%run_scoped3A_143, %dma_start3A_197] : memref<8x128xi32, #tpu.memory_space<vmem>> -> memref<1x128xi32, #tpu.memory_space<vmem>>
        %dma_start3A_199 = tpu.memref_squeeze %dma_start3A_198 : memref<1x128xi32, #tpu.memory_space<vmem>> -> memref<128xi32, #tpu.memory_space<vmem>>
        %dma_start3A_200 = arith.constant 0 : i32
        %dma_start3A_201 = arith.constant 0 : i32
        %dma_start3A_202 = tpu.memref_slice %arg11[%dma_start3A_200, %dma_start3A_201] : memref<10240x128xf32, #tpu.memory_space<vmem_shared>> -> memref<10240x128xf32, #tpu.memory_space<vmem_shared>>
        tpu.enqueue_indirect_dma source(%arg9 : memref<128x128xf32, #tpu.memory_space<vmem>>) target(%dma_start3A_202 : memref<10240x128xf32, #tpu.memory_space<vmem_shared>>) offsets(%dma_start3A_199 : memref<128xi32, #tpu.memory_space<vmem>>) semaphore(%run_scoped3A_196 : memref<!tpu.dma_semaphore, #tpu.memory_space<semaphore_mem>>) {add = true}
        %dma_wait3A_203 = arith.constant 0 : i32
        %dma_wait3A_204 = tpu.memref_slice %arg8[%run_scoped3A_143, %dma_wait3A_203] : memref<8x128xi32, #tpu.memory_space<vmem>> -> memref<1x128xi32, #tpu.memory_space<vmem>>
        %dma_wait3A_205 = tpu.memref_squeeze %dma_wait3A_204 : memref<1x128xi32, #tpu.memory_space<vmem>> -> memref<128xi32, #tpu.memory_space<vmem>>
        %dma_wait3A_206 = arith.constant 0 : i32
        %dma_wait3A_207 = arith.constant 0 : i32
        %dma_wait3A_208 = tpu.memref_slice %arg11[%dma_wait3A_206, %dma_wait3A_207] : memref<10240x128xf32, #tpu.memory_space<vmem_shared>> -> memref<10240x128xf32, #tpu.memory_space<vmem_shared>>
        tpu.wait_indirect_dma semaphore(%run_scoped3A_196 : memref<!tpu.dma_semaphore, #tpu.memory_space<semaphore_mem>>) src(%arg9 : memref<128x128xf32, #tpu.memory_space<vmem>>) dst(%dma_wait3A_208 : memref<10240x128xf32, #tpu.memory_space<vmem_shared>>)
        tpu.yield
      }) : () -> ()
      %mul3A_144 = arith.constant 8 : i32
      %mul3A_145 = arith.muli %while3A_49, %mul3A_144 : i32
      %add3A_146 = arith.constant 5 : i32
      %add3A_147 = arith.addi %mul3A_145, %add3A_146 : i32
      %dma_wait3A_148 = arith.constant 0 : i32
      %dma_wait3A_149 = tpu.memref_slice %arg7[%add3A_147, %dma_wait3A_148] : memref<80x128xi32, #tpu.memory_space<vmem>> -> memref<1x128xi32, #tpu.memory_space<vmem>>
      %dma_wait3A_150 = tpu.memref_squeeze %dma_wait3A_149 : memref<1x128xi32, #tpu.memory_space<vmem>> -> memref<128xi32, #tpu.memory_space<vmem>>
      %dma_wait3A_151 = arith.constant 0 : i32
      %dma_wait3A_152 = arith.constant 0 : i32
      %dma_wait3A_153 = tpu.memref_slice %arg2[%dma_wait3A_151, %dma_wait3A_152] : memref<10000x128xf32, #tpu.memory_space<hbm>> -> memref<10000x128xf32, #tpu.memory_space<hbm>>
      tpu.wait_indirect_dma semaphore(%arg13 : memref<!tpu.dma_semaphore, #tpu.memory_space<semaphore_mem>>) src(%dma_wait3A_153 : memref<10000x128xf32, #tpu.memory_space<hbm>>) dst(%arg10 : memref<128x128xf32, #tpu.memory_space<vmem>>)
      %add3A_154 = arith.constant 1 : i32
      %add3A_155 = arith.addi %add3A_147, %add3A_154 : i32
      %dma_start3A_156 = arith.constant 0 : i32
      %dma_start3A_157 = tpu.memref_slice %arg7[%add3A_155, %dma_start3A_156] : memref<80x128xi32, #tpu.memory_space<vmem>> -> memref<1x128xi32, #tpu.memory_space<vmem>>
      %dma_start3A_158 = tpu.memref_squeeze %dma_start3A_157 : memref<1x128xi32, #tpu.memory_space<vmem>> -> memref<128xi32, #tpu.memory_space<vmem>>
      %dma_start3A_159 = arith.constant 0 : i32
      %dma_start3A_160 = arith.constant 0 : i32
      %dma_start3A_161 = tpu.memref_slice %arg2[%dma_start3A_159, %dma_start3A_160] : memref<10000x128xf32, #tpu.memory_space<hbm>> -> memref<10000x128xf32, #tpu.memory_space<hbm>>
      tpu.enqueue_indirect_dma source(%dma_start3A_161 : memref<10000x128xf32, #tpu.memory_space<hbm>>) target(%arg9 : memref<128x128xf32, #tpu.memory_space<vmem>>) offsets(%dma_start3A_158 : memref<128xi32, #tpu.memory_space<vmem>>) semaphore(%arg12 : memref<!tpu.dma_semaphore, #tpu.memory_space<semaphore_mem>>)
      %run_scoped3A_162 = arith.constant 5 : i32
      "tpu.region"() ({
        %run_scoped3A_196 = tpu.sem_alloc : memref<!tpu.dma_semaphore, #tpu.memory_space<semaphore_mem>>
        %dma_start3A_197 = arith.constant 0 : i32
        %dma_start3A_198 = tpu.memref_slice %arg8[%run_scoped3A_162, %dma_start3A_197] : memref<8x128xi32, #tpu.memory_space<vmem>> -> memref<1x128xi32, #tpu.memory_space<vmem>>
        %dma_start3A_199 = tpu.memref_squeeze %dma_start3A_198 : memref<1x128xi32, #tpu.memory_space<vmem>> -> memref<128xi32, #tpu.memory_space<vmem>>
        %dma_start3A_200 = arith.constant 0 : i32
        %dma_start3A_201 = arith.constant 0 : i32
        %dma_start3A_202 = tpu.memref_slice %arg11[%dma_start3A_200, %dma_start3A_201] : memref<10240x128xf32, #tpu.memory_space<vmem_shared>> -> memref<10240x128xf32, #tpu.memory_space<vmem_shared>>
        tpu.enqueue_indirect_dma source(%arg10 : memref<128x128xf32, #tpu.memory_space<vmem>>) target(%dma_start3A_202 : memref<10240x128xf32, #tpu.memory_space<vmem_shared>>) offsets(%dma_start3A_199 : memref<128xi32, #tpu.memory_space<vmem>>) semaphore(%run_scoped3A_196 : memref<!tpu.dma_semaphore, #tpu.memory_space<semaphore_mem>>) {add = true}
        %dma_wait3A_203 = arith.constant 0 : i32
        %dma_wait3A_204 = tpu.memref_slice %arg8[%run_scoped3A_162, %dma_wait3A_203] : memref<8x128xi32, #tpu.memory_space<vmem>> -> memref<1x128xi32, #tpu.memory_space<vmem>>
        %dma_wait3A_205 = tpu.memref_squeeze %dma_wait3A_204 : memref<1x128xi32, #tpu.memory_space<vmem>> -> memref<128xi32, #tpu.memory_space<vmem>>
        %dma_wait3A_206 = arith.constant 0 : i32
        %dma_wait3A_207 = arith.constant 0 : i32
        %dma_wait3A_208 = tpu.memref_slice %arg11[%dma_wait3A_206, %dma_wait3A_207] : memref<10240x128xf32, #tpu.memory_space<vmem_shared>> -> memref<10240x128xf32, #tpu.memory_space<vmem_shared>>
        tpu.wait_indirect_dma semaphore(%run_scoped3A_196 : memref<!tpu.dma_semaphore, #tpu.memory_space<semaphore_mem>>) src(%arg10 : memref<128x128xf32, #tpu.memory_space<vmem>>) dst(%dma_wait3A_208 : memref<10240x128xf32, #tpu.memory_space<vmem_shared>>)
        tpu.yield
      }) : () -> ()
      %mul3A_163 = arith.constant 8 : i32
      %mul3A_164 = arith.muli %while3A_49, %mul3A_163 : i32
      %add3A_165 = arith.constant 6 : i32
      %add3A_166 = arith.addi %mul3A_164, %add3A_165 : i32
      %dma_wait3A_167 = arith.constant 0 : i32
      %dma_wait3A_168 = tpu.memref_slice %arg7[%add3A_166, %dma_wait3A_167] : memref<80x128xi32, #tpu.memory_space<vmem>> -> memref<1x128xi32, #tpu.memory_space<vmem>>
      %dma_wait3A_169 = tpu.memref_squeeze %dma_wait3A_168 : memref<1x128xi32, #tpu.memory_space<vmem>> -> memref<128xi32, #tpu.memory_space<vmem>>
      %dma_wait3A_170 = arith.constant 0 : i32
      %dma_wait3A_171 = arith.constant 0 : i32
      %dma_wait3A_172 = tpu.memref_slice %arg2[%dma_wait3A_170, %dma_wait3A_171] : memref<10000x128xf32, #tpu.memory_space<hbm>> -> memref<10000x128xf32, #tpu.memory_space<hbm>>
      tpu.wait_indirect_dma semaphore(%arg12 : memref<!tpu.dma_semaphore, #tpu.memory_space<semaphore_mem>>) src(%dma_wait3A_172 : memref<10000x128xf32, #tpu.memory_space<hbm>>) dst(%arg9 : memref<128x128xf32, #tpu.memory_space<vmem>>)
      %add3A_173 = arith.constant 1 : i32
      %add3A_174 = arith.addi %add3A_166, %add3A_173 : i32
      %dma_start3A_175 = arith.constant 0 : i32
      %dma_start3A_176 = tpu.memref_slice %arg7[%add3A_174, %dma_start3A_175] : memref<80x128xi32, #tpu.memory_space<vmem>> -> memref<1x128xi32, #tpu.memory_space<vmem>>
      %dma_start3A_177 = tpu.memref_squeeze %dma_start3A_176 : memref<1x128xi32, #tpu.memory_space<vmem>> -> memref<128xi32, #tpu.memory_space<vmem>>
      %dma_start3A_178 = arith.constant 0 : i32
      %dma_start3A_179 = arith.constant 0 : i32
      %dma_start3A_180 = tpu.memref_slice %arg2[%dma_start3A_178, %dma_start3A_179] : memref<10000x128xf32, #tpu.memory_space<hbm>> -> memref<10000x128xf32, #tpu.memory_space<hbm>>
      tpu.enqueue_indirect_dma source(%dma_start3A_180 : memref<10000x128xf32, #tpu.memory_space<hbm>>) target(%arg10 : memref<128x128xf32, #tpu.memory_space<vmem>>) offsets(%dma_start3A_177 : memref<128xi32, #tpu.memory_space<vmem>>) semaphore(%arg13 : memref<!tpu.dma_semaphore, #tpu.memory_space<semaphore_mem>>)
      %run_scoped3A_181 = arith.constant 6 : i32
      "tpu.region"() ({
        %run_scoped3A_196 = tpu.sem_alloc : memref<!tpu.dma_semaphore, #tpu.memory_space<semaphore_mem>>
        %dma_start3A_197 = arith.constant 0 : i32
        %dma_start3A_198 = tpu.memref_slice %arg8[%run_scoped3A_181, %dma_start3A_197] : memref<8x128xi32, #tpu.memory_space<vmem>> -> memref<1x128xi32, #tpu.memory_space<vmem>>
        %dma_start3A_199 = tpu.memref_squeeze %dma_start3A_198 : memref<1x128xi32, #tpu.memory_space<vmem>> -> memref<128xi32, #tpu.memory_space<vmem>>
        %dma_start3A_200 = arith.constant 0 : i32
        %dma_start3A_201 = arith.constant 0 : i32
        %dma_start3A_202 = tpu.memref_slice %arg11[%dma_start3A_200, %dma_start3A_201] : memref<10240x128xf32, #tpu.memory_space<vmem_shared>> -> memref<10240x128xf32, #tpu.memory_space<vmem_shared>>
        tpu.enqueue_indirect_dma source(%arg9 : memref<128x128xf32, #tpu.memory_space<vmem>>) target(%dma_start3A_202 : memref<10240x128xf32, #tpu.memory_space<vmem_shared>>) offsets(%dma_start3A_199 : memref<128xi32, #tpu.memory_space<vmem>>) semaphore(%run_scoped3A_196 : memref<!tpu.dma_semaphore, #tpu.memory_space<semaphore_mem>>) {add = true}
        %dma_wait3A_203 = arith.constant 0 : i32
        %dma_wait3A_204 = tpu.memref_slice %arg8[%run_scoped3A_181, %dma_wait3A_203] : memref<8x128xi32, #tpu.memory_space<vmem>> -> memref<1x128xi32, #tpu.memory_space<vmem>>
        %dma_wait3A_205 = tpu.memref_squeeze %dma_wait3A_204 : memref<1x128xi32, #tpu.memory_space<vmem>> -> memref<128xi32, #tpu.memory_space<vmem>>
        %dma_wait3A_206 = arith.constant 0 : i32
        %dma_wait3A_207 = arith.constant 0 : i32
        %dma_wait3A_208 = tpu.memref_slice %arg11[%dma_wait3A_206, %dma_wait3A_207] : memref<10240x128xf32, #tpu.memory_space<vmem_shared>> -> memref<10240x128xf32, #tpu.memory_space<vmem_shared>>
        tpu.wait_indirect_dma semaphore(%run_scoped3A_196 : memref<!tpu.dma_semaphore, #tpu.memory_space<semaphore_mem>>) src(%arg9 : memref<128x128xf32, #tpu.memory_space<vmem>>) dst(%dma_wait3A_208 : memref<10240x128xf32, #tpu.memory_space<vmem_shared>>)
        tpu.yield
      }) : () -> ()
      %mul3A_182 = arith.constant 8 : i32
      %mul3A_183 = arith.muli %while3A_49, %mul3A_182 : i32
      %add3A_184 = arith.constant 7 : i32
      %add3A_185 = arith.addi %mul3A_183, %add3A_184 : i32
      %dma_wait3A_186 = arith.constant 0 : i32
      %dma_wait3A_187 = tpu.memref_slice %arg7[%add3A_185, %dma_wait3A_186] : memref<80x128xi32, #tpu.memory_space<vmem>> -> memref<1x128xi32, #tpu.memory_space<vmem>>
      %dma_wait3A_188 = tpu.memref_squeeze %dma_wait3A_187 : memref<1x128xi32, #tpu.memory_space<vmem>> -> memref<128xi32, #tpu.memory_space<vmem>>
      %dma_wait3A_189 = arith.constant 0 : i32
      %dma_wait3A_190 = arith.constant 0 : i32
      %dma_wait3A_191 = tpu.memref_slice %arg2[%dma_wait3A_189, %dma_wait3A_190] : memref<10000x128xf32, #tpu.memory_space<hbm>> -> memref<10000x128xf32, #tpu.memory_space<hbm>>
      tpu.wait_indirect_dma semaphore(%arg13 : memref<!tpu.dma_semaphore, #tpu.memory_space<semaphore_mem>>) src(%dma_wait3A_191 : memref<10000x128xf32, #tpu.memory_space<hbm>>) dst(%arg10 : memref<128x128xf32, #tpu.memory_space<vmem>>)
      %sub3A_192 = arith.constant 1 : i32
      %sub3A_193 = arith.subi %select_n3A_26, %sub3A_192 : i32
      %lt3A = arith.cmpi slt, %while3A_49, %sub3A_193 : i32
      %convert_element_type3A = arith.extui %lt3A : i1 to i32
      %cond3A = arith.constant 0 : i32
      %cond3A_194 = arith.cmpi ne, %convert_element_type3A, %cond3A : i32
      scf.if %cond3A_194 {
        %add3A_196 = arith.constant 1 : i32
        %add3A_197 = arith.addi %add3A_185, %add3A_196 : i32
        %dma_start3A_198 = arith.constant 0 : i32
        %dma_start3A_199 = tpu.memref_slice %arg7[%add3A_197, %dma_start3A_198] : memref<80x128xi32, #tpu.memory_space<vmem>> -> memref<1x128xi32, #tpu.memory_space<vmem>>
        %dma_start3A_200 = tpu.memref_squeeze %dma_start3A_199 : memref<1x128xi32, #tpu.memory_space<vmem>> -> memref<128xi32, #tpu.memory_space<vmem>>
        %dma_start3A_201 = arith.constant 0 : i32
        %dma_start3A_202 = arith.constant 0 : i32
        %dma_start3A_203 = tpu.memref_slice %arg2[%dma_start3A_201, %dma_start3A_202] : memref<10000x128xf32, #tpu.memory_space<hbm>> -> memref<10000x128xf32, #tpu.memory_space<hbm>>
        tpu.enqueue_indirect_dma source(%dma_start3A_203 : memref<10000x128xf32, #tpu.memory_space<hbm>>) target(%arg9 : memref<128x128xf32, #tpu.memory_space<vmem>>) offsets(%dma_start3A_200 : memref<128xi32, #tpu.memory_space<vmem>>) semaphore(%arg12 : memref<!tpu.dma_semaphore, #tpu.memory_space<semaphore_mem>>)
      } else {
      }
      %run_scoped3A_195 = arith.constant 7 : i32
      "tpu.region"() ({
        %run_scoped3A_196 = tpu.sem_alloc : memref<!tpu.dma_semaphore, #tpu.memory_space<semaphore_mem>>
        %dma_start3A_197 = arith.constant 0 : i32
        %dma_start3A_198 = tpu.memref_slice %arg8[%run_scoped3A_195, %dma_start3A_197] : memref<8x128xi32, #tpu.memory_space<vmem>> -> memref<1x128xi32, #tpu.memory_space<vmem>>
        %dma_start3A_199 = tpu.memref_squeeze %dma_start3A_198 : memref<1x128xi32, #tpu.memory_space<vmem>> -> memref<128xi32, #tpu.memory_space<vmem>>
        %dma_start3A_200 = arith.constant 0 : i32
        %dma_start3A_201 = arith.constant 0 : i32
        %dma_start3A_202 = tpu.memref_slice %arg11[%dma_start3A_200, %dma_start3A_201] : memref<10240x128xf32, #tpu.memory_space<vmem_shared>> -> memref<10240x128xf32, #tpu.memory_space<vmem_shared>>
        tpu.enqueue_indirect_dma source(%arg10 : memref<128x128xf32, #tpu.memory_space<vmem>>) target(%dma_start3A_202 : memref<10240x128xf32, #tpu.memory_space<vmem_shared>>) offsets(%dma_start3A_199 : memref<128xi32, #tpu.memory_space<vmem>>) semaphore(%run_scoped3A_196 : memref<!tpu.dma_semaphore, #tpu.memory_space<semaphore_mem>>) {add = true}
        %dma_wait3A_203 = arith.constant 0 : i32
        %dma_wait3A_204 = tpu.memref_slice %arg8[%run_scoped3A_195, %dma_wait3A_203] : memref<8x128xi32, #tpu.memory_space<vmem>> -> memref<1x128xi32, #tpu.memory_space<vmem>>
        %dma_wait3A_205 = tpu.memref_squeeze %dma_wait3A_204 : memref<1x128xi32, #tpu.memory_space<vmem>> -> memref<128xi32, #tpu.memory_space<vmem>>
        %dma_wait3A_206 = arith.constant 0 : i32
        %dma_wait3A_207 = arith.constant 0 : i32
        %dma_wait3A_208 = tpu.memref_slice %arg11[%dma_wait3A_206, %dma_wait3A_207] : memref<10240x128xf32, #tpu.memory_space<vmem_shared>> -> memref<10240x128xf32, #tpu.memory_space<vmem_shared>>
        tpu.wait_indirect_dma semaphore(%run_scoped3A_196 : memref<!tpu.dma_semaphore, #tpu.memory_space<semaphore_mem>>) src(%arg10 : memref<128x128xf32, #tpu.memory_space<vmem>>) dst(%dma_wait3A_208 : memref<10240x128xf32, #tpu.memory_space<vmem_shared>>)
        tpu.yield
      }) : () -> ()
    }
    %barrier3A_44 = arith.constant 0 : index
    tpu.barrier barrier_id(%barrier3A_44)
    %mul3A_45 = arith.constant 640 : i32
    %mul3A_46 = arith.muli %arg1, %mul3A_45 : i32
    %mul3A_47 = arith.constant 640 : i32
    %mul3A_48 = arith.muli %arg1, %mul3A_47 : i32
    "tpu.region"() ({
      %run_scoped3A = tpu.sem_alloc : memref<!tpu.dma_semaphore, #tpu.memory_space<semaphore_mem>>
      %dma_start3A_49 = arith.constant 0 : i32
      %dma_start3A_50 = tpu.memref_slice %arg6[%arg0, %mul3A_48, %dma_start3A_49] : memref<2x10240x128xf32, #tpu.memory_space<hbm>> -> memref<1x640x128xf32, #tpu.memory_space<hbm>>
      %dma_start3A_51 = tpu.memref_squeeze %dma_start3A_50 : memref<1x640x128xf32, #tpu.memory_space<hbm>> -> memref<640x128xf32, #tpu.memory_space<hbm>>
      %dma_start3A_52 = arith.constant 0 : i32
      %dma_start3A_53 = tpu.memref_slice %arg11[%mul3A_46, %dma_start3A_52] : memref<10240x128xf32, #tpu.memory_space<vmem_shared>> -> memref<640x128xf32, #tpu.memory_space<vmem_shared>>
      tpu.enqueue_dma source(%dma_start3A_53 : memref<640x128xf32, #tpu.memory_space<vmem_shared>>) target(%dma_start3A_51 : memref<640x128xf32, #tpu.memory_space<hbm>>) target_semaphore(%run_scoped3A : memref<!tpu.dma_semaphore, #tpu.memory_space<semaphore_mem>>)
      %dma_wait3A = arith.constant 0 : i32
      %dma_wait3A_54 = tpu.memref_slice %arg6[%arg0, %mul3A_48, %dma_wait3A] : memref<2x10240x128xf32, #tpu.memory_space<hbm>> -> memref<1x640x128xf32, #tpu.memory_space<hbm>>
      %dma_wait3A_55 = tpu.memref_squeeze %dma_wait3A_54 : memref<1x640x128xf32, #tpu.memory_space<hbm>> -> memref<640x128xf32, #tpu.memory_space<hbm>>
      %dma_wait3A_56 = arith.constant 0 : i32
      %dma_wait3A_57 = tpu.memref_slice %arg11[%mul3A_46, %dma_wait3A_56] : memref<10240x128xf32, #tpu.memory_space<vmem_shared>> -> memref<640x128xf32, #tpu.memory_space<vmem_shared>>
      tpu.wait_dma2 semaphore(%run_scoped3A : memref<!tpu.dma_semaphore, #tpu.memory_space<semaphore_mem>>) src(%dma_wait3A_57 : memref<640x128xf32, #tpu.memory_space<vmem_shared>>) dst(%dma_wait3A_55 : memref<640x128xf32, #tpu.memory_space<hbm>>)
      tpu.yield
    }) : () -> ()
    return
  }
}

#map = affine_map<(d0, d1) -> (0, 0)>
module attributes {stable_mosaic.version = 14 : i64} {
  func.func @_cnt_body(%arg0: i32, %arg1: i32, %arg2: memref<32x10000xi32, #tpu.memory_space<hbm>>, %arg3: memref<32x10240xf32, #tpu.memory_space<hbm>>, %arg4: memref<10000xi32, #tpu.memory_space<vmem>>, %arg5: memref<10240xf32, #tpu.memory_space<vmem>>, %arg6: memref<!tpu.dma_semaphore, #tpu.memory_space<semaphore_mem>>) attributes {dimension_semantics = [#tpu.dimension_semantics<core_parallel>, #tpu.dimension_semantics<subcore_parallel>], iteration_bounds = array<i64: 2, 16>, scalar_prefetch = 0 : i64, scratch_operands = 3 : i64, tpu.core_type = #tpu.core_type<sc_vector_subcore>, window_params = [{transform_indices = #map}, {transform_indices = #map}]} {
    %mul3A = arith.constant 16 : i32
    %mul3A_0 = arith.muli %arg0, %mul3A : i32
    %add3A = arith.addi %mul3A_0, %arg1 : i32
    "tpu.region"() ({
      %run_scoped3A = tpu.sem_alloc : memref<!tpu.dma_semaphore, #tpu.memory_space<semaphore_mem>>
      %dma_start3A = arith.constant 0 : i32
      %dma_start3A_15 = tpu.memref_slice %arg2[%add3A, %dma_start3A] : memref<32x10000xi32, #tpu.memory_space<hbm>> -> memref<1x10000xi32, #tpu.memory_space<hbm>>
      %dma_start3A_16 = tpu.memref_squeeze %dma_start3A_15 : memref<1x10000xi32, #tpu.memory_space<hbm>> -> memref<10000xi32, #tpu.memory_space<hbm>>
      %dma_start3A_17 = arith.constant 0 : i32
      %dma_start3A_18 = tpu.memref_slice %arg2[%add3A, %dma_start3A_17] : memref<32x10000xi32, #tpu.memory_space<hbm>> -> memref<1x10000xi32, #tpu.memory_space<hbm>>
      %dma_start3A_19 = tpu.memref_squeeze %dma_start3A_18 : memref<1x10000xi32, #tpu.memory_space<hbm>> -> memref<10000xi32, #tpu.memory_space<hbm>>
      tpu.enqueue_dma source(%dma_start3A_19 : memref<10000xi32, #tpu.memory_space<hbm>>) target(%arg4 : memref<10000xi32, #tpu.memory_space<vmem>>) target_semaphore(%run_scoped3A : memref<!tpu.dma_semaphore, #tpu.memory_space<semaphore_mem>>)
      %dma_wait3A = arith.constant 0 : i32
      %dma_wait3A_20 = tpu.memref_slice %arg2[%add3A, %dma_wait3A] : memref<32x10000xi32, #tpu.memory_space<hbm>> -> memref<1x10000xi32, #tpu.memory_space<hbm>>
      %dma_wait3A_21 = tpu.memref_squeeze %dma_wait3A_20 : memref<1x10000xi32, #tpu.memory_space<hbm>> -> memref<10000xi32, #tpu.memory_space<hbm>>
      %dma_wait3A_22 = arith.constant 0 : i32
      %dma_wait3A_23 = tpu.memref_slice %arg2[%add3A, %dma_wait3A_22] : memref<32x10000xi32, #tpu.memory_space<hbm>> -> memref<1x10000xi32, #tpu.memory_space<hbm>>
      %dma_wait3A_24 = tpu.memref_squeeze %dma_wait3A_23 : memref<1x10000xi32, #tpu.memory_space<hbm>> -> memref<10000xi32, #tpu.memory_space<hbm>>
      tpu.wait_dma2 semaphore(%run_scoped3A : memref<!tpu.dma_semaphore, #tpu.memory_space<semaphore_mem>>) src(%dma_wait3A_24 : memref<10000xi32, #tpu.memory_space<hbm>>) dst(%arg4 : memref<10000xi32, #tpu.memory_space<vmem>>)
      tpu.yield
    }) : () -> ()
    %broadcast_in_dim3A = arith.constant 0.000000e+00 : f32
    %broadcast_in_dim3A_1 = vector.broadcast %broadcast_in_dim3A : f32 to vector<16xf32>
    %broadcast_in_dim3A_2 = arith.constant 1.000000e+00 : f32
    %broadcast_in_dim3A_3 = vector.broadcast %broadcast_in_dim3A_2 : f32 to vector<16xf32>
    %scan3A = arith.constant 0 : i32
    %scan3A_4 = arith.constant 0 : i32
    %scan3A_5 = arith.constant 640 : i32
    %scan3A_6 = arith.addi %scan3A_4, %scan3A_5 : i32
    %scan3A_7 = arith.constant 1 : i32
    scf.for %scan3A_15 = %scan3A_4 to %scan3A_6 step %scan3A_7  : i32 {
      %mul3A_16 = arith.constant 16 : i32
      %mul3A_17 = arith.muli %scan3A_15, %mul3A_16 : i32
      %swap3A = arith.index_cast %mul3A_17 : i32 to index
      %swap3A_18 = tpu.vector_load %arg5[%swap3A] {strides = array<i32>} : memref<10240xf32, #tpu.memory_space<vmem>>, vector<16xf32>,
      tpu.vector_store %arg5[%swap3A], %broadcast_in_dim3A_1 {strides = array<i32>} : memref<10240xf32, #tpu.memory_space<vmem>>, vector<16xf32>,
    }
    %scan3A_8 = arith.constant 640 : i32
    %scan3A_9 = arith.constant 0 : i32
    %scan3A_10 = arith.constant 0 : i32
    %scan3A_11 = arith.constant 625 : i32
    %scan3A_12 = arith.addi %scan3A_10, %scan3A_11 : i32
    %scan3A_13 = arith.constant 1 : i32
    scf.for %scan3A_15 = %scan3A_10 to %scan3A_12 step %scan3A_13  : i32 {
      %mul3A_16 = arith.constant 16 : i32
      %mul3A_17 = arith.muli %scan3A_15, %mul3A_16 : i32
      %get3A = arith.index_cast %mul3A_17 : i32 to index
      %get3A_18 = tpu.vector_load %arg4[%get3A] {strides = array<i32>} : memref<10000xi32, #tpu.memory_space<vmem>>, vector<16xi32>,
      tpu.vector_store_idx %arg5[%get3A_18], %broadcast_in_dim3A_3 {add = true} : memref<10240xf32, #tpu.memory_space<vmem>>[vector<16xi32>], vector<16xf32>,
    }
    %scan3A_14 = arith.constant 625 : i32
    "tpu.region"() ({
      %run_scoped3A = tpu.sem_alloc : memref<!tpu.dma_semaphore, #tpu.memory_space<semaphore_mem>>
      %dma_start3A = arith.constant 0 : i32
      %dma_start3A_15 = tpu.memref_slice %arg3[%add3A, %dma_start3A] : memref<32x10240xf32, #tpu.memory_space<hbm>> -> memref<1x10240xf32, #tpu.memory_space<hbm>>
      %dma_start3A_16 = tpu.memref_squeeze %dma_start3A_15 : memref<1x10240xf32, #tpu.memory_space<hbm>> -> memref<10240xf32, #tpu.memory_space<hbm>>
      %dma_start3A_17 = arith.constant 0 : i32
      %dma_start3A_18 = tpu.memref_slice %arg3[%add3A, %dma_start3A_17] : memref<32x10240xf32, #tpu.memory_space<hbm>> -> memref<1x10240xf32, #tpu.memory_space<hbm>>
      %dma_start3A_19 = tpu.memref_squeeze %dma_start3A_18 : memref<1x10240xf32, #tpu.memory_space<hbm>> -> memref<10240xf32, #tpu.memory_space<hbm>>
      tpu.enqueue_dma source(%arg5 : memref<10240xf32, #tpu.memory_space<vmem>>) target(%dma_start3A_19 : memref<10240xf32, #tpu.memory_space<hbm>>) target_semaphore(%run_scoped3A : memref<!tpu.dma_semaphore, #tpu.memory_space<semaphore_mem>>)
      %dma_wait3A = arith.constant 0 : i32
      %dma_wait3A_20 = tpu.memref_slice %arg3[%add3A, %dma_wait3A] : memref<32x10240xf32, #tpu.memory_space<hbm>> -> memref<1x10240xf32, #tpu.memory_space<hbm>>
      %dma_wait3A_21 = tpu.memref_squeeze %dma_wait3A_20 : memref<1x10240xf32, #tpu.memory_space<hbm>> -> memref<10240xf32, #tpu.memory_space<hbm>>
      %dma_wait3A_22 = arith.constant 0 : i32
      %dma_wait3A_23 = tpu.memref_slice %arg3[%add3A, %dma_wait3A_22] : memref<32x10240xf32, #tpu.memory_space<hbm>> -> memref<1x10240xf32, #tpu.memory_space<hbm>>
      %dma_wait3A_24 = tpu.memref_squeeze %dma_wait3A_23 : memref<1x10240xf32, #tpu.memory_space<hbm>> -> memref<10240xf32, #tpu.memory_space<hbm>>
      tpu.wait_dma2 semaphore(%run_scoped3A : memref<!tpu.dma_semaphore, #tpu.memory_space<semaphore_mem>>) src(%arg5 : memref<10240xf32, #tpu.memory_space<vmem>>) dst(%dma_wait3A_24 : memref<10240xf32, #tpu.memory_space<hbm>>)
      tpu.yield
    }) : () -> ()
    return
  }
}

#map = affine_map<(d0, d1) -> (0, 0)>
#map1 = affine_map<(d0, d1) -> (0, 0, 0)>
module attributes {stable_mosaic.version = 14 : i64} {
  func.func @_agg_body(%arg0: i32, %arg1: i32, %arg2: memref<10000x128xf32, #tpu.memory_space<hbm>>, %arg3: memref<2560x128xi32, #tpu.memory_space<hbm>>, %arg4: memref<320x8x128xi32, #tpu.memory_space<hbm>>, %arg5: memref<640x128xf32, #tpu.memory_space<hbm>>, %arg6: memref<2x10240x128xf32, #tpu.memory_space<hbm>>, %arg7: memref<80x128xi32, #tpu.memory_space<vmem>>, %arg8: memref<8x128xi32, #tpu.memory_space<vmem>>, %arg9: memref<128x128xf32, #tpu.memory_space<vmem>>, %arg10: memref<128x128xf32, #tpu.memory_space<vmem>>, %arg11: memref<10240x128xf32, #tpu.memory_space<vmem_shared>>, %arg12: memref<!tpu.dma_semaphore, #tpu.memory_space<semaphore_mem>>, %arg13: memref<!tpu.dma_semaphore, #tpu.memory_space<semaphore_mem>>) attributes {dimension_semantics = [#tpu.dimension_semantics<core_parallel>, #tpu.dimension_semantics<subcore_parallel>], iteration_bounds = array<i64: 2, 16>, scalar_prefetch = 0 : i64, scratch_operands = 7 : i64, tpu.core_type = #tpu.core_type<sc_vector_subcore>, window_params = [{transform_indices = #map}, {transform_indices = #map}, {transform_indices = #map1}, {transform_indices = #map}, {transform_indices = #map1}]} {
    %eq3A = arith.constant 0 : i32
    %eq3A_0 = arith.cmpi eq, %arg0, %eq3A : i32
    %mul3A = arith.constant 80 : i32
    %mul3A_1 = arith.muli %arg1, %mul3A : i32
    %mul3A_2 = arith.constant 80 : i32
    %mul3A_3 = arith.muli %arg1, %mul3A_2 : i32
    %add3A = arith.constant 1280 : i32
    %add3A_4 = arith.addi %add3A, %mul3A_3 : i32
    %select_n3A = arith.select %eq3A_0, %mul3A_1, %add3A_4 : i32
    %jit3A = arith.constant 8 : i32
    %div3A = arith.divsi %select_n3A, %jit3A : i32
    %sign3A = arith.constant 0 : i32
    %sign3A_5 = arith.cmpi sgt, %select_n3A, %sign3A : i32
    %sign3A_6 = arith.extui %sign3A_5 : i1 to i32
    %sign3A_7 = arith.constant 0 : i32
    %sign3A_8 = arith.cmpi slt, %select_n3A, %sign3A_7 : i32
    %sign3A_9 = arith.extui %sign3A_8 : i1 to i32
    %sign3A_10 = arith.subi %sign3A_6, %sign3A_9 : i32
    %sign3A_11 = arith.constant 0 : i32
    %sign3A_12 = arith.cmpi sgt, %jit3A, %sign3A_11 : i32
    %sign3A_13 = arith.extui %sign3A_12 : i1 to i32
    %sign3A_14 = arith.constant 0 : i32
    %sign3A_15 = arith.cmpi slt, %jit3A, %sign3A_14 : i32
    %sign3A_16 = arith.extui %sign3A_15 : i1 to i32
    %sign3A_17 = arith.subi %sign3A_13, %sign3A_16 : i32
    %ne3A = arith.cmpi ne, %sign3A_10, %sign3A_17 : i32
    %rem3A = arith.remsi %select_n3A, %jit3A : i32
    %ne3A_18 = arith.constant 0 : i32
    %ne3A_19 = arith.cmpi ne, %rem3A, %ne3A_18 : i32
    %and3A = arith.andi %ne3A, %ne3A_19 : i1
    %sub3A = arith.constant 1 : i32
    %sub3A_20 = arith.subi %div3A, %sub3A : i32
    %select_n3A_21 = arith.select %and3A, %sub3A_20, %div3A : i32
    %eq3A_22 = arith.constant 0 : i32
    %eq3A_23 = arith.cmpi eq, %arg0, %eq3A_22 : i32
    %jit3A_24 = arith.constant 10 : i32
    %jit3A_25 = arith.constant 10 : i32
    %select_n3A_26 = arith.select %eq3A_23, %jit3A_24, %jit3A_25 : i32
    "tpu.region"() ({
      %run_scoped3A = tpu.sem_alloc : memref<!tpu.dma_semaphore, #tpu.memory_space<semaphore_mem>>
      %dma_start3A_49 = arith.constant 0 : i32
      %dma_start3A_50 = tpu.memref_slice %arg3[%select_n3A, %dma_start3A_49] : memref<2560x128xi32, #tpu.memory_space<hbm>> -> memref<80x128xi32, #tpu.memory_space<hbm>>
      %dma_start3A_51 = arith.constant 0 : i32
      %dma_start3A_52 = tpu.memref_slice %arg3[%select_n3A, %dma_start3A_51] : memref<2560x128xi32, #tpu.memory_space<hbm>> -> memref<80x128xi32, #tpu.memory_space<hbm>>
      tpu.enqueue_dma source(%dma_start3A_52 : memref<80x128xi32, #tpu.memory_space<hbm>>) target(%arg7 : memref<80x128xi32, #tpu.memory_space<vmem>>) target_semaphore(%run_scoped3A : memref<!tpu.dma_semaphore, #tpu.memory_space<semaphore_mem>>)
      %dma_wait3A = arith.constant 0 : i32
      %dma_wait3A_53 = tpu.memref_slice %arg3[%select_n3A, %dma_wait3A] : memref<2560x128xi32, #tpu.memory_space<hbm>> -> memref<80x128xi32, #tpu.memory_space<hbm>>
      %dma_wait3A_54 = arith.constant 0 : i32
      %dma_wait3A_55 = tpu.memref_slice %arg3[%select_n3A, %dma_wait3A_54] : memref<2560x128xi32, #tpu.memory_space<hbm>> -> memref<80x128xi32, #tpu.memory_space<hbm>>
      tpu.wait_dma2 semaphore(%run_scoped3A : memref<!tpu.dma_semaphore, #tpu.memory_space<semaphore_mem>>) src(%dma_wait3A_55 : memref<80x128xi32, #tpu.memory_space<hbm>>) dst(%arg7 : memref<80x128xi32, #tpu.memory_space<vmem>>)
      tpu.yield
    }) : () -> ()
    %mul3A_27 = arith.constant 640 : i32
    %mul3A_28 = arith.muli %arg1, %mul3A_27 : i32
    "tpu.region"() ({
      %run_scoped3A = tpu.sem_alloc : memref<!tpu.dma_semaphore, #tpu.memory_space<semaphore_mem>>
      %dma_start3A_49 = arith.constant 0 : i32
      %dma_start3A_50 = tpu.memref_slice %arg11[%mul3A_28, %dma_start3A_49] : memref<10240x128xf32, #tpu.memory_space<vmem_shared>> -> memref<640x128xf32, #tpu.memory_space<vmem_shared>>
      tpu.enqueue_dma source(%arg5 : memref<640x128xf32, #tpu.memory_space<hbm>>) target(%dma_start3A_50 : memref<640x128xf32, #tpu.memory_space<vmem_shared>>) target_semaphore(%run_scoped3A : memref<!tpu.dma_semaphore, #tpu.memory_space<semaphore_mem>>)
      %dma_wait3A = arith.constant 0 : i32
      %dma_wait3A_51 = tpu.memref_slice %arg11[%mul3A_28, %dma_wait3A] : memref<10240x128xf32, #tpu.memory_space<vmem_shared>> -> memref<640x128xf32, #tpu.memory_space<vmem_shared>>
      tpu.wait_dma2 semaphore(%run_scoped3A : memref<!tpu.dma_semaphore, #tpu.memory_space<semaphore_mem>>) src(%arg5 : memref<640x128xf32, #tpu.memory_space<hbm>>) dst(%dma_wait3A_51 : memref<640x128xf32, #tpu.memory_space<vmem_shared>>)
      tpu.yield
    }) : () -> ()
    %barrier3A = arith.constant 0 : index
    tpu.barrier barrier_id(%barrier3A)
    %dma_start3A = arith.constant 0 : i32
    %dma_start3A_29 = arith.constant 0 : i32
    %dma_start3A_30 = tpu.memref_slice %arg7[%dma_start3A, %dma_start3A_29] : memref<80x128xi32, #tpu.memory_space<vmem>> -> memref<1x128xi32, #tpu.memory_space<vmem>>
    %dma_start3A_31 = tpu.memref_squeeze %dma_start3A_30 : memref<1x128xi32, #tpu.memory_space<vmem>> -> memref<128xi32, #tpu.memory_space<vmem>>
    %dma_start3A_32 = arith.constant 0 : i32
    %dma_start3A_33 = arith.constant 0 : i32
    %dma_start3A_34 = tpu.memref_slice %arg2[%dma_start3A_32, %dma_start3A_33] : memref<10000x128xf32, #tpu.memory_space<hbm>> -> memref<10000x128xf32, #tpu.memory_space<hbm>>
    tpu.enqueue_indirect_dma source(%dma_start3A_34 : memref<10000x128xf32, #tpu.memory_space<hbm>>) target(%arg9 : memref<128x128xf32, #tpu.memory_space<vmem>>) offsets(%dma_start3A_31 : memref<128xi32, #tpu.memory_space<vmem>>) semaphore(%arg12 : memref<!tpu.dma_semaphore, #tpu.memory_space<semaphore_mem>>)
    %while3A = arith.constant 0 : i32
    %while3A_35 = arith.constant 0 : i32
    %while3A_36 = arith.subi %select_n3A_26, %while3A_35 : i32
    %while3A_37 = arith.addi %while3A_35, %while3A_36 : i32
    %while3A_38 = arith.constant 1 : i32
    %while3A_39 = arith.divsi %while3A_36, %while3A_38 : i32
    %while3A_40 = arith.muli %while3A_39, %while3A_38 : i32
    %while3A_41 = arith.addi %while3A_35, %while3A_40 : i32
    %while3A_42 = arith.constant 1 : i32
    scf.for %while3A_49 = %while3A_35 to %while3A_41 step %while3A_42  : i32 {
      %add3A_50 = arith.addi %select_n3A_21, %while3A_49 : i32
      "tpu.region"() ({
        %run_scoped3A_196 = tpu.sem_alloc : memref<!tpu.dma_semaphore, #tpu.memory_space<semaphore_mem>>
        %dma_start3A_197 = arith.constant 0 : i32
        %dma_start3A_198 = arith.constant 0 : i32
        %dma_start3A_199 = tpu.memref_slice %arg4[%add3A_50, %dma_start3A_197, %dma_start3A_198] : memref<320x8x128xi32, #tpu.memory_space<hbm>> -> memref<1x8x128xi32, #tpu.memory_space<hbm>>
        %dma_start3A_200 = tpu.memref_squeeze %dma_start3A_199 : memref<1x8x128xi32, #tpu.memory_space<hbm>> -> memref<8x128xi32, #tpu.memory_space<hbm>>
        %dma_start3A_201 = arith.constant 0 : i32
        %dma_start3A_202 = arith.constant 0 : i32
        %dma_start3A_203 = tpu.memref_slice %arg4[%add3A_50, %dma_start3A_201, %dma_start3A_202] : memref<320x8x128xi32, #tpu.memory_space<hbm>> -> memref<1x8x128xi32, #tpu.memory_space<hbm>>
        %dma_start3A_204 = tpu.memref_squeeze %dma_start3A_203 : memref<1x8x128xi32, #tpu.memory_space<hbm>> -> memref<8x128xi32, #tpu.memory_space<hbm>>
        tpu.enqueue_dma source(%dma_start3A_204 : memref<8x128xi32, #tpu.memory_space<hbm>>) target(%arg8 : memref<8x128xi32, #tpu.memory_space<vmem>>) target_semaphore(%run_scoped3A_196 : memref<!tpu.dma_semaphore, #tpu.memory_space<semaphore_mem>>)
        %dma_wait3A_205 = arith.constant 0 : i32
        %dma_wait3A_206 = arith.constant 0 : i32
        %dma_wait3A_207 = tpu.memref_slice %arg4[%add3A_50, %dma_wait3A_205, %dma_wait3A_206] : memref<320x8x128xi32, #tpu.memory_space<hbm>> -> memref<1x8x128xi32, #tpu.memory_space<hbm>>
        %dma_wait3A_208 = tpu.memref_squeeze %dma_wait3A_207 : memref<1x8x128xi32, #tpu.memory_space<hbm>> -> memref<8x128xi32, #tpu.memory_space<hbm>>
        %dma_wait3A_209 = arith.constant 0 : i32
        %dma_wait3A_210 = arith.constant 0 : i32
        %dma_wait3A_211 = tpu.memref_slice %arg4[%add3A_50, %dma_wait3A_209, %dma_wait3A_210] : memref<320x8x128xi32, #tpu.memory_space<hbm>> -> memref<1x8x128xi32, #tpu.memory_space<hbm>>
        %dma_wait3A_212 = tpu.memref_squeeze %dma_wait3A_211 : memref<1x8x128xi32, #tpu.memory_space<hbm>> -> memref<8x128xi32, #tpu.memory_space<hbm>>
        tpu.wait_dma2 semaphore(%run_scoped3A_196 : memref<!tpu.dma_semaphore, #tpu.memory_space<semaphore_mem>>) src(%dma_wait3A_212 : memref<8x128xi32, #tpu.memory_space<hbm>>) dst(%arg8 : memref<8x128xi32, #tpu.memory_space<vmem>>)
        tpu.yield
      }) : () -> ()
      %mul3A_51 = arith.constant 8 : i32
      %mul3A_52 = arith.muli %while3A_49, %mul3A_51 : i32
      %add3A_53 = arith.constant 0 : i32
      %add3A_54 = arith.addi %mul3A_52, %add3A_53 : i32
      %dma_wait3A = arith.constant 0 : i32
      %dma_wait3A_55 = tpu.memref_slice %arg7[%add3A_54, %dma_wait3A] : memref<80x128xi32, #tpu.memory_space<vmem>> -> memref<1x128xi32, #tpu.memory_space<vmem>>
      %dma_wait3A_56 = tpu.memref_squeeze %dma_wait3A_55 : memref<1x128xi32, #tpu.memory_space<vmem>> -> memref<128xi32, #tpu.memory_space<vmem>>
      %dma_wait3A_57 = arith.constant 0 : i32
      %dma_wait3A_58 = arith.constant 0 : i32
      %dma_wait3A_59 = tpu.memref_slice %arg2[%dma_wait3A_57, %dma_wait3A_58] : memref<10000x128xf32, #tpu.memory_space<hbm>> -> memref<10000x128xf32, #tpu.memory_space<hbm>>
      tpu.wait_indirect_dma semaphore(%arg12 : memref<!tpu.dma_semaphore, #tpu.memory_space<semaphore_mem>>) src(%dma_wait3A_59 : memref<10000x128xf32, #tpu.memory_space<hbm>>) dst(%arg9 : memref<128x128xf32, #tpu.memory_space<vmem>>)
      %add3A_60 = arith.constant 1 : i32
      %add3A_61 = arith.addi %add3A_54, %add3A_60 : i32
      %dma_start3A_62 = arith.constant 0 : i32
      %dma_start3A_63 = tpu.memref_slice %arg7[%add3A_61, %dma_start3A_62] : memref<80x128xi32, #tpu.memory_space<vmem>> -> memref<1x128xi32, #tpu.memory_space<vmem>>
      %dma_start3A_64 = tpu.memref_squeeze %dma_start3A_63 : memref<1x128xi32, #tpu.memory_space<vmem>> -> memref<128xi32, #tpu.memory_space<vmem>>
      %dma_start3A_65 = arith.constant 0 : i32
      %dma_start3A_66 = arith.constant 0 : i32
      %dma_start3A_67 = tpu.memref_slice %arg2[%dma_start3A_65, %dma_start3A_66] : memref<10000x128xf32, #tpu.memory_space<hbm>> -> memref<10000x128xf32, #tpu.memory_space<hbm>>
      tpu.enqueue_indirect_dma source(%dma_start3A_67 : memref<10000x128xf32, #tpu.memory_space<hbm>>) target(%arg10 : memref<128x128xf32, #tpu.memory_space<vmem>>) offsets(%dma_start3A_64 : memref<128xi32, #tpu.memory_space<vmem>>) semaphore(%arg13 : memref<!tpu.dma_semaphore, #tpu.memory_space<semaphore_mem>>)
      %run_scoped3A = arith.constant 0 : i32
      "tpu.region"() ({
        %run_scoped3A_196 = tpu.sem_alloc : memref<!tpu.dma_semaphore, #tpu.memory_space<semaphore_mem>>
        %dma_start3A_197 = arith.constant 0 : i32
        %dma_start3A_198 = tpu.memref_slice %arg8[%run_scoped3A, %dma_start3A_197] : memref<8x128xi32, #tpu.memory_space<vmem>> -> memref<1x128xi32, #tpu.memory_space<vmem>>
        %dma_start3A_199 = tpu.memref_squeeze %dma_start3A_198 : memref<1x128xi32, #tpu.memory_space<vmem>> -> memref<128xi32, #tpu.memory_space<vmem>>
        %dma_start3A_200 = arith.constant 0 : i32
        %dma_start3A_201 = arith.constant 0 : i32
        %dma_start3A_202 = tpu.memref_slice %arg11[%dma_start3A_200, %dma_start3A_201] : memref<10240x128xf32, #tpu.memory_space<vmem_shared>> -> memref<10240x128xf32, #tpu.memory_space<vmem_shared>>
        tpu.enqueue_indirect_dma source(%arg9 : memref<128x128xf32, #tpu.memory_space<vmem>>) target(%dma_start3A_202 : memref<10240x128xf32, #tpu.memory_space<vmem_shared>>) offsets(%dma_start3A_199 : memref<128xi32, #tpu.memory_space<vmem>>) semaphore(%run_scoped3A_196 : memref<!tpu.dma_semaphore, #tpu.memory_space<semaphore_mem>>) {add = true}
        %dma_wait3A_203 = arith.constant 0 : i32
        %dma_wait3A_204 = tpu.memref_slice %arg8[%run_scoped3A, %dma_wait3A_203] : memref<8x128xi32, #tpu.memory_space<vmem>> -> memref<1x128xi32, #tpu.memory_space<vmem>>
        %dma_wait3A_205 = tpu.memref_squeeze %dma_wait3A_204 : memref<1x128xi32, #tpu.memory_space<vmem>> -> memref<128xi32, #tpu.memory_space<vmem>>
        %dma_wait3A_206 = arith.constant 0 : i32
        %dma_wait3A_207 = arith.constant 0 : i32
        %dma_wait3A_208 = tpu.memref_slice %arg11[%dma_wait3A_206, %dma_wait3A_207] : memref<10240x128xf32, #tpu.memory_space<vmem_shared>> -> memref<10240x128xf32, #tpu.memory_space<vmem_shared>>
        tpu.wait_indirect_dma semaphore(%run_scoped3A_196 : memref<!tpu.dma_semaphore, #tpu.memory_space<semaphore_mem>>) src(%arg9 : memref<128x128xf32, #tpu.memory_space<vmem>>) dst(%dma_wait3A_208 : memref<10240x128xf32, #tpu.memory_space<vmem_shared>>)
        tpu.yield
      }) : () -> ()
      %mul3A_68 = arith.constant 8 : i32
      %mul3A_69 = arith.muli %while3A_49, %mul3A_68 : i32
      %add3A_70 = arith.constant 1 : i32
      %add3A_71 = arith.addi %mul3A_69, %add3A_70 : i32
      %dma_wait3A_72 = arith.constant 0 : i32
      %dma_wait3A_73 = tpu.memref_slice %arg7[%add3A_71, %dma_wait3A_72] : memref<80x128xi32, #tpu.memory_space<vmem>> -> memref<1x128xi32, #tpu.memory_space<vmem>>
      %dma_wait3A_74 = tpu.memref_squeeze %dma_wait3A_73 : memref<1x128xi32, #tpu.memory_space<vmem>> -> memref<128xi32, #tpu.memory_space<vmem>>
      %dma_wait3A_75 = arith.constant 0 : i32
      %dma_wait3A_76 = arith.constant 0 : i32
      %dma_wait3A_77 = tpu.memref_slice %arg2[%dma_wait3A_75, %dma_wait3A_76] : memref<10000x128xf32, #tpu.memory_space<hbm>> -> memref<10000x128xf32, #tpu.memory_space<hbm>>
      tpu.wait_indirect_dma semaphore(%arg13 : memref<!tpu.dma_semaphore, #tpu.memory_space<semaphore_mem>>) src(%dma_wait3A_77 : memref<10000x128xf32, #tpu.memory_space<hbm>>) dst(%arg10 : memref<128x128xf32, #tpu.memory_space<vmem>>)
      %add3A_78 = arith.constant 1 : i32
      %add3A_79 = arith.addi %add3A_71, %add3A_78 : i32
      %dma_start3A_80 = arith.constant 0 : i32
      %dma_start3A_81 = tpu.memref_slice %arg7[%add3A_79, %dma_start3A_80] : memref<80x128xi32, #tpu.memory_space<vmem>> -> memref<1x128xi32, #tpu.memory_space<vmem>>
      %dma_start3A_82 = tpu.memref_squeeze %dma_start3A_81 : memref<1x128xi32, #tpu.memory_space<vmem>> -> memref<128xi32, #tpu.memory_space<vmem>>
      %dma_start3A_83 = arith.constant 0 : i32
      %dma_start3A_84 = arith.constant 0 : i32
      %dma_start3A_85 = tpu.memref_slice %arg2[%dma_start3A_83, %dma_start3A_84] : memref<10000x128xf32, #tpu.memory_space<hbm>> -> memref<10000x128xf32, #tpu.memory_space<hbm>>
      tpu.enqueue_indirect_dma source(%dma_start3A_85 : memref<10000x128xf32, #tpu.memory_space<hbm>>) target(%arg9 : memref<128x128xf32, #tpu.memory_space<vmem>>) offsets(%dma_start3A_82 : memref<128xi32, #tpu.memory_space<vmem>>) semaphore(%arg12 : memref<!tpu.dma_semaphore, #tpu.memory_space<semaphore_mem>>)
      %run_scoped3A_86 = arith.constant 1 : i32
      "tpu.region"() ({
        %run_scoped3A_196 = tpu.sem_alloc : memref<!tpu.dma_semaphore, #tpu.memory_space<semaphore_mem>>
        %dma_start3A_197 = arith.constant 0 : i32
        %dma_start3A_198 = tpu.memref_slice %arg8[%run_scoped3A_86, %dma_start3A_197] : memref<8x128xi32, #tpu.memory_space<vmem>> -> memref<1x128xi32, #tpu.memory_space<vmem>>
        %dma_start3A_199 = tpu.memref_squeeze %dma_start3A_198 : memref<1x128xi32, #tpu.memory_space<vmem>> -> memref<128xi32, #tpu.memory_space<vmem>>
        %dma_start3A_200 = arith.constant 0 : i32
        %dma_start3A_201 = arith.constant 0 : i32
        %dma_start3A_202 = tpu.memref_slice %arg11[%dma_start3A_200, %dma_start3A_201] : memref<10240x128xf32, #tpu.memory_space<vmem_shared>> -> memref<10240x128xf32, #tpu.memory_space<vmem_shared>>
        tpu.enqueue_indirect_dma source(%arg10 : memref<128x128xf32, #tpu.memory_space<vmem>>) target(%dma_start3A_202 : memref<10240x128xf32, #tpu.memory_space<vmem_shared>>) offsets(%dma_start3A_199 : memref<128xi32, #tpu.memory_space<vmem>>) semaphore(%run_scoped3A_196 : memref<!tpu.dma_semaphore, #tpu.memory_space<semaphore_mem>>) {add = true}
        %dma_wait3A_203 = arith.constant 0 : i32
        %dma_wait3A_204 = tpu.memref_slice %arg8[%run_scoped3A_86, %dma_wait3A_203] : memref<8x128xi32, #tpu.memory_space<vmem>> -> memref<1x128xi32, #tpu.memory_space<vmem>>
        %dma_wait3A_205 = tpu.memref_squeeze %dma_wait3A_204 : memref<1x128xi32, #tpu.memory_space<vmem>> -> memref<128xi32, #tpu.memory_space<vmem>>
        %dma_wait3A_206 = arith.constant 0 : i32
        %dma_wait3A_207 = arith.constant 0 : i32
        %dma_wait3A_208 = tpu.memref_slice %arg11[%dma_wait3A_206, %dma_wait3A_207] : memref<10240x128xf32, #tpu.memory_space<vmem_shared>> -> memref<10240x128xf32, #tpu.memory_space<vmem_shared>>
        tpu.wait_indirect_dma semaphore(%run_scoped3A_196 : memref<!tpu.dma_semaphore, #tpu.memory_space<semaphore_mem>>) src(%arg10 : memref<128x128xf32, #tpu.memory_space<vmem>>) dst(%dma_wait3A_208 : memref<10240x128xf32, #tpu.memory_space<vmem_shared>>)
        tpu.yield
      }) : () -> ()
      %mul3A_87 = arith.constant 8 : i32
      %mul3A_88 = arith.muli %while3A_49, %mul3A_87 : i32
      %add3A_89 = arith.constant 2 : i32
      %add3A_90 = arith.addi %mul3A_88, %add3A_89 : i32
      %dma_wait3A_91 = arith.constant 0 : i32
      %dma_wait3A_92 = tpu.memref_slice %arg7[%add3A_90, %dma_wait3A_91] : memref<80x128xi32, #tpu.memory_space<vmem>> -> memref<1x128xi32, #tpu.memory_space<vmem>>
      %dma_wait3A_93 = tpu.memref_squeeze %dma_wait3A_92 : memref<1x128xi32, #tpu.memory_space<vmem>> -> memref<128xi32, #tpu.memory_space<vmem>>
      %dma_wait3A_94 = arith.constant 0 : i32
      %dma_wait3A_95 = arith.constant 0 : i32
      %dma_wait3A_96 = tpu.memref_slice %arg2[%dma_wait3A_94, %dma_wait3A_95] : memref<10000x128xf32, #tpu.memory_space<hbm>> -> memref<10000x128xf32, #tpu.memory_space<hbm>>
      tpu.wait_indirect_dma semaphore(%arg12 : memref<!tpu.dma_semaphore, #tpu.memory_space<semaphore_mem>>) src(%dma_wait3A_96 : memref<10000x128xf32, #tpu.memory_space<hbm>>) dst(%arg9 : memref<128x128xf32, #tpu.memory_space<vmem>>)
      %add3A_97 = arith.constant 1 : i32
      %add3A_98 = arith.addi %add3A_90, %add3A_97 : i32
      %dma_start3A_99 = arith.constant 0 : i32
      %dma_start3A_100 = tpu.memref_slice %arg7[%add3A_98, %dma_start3A_99] : memref<80x128xi32, #tpu.memory_space<vmem>> -> memref<1x128xi32, #tpu.memory_space<vmem>>
      %dma_start3A_101 = tpu.memref_squeeze %dma_start3A_100 : memref<1x128xi32, #tpu.memory_space<vmem>> -> memref<128xi32, #tpu.memory_space<vmem>>
      %dma_start3A_102 = arith.constant 0 : i32
      %dma_start3A_103 = arith.constant 0 : i32
      %dma_start3A_104 = tpu.memref_slice %arg2[%dma_start3A_102, %dma_start3A_103] : memref<10000x128xf32, #tpu.memory_space<hbm>> -> memref<10000x128xf32, #tpu.memory_space<hbm>>
      tpu.enqueue_indirect_dma source(%dma_start3A_104 : memref<10000x128xf32, #tpu.memory_space<hbm>>) target(%arg10 : memref<128x128xf32, #tpu.memory_space<vmem>>) offsets(%dma_start3A_101 : memref<128xi32, #tpu.memory_space<vmem>>) semaphore(%arg13 : memref<!tpu.dma_semaphore, #tpu.memory_space<semaphore_mem>>)
      %run_scoped3A_105 = arith.constant 2 : i32
      "tpu.region"() ({
        %run_scoped3A_196 = tpu.sem_alloc : memref<!tpu.dma_semaphore, #tpu.memory_space<semaphore_mem>>
        %dma_start3A_197 = arith.constant 0 : i32
        %dma_start3A_198 = tpu.memref_slice %arg8[%run_scoped3A_105, %dma_start3A_197] : memref<8x128xi32, #tpu.memory_space<vmem>> -> memref<1x128xi32, #tpu.memory_space<vmem>>
        %dma_start3A_199 = tpu.memref_squeeze %dma_start3A_198 : memref<1x128xi32, #tpu.memory_space<vmem>> -> memref<128xi32, #tpu.memory_space<vmem>>
        %dma_start3A_200 = arith.constant 0 : i32
        %dma_start3A_201 = arith.constant 0 : i32
        %dma_start3A_202 = tpu.memref_slice %arg11[%dma_start3A_200, %dma_start3A_201] : memref<10240x128xf32, #tpu.memory_space<vmem_shared>> -> memref<10240x128xf32, #tpu.memory_space<vmem_shared>>
        tpu.enqueue_indirect_dma source(%arg9 : memref<128x128xf32, #tpu.memory_space<vmem>>) target(%dma_start3A_202 : memref<10240x128xf32, #tpu.memory_space<vmem_shared>>) offsets(%dma_start3A_199 : memref<128xi32, #tpu.memory_space<vmem>>) semaphore(%run_scoped3A_196 : memref<!tpu.dma_semaphore, #tpu.memory_space<semaphore_mem>>) {add = true}
        %dma_wait3A_203 = arith.constant 0 : i32
        %dma_wait3A_204 = tpu.memref_slice %arg8[%run_scoped3A_105, %dma_wait3A_203] : memref<8x128xi32, #tpu.memory_space<vmem>> -> memref<1x128xi32, #tpu.memory_space<vmem>>
        %dma_wait3A_205 = tpu.memref_squeeze %dma_wait3A_204 : memref<1x128xi32, #tpu.memory_space<vmem>> -> memref<128xi32, #tpu.memory_space<vmem>>
        %dma_wait3A_206 = arith.constant 0 : i32
        %dma_wait3A_207 = arith.constant 0 : i32
        %dma_wait3A_208 = tpu.memref_slice %arg11[%dma_wait3A_206, %dma_wait3A_207] : memref<10240x128xf32, #tpu.memory_space<vmem_shared>> -> memref<10240x128xf32, #tpu.memory_space<vmem_shared>>
        tpu.wait_indirect_dma semaphore(%run_scoped3A_196 : memref<!tpu.dma_semaphore, #tpu.memory_space<semaphore_mem>>) src(%arg9 : memref<128x128xf32, #tpu.memory_space<vmem>>) dst(%dma_wait3A_208 : memref<10240x128xf32, #tpu.memory_space<vmem_shared>>)
        tpu.yield
      }) : () -> ()
      %mul3A_106 = arith.constant 8 : i32
      %mul3A_107 = arith.muli %while3A_49, %mul3A_106 : i32
      %add3A_108 = arith.constant 3 : i32
      %add3A_109 = arith.addi %mul3A_107, %add3A_108 : i32
      %dma_wait3A_110 = arith.constant 0 : i32
      %dma_wait3A_111 = tpu.memref_slice %arg7[%add3A_109, %dma_wait3A_110] : memref<80x128xi32, #tpu.memory_space<vmem>> -> memref<1x128xi32, #tpu.memory_space<vmem>>
      %dma_wait3A_112 = tpu.memref_squeeze %dma_wait3A_111 : memref<1x128xi32, #tpu.memory_space<vmem>> -> memref<128xi32, #tpu.memory_space<vmem>>
      %dma_wait3A_113 = arith.constant 0 : i32
      %dma_wait3A_114 = arith.constant 0 : i32
      %dma_wait3A_115 = tpu.memref_slice %arg2[%dma_wait3A_113, %dma_wait3A_114] : memref<10000x128xf32, #tpu.memory_space<hbm>> -> memref<10000x128xf32, #tpu.memory_space<hbm>>
      tpu.wait_indirect_dma semaphore(%arg13 : memref<!tpu.dma_semaphore, #tpu.memory_space<semaphore_mem>>) src(%dma_wait3A_115 : memref<10000x128xf32, #tpu.memory_space<hbm>>) dst(%arg10 : memref<128x128xf32, #tpu.memory_space<vmem>>)
      %add3A_116 = arith.constant 1 : i32
      %add3A_117 = arith.addi %add3A_109, %add3A_116 : i32
      %dma_start3A_118 = arith.constant 0 : i32
      %dma_start3A_119 = tpu.memref_slice %arg7[%add3A_117, %dma_start3A_118] : memref<80x128xi32, #tpu.memory_space<vmem>> -> memref<1x128xi32, #tpu.memory_space<vmem>>
      %dma_start3A_120 = tpu.memref_squeeze %dma_start3A_119 : memref<1x128xi32, #tpu.memory_space<vmem>> -> memref<128xi32, #tpu.memory_space<vmem>>
      %dma_start3A_121 = arith.constant 0 : i32
      %dma_start3A_122 = arith.constant 0 : i32
      %dma_start3A_123 = tpu.memref_slice %arg2[%dma_start3A_121, %dma_start3A_122] : memref<10000x128xf32, #tpu.memory_space<hbm>> -> memref<10000x128xf32, #tpu.memory_space<hbm>>
      tpu.enqueue_indirect_dma source(%dma_start3A_123 : memref<10000x128xf32, #tpu.memory_space<hbm>>) target(%arg9 : memref<128x128xf32, #tpu.memory_space<vmem>>) offsets(%dma_start3A_120 : memref<128xi32, #tpu.memory_space<vmem>>) semaphore(%arg12 : memref<!tpu.dma_semaphore, #tpu.memory_space<semaphore_mem>>)
      %run_scoped3A_124 = arith.constant 3 : i32
      "tpu.region"() ({
        %run_scoped3A_196 = tpu.sem_alloc : memref<!tpu.dma_semaphore, #tpu.memory_space<semaphore_mem>>
        %dma_start3A_197 = arith.constant 0 : i32
        %dma_start3A_198 = tpu.memref_slice %arg8[%run_scoped3A_124, %dma_start3A_197] : memref<8x128xi32, #tpu.memory_space<vmem>> -> memref<1x128xi32, #tpu.memory_space<vmem>>
        %dma_start3A_199 = tpu.memref_squeeze %dma_start3A_198 : memref<1x128xi32, #tpu.memory_space<vmem>> -> memref<128xi32, #tpu.memory_space<vmem>>
        %dma_start3A_200 = arith.constant 0 : i32
        %dma_start3A_201 = arith.constant 0 : i32
        %dma_start3A_202 = tpu.memref_slice %arg11[%dma_start3A_200, %dma_start3A_201] : memref<10240x128xf32, #tpu.memory_space<vmem_shared>> -> memref<10240x128xf32, #tpu.memory_space<vmem_shared>>
        tpu.enqueue_indirect_dma source(%arg10 : memref<128x128xf32, #tpu.memory_space<vmem>>) target(%dma_start3A_202 : memref<10240x128xf32, #tpu.memory_space<vmem_shared>>) offsets(%dma_start3A_199 : memref<128xi32, #tpu.memory_space<vmem>>) semaphore(%run_scoped3A_196 : memref<!tpu.dma_semaphore, #tpu.memory_space<semaphore_mem>>) {add = true}
        %dma_wait3A_203 = arith.constant 0 : i32
        %dma_wait3A_204 = tpu.memref_slice %arg8[%run_scoped3A_124, %dma_wait3A_203] : memref<8x128xi32, #tpu.memory_space<vmem>> -> memref<1x128xi32, #tpu.memory_space<vmem>>
        %dma_wait3A_205 = tpu.memref_squeeze %dma_wait3A_204 : memref<1x128xi32, #tpu.memory_space<vmem>> -> memref<128xi32, #tpu.memory_space<vmem>>
        %dma_wait3A_206 = arith.constant 0 : i32
        %dma_wait3A_207 = arith.constant 0 : i32
        %dma_wait3A_208 = tpu.memref_slice %arg11[%dma_wait3A_206, %dma_wait3A_207] : memref<10240x128xf32, #tpu.memory_space<vmem_shared>> -> memref<10240x128xf32, #tpu.memory_space<vmem_shared>>
        tpu.wait_indirect_dma semaphore(%run_scoped3A_196 : memref<!tpu.dma_semaphore, #tpu.memory_space<semaphore_mem>>) src(%arg10 : memref<128x128xf32, #tpu.memory_space<vmem>>) dst(%dma_wait3A_208 : memref<10240x128xf32, #tpu.memory_space<vmem_shared>>)
        tpu.yield
      }) : () -> ()
      %mul3A_125 = arith.constant 8 : i32
      %mul3A_126 = arith.muli %while3A_49, %mul3A_125 : i32
      %add3A_127 = arith.constant 4 : i32
      %add3A_128 = arith.addi %mul3A_126, %add3A_127 : i32
      %dma_wait3A_129 = arith.constant 0 : i32
      %dma_wait3A_130 = tpu.memref_slice %arg7[%add3A_128, %dma_wait3A_129] : memref<80x128xi32, #tpu.memory_space<vmem>> -> memref<1x128xi32, #tpu.memory_space<vmem>>
      %dma_wait3A_131 = tpu.memref_squeeze %dma_wait3A_130 : memref<1x128xi32, #tpu.memory_space<vmem>> -> memref<128xi32, #tpu.memory_space<vmem>>
      %dma_wait3A_132 = arith.constant 0 : i32
      %dma_wait3A_133 = arith.constant 0 : i32
      %dma_wait3A_134 = tpu.memref_slice %arg2[%dma_wait3A_132, %dma_wait3A_133] : memref<10000x128xf32, #tpu.memory_space<hbm>> -> memref<10000x128xf32, #tpu.memory_space<hbm>>
      tpu.wait_indirect_dma semaphore(%arg12 : memref<!tpu.dma_semaphore, #tpu.memory_space<semaphore_mem>>) src(%dma_wait3A_134 : memref<10000x128xf32, #tpu.memory_space<hbm>>) dst(%arg9 : memref<128x128xf32, #tpu.memory_space<vmem>>)
      %add3A_135 = arith.constant 1 : i32
      %add3A_136 = arith.addi %add3A_128, %add3A_135 : i32
      %dma_start3A_137 = arith.constant 0 : i32
      %dma_start3A_138 = tpu.memref_slice %arg7[%add3A_136, %dma_start3A_137] : memref<80x128xi32, #tpu.memory_space<vmem>> -> memref<1x128xi32, #tpu.memory_space<vmem>>
      %dma_start3A_139 = tpu.memref_squeeze %dma_start3A_138 : memref<1x128xi32, #tpu.memory_space<vmem>> -> memref<128xi32, #tpu.memory_space<vmem>>
      %dma_start3A_140 = arith.constant 0 : i32
      %dma_start3A_141 = arith.constant 0 : i32
      %dma_start3A_142 = tpu.memref_slice %arg2[%dma_start3A_140, %dma_start3A_141] : memref<10000x128xf32, #tpu.memory_space<hbm>> -> memref<10000x128xf32, #tpu.memory_space<hbm>>
      tpu.enqueue_indirect_dma source(%dma_start3A_142 : memref<10000x128xf32, #tpu.memory_space<hbm>>) target(%arg10 : memref<128x128xf32, #tpu.memory_space<vmem>>) offsets(%dma_start3A_139 : memref<128xi32, #tpu.memory_space<vmem>>) semaphore(%arg13 : memref<!tpu.dma_semaphore, #tpu.memory_space<semaphore_mem>>)
      %run_scoped3A_143 = arith.constant 4 : i32
      "tpu.region"() ({
        %run_scoped3A_196 = tpu.sem_alloc : memref<!tpu.dma_semaphore, #tpu.memory_space<semaphore_mem>>
        %dma_start3A_197 = arith.constant 0 : i32
        %dma_start3A_198 = tpu.memref_slice %arg8[%run_scoped3A_143, %dma_start3A_197] : memref<8x128xi32, #tpu.memory_space<vmem>> -> memref<1x128xi32, #tpu.memory_space<vmem>>
        %dma_start3A_199 = tpu.memref_squeeze %dma_start3A_198 : memref<1x128xi32, #tpu.memory_space<vmem>> -> memref<128xi32, #tpu.memory_space<vmem>>
        %dma_start3A_200 = arith.constant 0 : i32
        %dma_start3A_201 = arith.constant 0 : i32
        %dma_start3A_202 = tpu.memref_slice %arg11[%dma_start3A_200, %dma_start3A_201] : memref<10240x128xf32, #tpu.memory_space<vmem_shared>> -> memref<10240x128xf32, #tpu.memory_space<vmem_shared>>
        tpu.enqueue_indirect_dma source(%arg9 : memref<128x128xf32, #tpu.memory_space<vmem>>) target(%dma_start3A_202 : memref<10240x128xf32, #tpu.memory_space<vmem_shared>>) offsets(%dma_start3A_199 : memref<128xi32, #tpu.memory_space<vmem>>) semaphore(%run_scoped3A_196 : memref<!tpu.dma_semaphore, #tpu.memory_space<semaphore_mem>>) {add = true}
        %dma_wait3A_203 = arith.constant 0 : i32
        %dma_wait3A_204 = tpu.memref_slice %arg8[%run_scoped3A_143, %dma_wait3A_203] : memref<8x128xi32, #tpu.memory_space<vmem>> -> memref<1x128xi32, #tpu.memory_space<vmem>>
        %dma_wait3A_205 = tpu.memref_squeeze %dma_wait3A_204 : memref<1x128xi32, #tpu.memory_space<vmem>> -> memref<128xi32, #tpu.memory_space<vmem>>
        %dma_wait3A_206 = arith.constant 0 : i32
        %dma_wait3A_207 = arith.constant 0 : i32
        %dma_wait3A_208 = tpu.memref_slice %arg11[%dma_wait3A_206, %dma_wait3A_207] : memref<10240x128xf32, #tpu.memory_space<vmem_shared>> -> memref<10240x128xf32, #tpu.memory_space<vmem_shared>>
        tpu.wait_indirect_dma semaphore(%run_scoped3A_196 : memref<!tpu.dma_semaphore, #tpu.memory_space<semaphore_mem>>) src(%arg9 : memref<128x128xf32, #tpu.memory_space<vmem>>) dst(%dma_wait3A_208 : memref<10240x128xf32, #tpu.memory_space<vmem_shared>>)
        tpu.yield
      }) : () -> ()
      %mul3A_144 = arith.constant 8 : i32
      %mul3A_145 = arith.muli %while3A_49, %mul3A_144 : i32
      %add3A_146 = arith.constant 5 : i32
      %add3A_147 = arith.addi %mul3A_145, %add3A_146 : i32
      %dma_wait3A_148 = arith.constant 0 : i32
      %dma_wait3A_149 = tpu.memref_slice %arg7[%add3A_147, %dma_wait3A_148] : memref<80x128xi32, #tpu.memory_space<vmem>> -> memref<1x128xi32, #tpu.memory_space<vmem>>
      %dma_wait3A_150 = tpu.memref_squeeze %dma_wait3A_149 : memref<1x128xi32, #tpu.memory_space<vmem>> -> memref<128xi32, #tpu.memory_space<vmem>>
      %dma_wait3A_151 = arith.constant 0 : i32
      %dma_wait3A_152 = arith.constant 0 : i32
      %dma_wait3A_153 = tpu.memref_slice %arg2[%dma_wait3A_151, %dma_wait3A_152] : memref<10000x128xf32, #tpu.memory_space<hbm>> -> memref<10000x128xf32, #tpu.memory_space<hbm>>
      tpu.wait_indirect_dma semaphore(%arg13 : memref<!tpu.dma_semaphore, #tpu.memory_space<semaphore_mem>>) src(%dma_wait3A_153 : memref<10000x128xf32, #tpu.memory_space<hbm>>) dst(%arg10 : memref<128x128xf32, #tpu.memory_space<vmem>>)
      %add3A_154 = arith.constant 1 : i32
      %add3A_155 = arith.addi %add3A_147, %add3A_154 : i32
      %dma_start3A_156 = arith.constant 0 : i32
      %dma_start3A_157 = tpu.memref_slice %arg7[%add3A_155, %dma_start3A_156] : memref<80x128xi32, #tpu.memory_space<vmem>> -> memref<1x128xi32, #tpu.memory_space<vmem>>
      %dma_start3A_158 = tpu.memref_squeeze %dma_start3A_157 : memref<1x128xi32, #tpu.memory_space<vmem>> -> memref<128xi32, #tpu.memory_space<vmem>>
      %dma_start3A_159 = arith.constant 0 : i32
      %dma_start3A_160 = arith.constant 0 : i32
      %dma_start3A_161 = tpu.memref_slice %arg2[%dma_start3A_159, %dma_start3A_160] : memref<10000x128xf32, #tpu.memory_space<hbm>> -> memref<10000x128xf32, #tpu.memory_space<hbm>>
      tpu.enqueue_indirect_dma source(%dma_start3A_161 : memref<10000x128xf32, #tpu.memory_space<hbm>>) target(%arg9 : memref<128x128xf32, #tpu.memory_space<vmem>>) offsets(%dma_start3A_158 : memref<128xi32, #tpu.memory_space<vmem>>) semaphore(%arg12 : memref<!tpu.dma_semaphore, #tpu.memory_space<semaphore_mem>>)
      %run_scoped3A_162 = arith.constant 5 : i32
      "tpu.region"() ({
        %run_scoped3A_196 = tpu.sem_alloc : memref<!tpu.dma_semaphore, #tpu.memory_space<semaphore_mem>>
        %dma_start3A_197 = arith.constant 0 : i32
        %dma_start3A_198 = tpu.memref_slice %arg8[%run_scoped3A_162, %dma_start3A_197] : memref<8x128xi32, #tpu.memory_space<vmem>> -> memref<1x128xi32, #tpu.memory_space<vmem>>
        %dma_start3A_199 = tpu.memref_squeeze %dma_start3A_198 : memref<1x128xi32, #tpu.memory_space<vmem>> -> memref<128xi32, #tpu.memory_space<vmem>>
        %dma_start3A_200 = arith.constant 0 : i32
        %dma_start3A_201 = arith.constant 0 : i32
        %dma_start3A_202 = tpu.memref_slice %arg11[%dma_start3A_200, %dma_start3A_201] : memref<10240x128xf32, #tpu.memory_space<vmem_shared>> -> memref<10240x128xf32, #tpu.memory_space<vmem_shared>>
        tpu.enqueue_indirect_dma source(%arg10 : memref<128x128xf32, #tpu.memory_space<vmem>>) target(%dma_start3A_202 : memref<10240x128xf32, #tpu.memory_space<vmem_shared>>) offsets(%dma_start3A_199 : memref<128xi32, #tpu.memory_space<vmem>>) semaphore(%run_scoped3A_196 : memref<!tpu.dma_semaphore, #tpu.memory_space<semaphore_mem>>) {add = true}
        %dma_wait3A_203 = arith.constant 0 : i32
        %dma_wait3A_204 = tpu.memref_slice %arg8[%run_scoped3A_162, %dma_wait3A_203] : memref<8x128xi32, #tpu.memory_space<vmem>> -> memref<1x128xi32, #tpu.memory_space<vmem>>
        %dma_wait3A_205 = tpu.memref_squeeze %dma_wait3A_204 : memref<1x128xi32, #tpu.memory_space<vmem>> -> memref<128xi32, #tpu.memory_space<vmem>>
        %dma_wait3A_206 = arith.constant 0 : i32
        %dma_wait3A_207 = arith.constant 0 : i32
        %dma_wait3A_208 = tpu.memref_slice %arg11[%dma_wait3A_206, %dma_wait3A_207] : memref<10240x128xf32, #tpu.memory_space<vmem_shared>> -> memref<10240x128xf32, #tpu.memory_space<vmem_shared>>
        tpu.wait_indirect_dma semaphore(%run_scoped3A_196 : memref<!tpu.dma_semaphore, #tpu.memory_space<semaphore_mem>>) src(%arg10 : memref<128x128xf32, #tpu.memory_space<vmem>>) dst(%dma_wait3A_208 : memref<10240x128xf32, #tpu.memory_space<vmem_shared>>)
        tpu.yield
      }) : () -> ()
      %mul3A_163 = arith.constant 8 : i32
      %mul3A_164 = arith.muli %while3A_49, %mul3A_163 : i32
      %add3A_165 = arith.constant 6 : i32
      %add3A_166 = arith.addi %mul3A_164, %add3A_165 : i32
      %dma_wait3A_167 = arith.constant 0 : i32
      %dma_wait3A_168 = tpu.memref_slice %arg7[%add3A_166, %dma_wait3A_167] : memref<80x128xi32, #tpu.memory_space<vmem>> -> memref<1x128xi32, #tpu.memory_space<vmem>>
      %dma_wait3A_169 = tpu.memref_squeeze %dma_wait3A_168 : memref<1x128xi32, #tpu.memory_space<vmem>> -> memref<128xi32, #tpu.memory_space<vmem>>
      %dma_wait3A_170 = arith.constant 0 : i32
      %dma_wait3A_171 = arith.constant 0 : i32
      %dma_wait3A_172 = tpu.memref_slice %arg2[%dma_wait3A_170, %dma_wait3A_171] : memref<10000x128xf32, #tpu.memory_space<hbm>> -> memref<10000x128xf32, #tpu.memory_space<hbm>>
      tpu.wait_indirect_dma semaphore(%arg12 : memref<!tpu.dma_semaphore, #tpu.memory_space<semaphore_mem>>) src(%dma_wait3A_172 : memref<10000x128xf32, #tpu.memory_space<hbm>>) dst(%arg9 : memref<128x128xf32, #tpu.memory_space<vmem>>)
      %add3A_173 = arith.constant 1 : i32
      %add3A_174 = arith.addi %add3A_166, %add3A_173 : i32
      %dma_start3A_175 = arith.constant 0 : i32
      %dma_start3A_176 = tpu.memref_slice %arg7[%add3A_174, %dma_start3A_175] : memref<80x128xi32, #tpu.memory_space<vmem>> -> memref<1x128xi32, #tpu.memory_space<vmem>>
      %dma_start3A_177 = tpu.memref_squeeze %dma_start3A_176 : memref<1x128xi32, #tpu.memory_space<vmem>> -> memref<128xi32, #tpu.memory_space<vmem>>
      %dma_start3A_178 = arith.constant 0 : i32
      %dma_start3A_179 = arith.constant 0 : i32
      %dma_start3A_180 = tpu.memref_slice %arg2[%dma_start3A_178, %dma_start3A_179] : memref<10000x128xf32, #tpu.memory_space<hbm>> -> memref<10000x128xf32, #tpu.memory_space<hbm>>
      tpu.enqueue_indirect_dma source(%dma_start3A_180 : memref<10000x128xf32, #tpu.memory_space<hbm>>) target(%arg10 : memref<128x128xf32, #tpu.memory_space<vmem>>) offsets(%dma_start3A_177 : memref<128xi32, #tpu.memory_space<vmem>>) semaphore(%arg13 : memref<!tpu.dma_semaphore, #tpu.memory_space<semaphore_mem>>)
      %run_scoped3A_181 = arith.constant 6 : i32
      "tpu.region"() ({
        %run_scoped3A_196 = tpu.sem_alloc : memref<!tpu.dma_semaphore, #tpu.memory_space<semaphore_mem>>
        %dma_start3A_197 = arith.constant 0 : i32
        %dma_start3A_198 = tpu.memref_slice %arg8[%run_scoped3A_181, %dma_start3A_197] : memref<8x128xi32, #tpu.memory_space<vmem>> -> memref<1x128xi32, #tpu.memory_space<vmem>>
        %dma_start3A_199 = tpu.memref_squeeze %dma_start3A_198 : memref<1x128xi32, #tpu.memory_space<vmem>> -> memref<128xi32, #tpu.memory_space<vmem>>
        %dma_start3A_200 = arith.constant 0 : i32
        %dma_start3A_201 = arith.constant 0 : i32
        %dma_start3A_202 = tpu.memref_slice %arg11[%dma_start3A_200, %dma_start3A_201] : memref<10240x128xf32, #tpu.memory_space<vmem_shared>> -> memref<10240x128xf32, #tpu.memory_space<vmem_shared>>
        tpu.enqueue_indirect_dma source(%arg9 : memref<128x128xf32, #tpu.memory_space<vmem>>) target(%dma_start3A_202 : memref<10240x128xf32, #tpu.memory_space<vmem_shared>>) offsets(%dma_start3A_199 : memref<128xi32, #tpu.memory_space<vmem>>) semaphore(%run_scoped3A_196 : memref<!tpu.dma_semaphore, #tpu.memory_space<semaphore_mem>>) {add = true}
        %dma_wait3A_203 = arith.constant 0 : i32
        %dma_wait3A_204 = tpu.memref_slice %arg8[%run_scoped3A_181, %dma_wait3A_203] : memref<8x128xi32, #tpu.memory_space<vmem>> -> memref<1x128xi32, #tpu.memory_space<vmem>>
        %dma_wait3A_205 = tpu.memref_squeeze %dma_wait3A_204 : memref<1x128xi32, #tpu.memory_space<vmem>> -> memref<128xi32, #tpu.memory_space<vmem>>
        %dma_wait3A_206 = arith.constant 0 : i32
        %dma_wait3A_207 = arith.constant 0 : i32
        %dma_wait3A_208 = tpu.memref_slice %arg11[%dma_wait3A_206, %dma_wait3A_207] : memref<10240x128xf32, #tpu.memory_space<vmem_shared>> -> memref<10240x128xf32, #tpu.memory_space<vmem_shared>>
        tpu.wait_indirect_dma semaphore(%run_scoped3A_196 : memref<!tpu.dma_semaphore, #tpu.memory_space<semaphore_mem>>) src(%arg9 : memref<128x128xf32, #tpu.memory_space<vmem>>) dst(%dma_wait3A_208 : memref<10240x128xf32, #tpu.memory_space<vmem_shared>>)
        tpu.yield
      }) : () -> ()
      %mul3A_182 = arith.constant 8 : i32
      %mul3A_183 = arith.muli %while3A_49, %mul3A_182 : i32
      %add3A_184 = arith.constant 7 : i32
      %add3A_185 = arith.addi %mul3A_183, %add3A_184 : i32
      %dma_wait3A_186 = arith.constant 0 : i32
      %dma_wait3A_187 = tpu.memref_slice %arg7[%add3A_185, %dma_wait3A_186] : memref<80x128xi32, #tpu.memory_space<vmem>> -> memref<1x128xi32, #tpu.memory_space<vmem>>
      %dma_wait3A_188 = tpu.memref_squeeze %dma_wait3A_187 : memref<1x128xi32, #tpu.memory_space<vmem>> -> memref<128xi32, #tpu.memory_space<vmem>>
      %dma_wait3A_189 = arith.constant 0 : i32
      %dma_wait3A_190 = arith.constant 0 : i32
      %dma_wait3A_191 = tpu.memref_slice %arg2[%dma_wait3A_189, %dma_wait3A_190] : memref<10000x128xf32, #tpu.memory_space<hbm>> -> memref<10000x128xf32, #tpu.memory_space<hbm>>
      tpu.wait_indirect_dma semaphore(%arg13 : memref<!tpu.dma_semaphore, #tpu.memory_space<semaphore_mem>>) src(%dma_wait3A_191 : memref<10000x128xf32, #tpu.memory_space<hbm>>) dst(%arg10 : memref<128x128xf32, #tpu.memory_space<vmem>>)
      %sub3A_192 = arith.constant 1 : i32
      %sub3A_193 = arith.subi %select_n3A_26, %sub3A_192 : i32
      %lt3A = arith.cmpi slt, %while3A_49, %sub3A_193 : i32
      %convert_element_type3A = arith.extui %lt3A : i1 to i32
      %cond3A = arith.constant 0 : i32
      %cond3A_194 = arith.cmpi ne, %convert_element_type3A, %cond3A : i32
      scf.if %cond3A_194 {
        %add3A_196 = arith.constant 1 : i32
        %add3A_197 = arith.addi %add3A_185, %add3A_196 : i32
        %dma_start3A_198 = arith.constant 0 : i32
        %dma_start3A_199 = tpu.memref_slice %arg7[%add3A_197, %dma_start3A_198] : memref<80x128xi32, #tpu.memory_space<vmem>> -> memref<1x128xi32, #tpu.memory_space<vmem>>
        %dma_start3A_200 = tpu.memref_squeeze %dma_start3A_199 : memref<1x128xi32, #tpu.memory_space<vmem>> -> memref<128xi32, #tpu.memory_space<vmem>>
        %dma_start3A_201 = arith.constant 0 : i32
        %dma_start3A_202 = arith.constant 0 : i32
        %dma_start3A_203 = tpu.memref_slice %arg2[%dma_start3A_201, %dma_start3A_202] : memref<10000x128xf32, #tpu.memory_space<hbm>> -> memref<10000x128xf32, #tpu.memory_space<hbm>>
        tpu.enqueue_indirect_dma source(%dma_start3A_203 : memref<10000x128xf32, #tpu.memory_space<hbm>>) target(%arg9 : memref<128x128xf32, #tpu.memory_space<vmem>>) offsets(%dma_start3A_200 : memref<128xi32, #tpu.memory_space<vmem>>) semaphore(%arg12 : memref<!tpu.dma_semaphore, #tpu.memory_space<semaphore_mem>>)
      } else {
      }
      %run_scoped3A_195 = arith.constant 7 : i32
      "tpu.region"() ({
        %run_scoped3A_196 = tpu.sem_alloc : memref<!tpu.dma_semaphore, #tpu.memory_space<semaphore_mem>>
        %dma_start3A_197 = arith.constant 0 : i32
        %dma_start3A_198 = tpu.memref_slice %arg8[%run_scoped3A_195, %dma_start3A_197] : memref<8x128xi32, #tpu.memory_space<vmem>> -> memref<1x128xi32, #tpu.memory_space<vmem>>
        %dma_start3A_199 = tpu.memref_squeeze %dma_start3A_198 : memref<1x128xi32, #tpu.memory_space<vmem>> -> memref<128xi32, #tpu.memory_space<vmem>>
        %dma_start3A_200 = arith.constant 0 : i32
        %dma_start3A_201 = arith.constant 0 : i32
        %dma_start3A_202 = tpu.memref_slice %arg11[%dma_start3A_200, %dma_start3A_201] : memref<10240x128xf32, #tpu.memory_space<vmem_shared>> -> memref<10240x128xf32, #tpu.memory_space<vmem_shared>>
        tpu.enqueue_indirect_dma source(%arg10 : memref<128x128xf32, #tpu.memory_space<vmem>>) target(%dma_start3A_202 : memref<10240x128xf32, #tpu.memory_space<vmem_shared>>) offsets(%dma_start3A_199 : memref<128xi32, #tpu.memory_space<vmem>>) semaphore(%run_scoped3A_196 : memref<!tpu.dma_semaphore, #tpu.memory_space<semaphore_mem>>) {add = true}
        %dma_wait3A_203 = arith.constant 0 : i32
        %dma_wait3A_204 = tpu.memref_slice %arg8[%run_scoped3A_195, %dma_wait3A_203] : memref<8x128xi32, #tpu.memory_space<vmem>> -> memref<1x128xi32, #tpu.memory_space<vmem>>
        %dma_wait3A_205 = tpu.memref_squeeze %dma_wait3A_204 : memref<1x128xi32, #tpu.memory_space<vmem>> -> memref<128xi32, #tpu.memory_space<vmem>>
        %dma_wait3A_206 = arith.constant 0 : i32
        %dma_wait3A_207 = arith.constant 0 : i32
        %dma_wait3A_208 = tpu.memref_slice %arg11[%dma_wait3A_206, %dma_wait3A_207] : memref<10240x128xf32, #tpu.memory_space<vmem_shared>> -> memref<10240x128xf32, #tpu.memory_space<vmem_shared>>
        tpu.wait_indirect_dma semaphore(%run_scoped3A_196 : memref<!tpu.dma_semaphore, #tpu.memory_space<semaphore_mem>>) src(%arg10 : memref<128x128xf32, #tpu.memory_space<vmem>>) dst(%dma_wait3A_208 : memref<10240x128xf32, #tpu.memory_space<vmem_shared>>)
        tpu.yield
      }) : () -> ()
    }
    %while3A_43 = arith.constant 1 : i32
    scf.for %while3A_49 = %while3A_41 to %while3A_37 step %while3A_43  : i32 {
      %add3A_50 = arith.addi %select_n3A_21, %while3A_49 : i32
      "tpu.region"() ({
        %run_scoped3A_196 = tpu.sem_alloc : memref<!tpu.dma_semaphore, #tpu.memory_space<semaphore_mem>>
        %dma_start3A_197 = arith.constant 0 : i32
        %dma_start3A_198 = arith.constant 0 : i32
        %dma_start3A_199 = tpu.memref_slice %arg4[%add3A_50, %dma_start3A_197, %dma_start3A_198] : memref<320x8x128xi32, #tpu.memory_space<hbm>> -> memref<1x8x128xi32, #tpu.memory_space<hbm>>
        %dma_start3A_200 = tpu.memref_squeeze %dma_start3A_199 : memref<1x8x128xi32, #tpu.memory_space<hbm>> -> memref<8x128xi32, #tpu.memory_space<hbm>>
        %dma_start3A_201 = arith.constant 0 : i32
        %dma_start3A_202 = arith.constant 0 : i32
        %dma_start3A_203 = tpu.memref_slice %arg4[%add3A_50, %dma_start3A_201, %dma_start3A_202] : memref<320x8x128xi32, #tpu.memory_space<hbm>> -> memref<1x8x128xi32, #tpu.memory_space<hbm>>
        %dma_start3A_204 = tpu.memref_squeeze %dma_start3A_203 : memref<1x8x128xi32, #tpu.memory_space<hbm>> -> memref<8x128xi32, #tpu.memory_space<hbm>>
        tpu.enqueue_dma source(%dma_start3A_204 : memref<8x128xi32, #tpu.memory_space<hbm>>) target(%arg8 : memref<8x128xi32, #tpu.memory_space<vmem>>) target_semaphore(%run_scoped3A_196 : memref<!tpu.dma_semaphore, #tpu.memory_space<semaphore_mem>>)
        %dma_wait3A_205 = arith.constant 0 : i32
        %dma_wait3A_206 = arith.constant 0 : i32
        %dma_wait3A_207 = tpu.memref_slice %arg4[%add3A_50, %dma_wait3A_205, %dma_wait3A_206] : memref<320x8x128xi32, #tpu.memory_space<hbm>> -> memref<1x8x128xi32, #tpu.memory_space<hbm>>
        %dma_wait3A_208 = tpu.memref_squeeze %dma_wait3A_207 : memref<1x8x128xi32, #tpu.memory_space<hbm>> -> memref<8x128xi32, #tpu.memory_space<hbm>>
        %dma_wait3A_209 = arith.constant 0 : i32
        %dma_wait3A_210 = arith.constant 0 : i32
        %dma_wait3A_211 = tpu.memref_slice %arg4[%add3A_50, %dma_wait3A_209, %dma_wait3A_210] : memref<320x8x128xi32, #tpu.memory_space<hbm>> -> memref<1x8x128xi32, #tpu.memory_space<hbm>>
        %dma_wait3A_212 = tpu.memref_squeeze %dma_wait3A_211 : memref<1x8x128xi32, #tpu.memory_space<hbm>> -> memref<8x128xi32, #tpu.memory_space<hbm>>
        tpu.wait_dma2 semaphore(%run_scoped3A_196 : memref<!tpu.dma_semaphore, #tpu.memory_space<semaphore_mem>>) src(%dma_wait3A_212 : memref<8x128xi32, #tpu.memory_space<hbm>>) dst(%arg8 : memref<8x128xi32, #tpu.memory_space<vmem>>)
        tpu.yield
      }) : () -> ()
      %mul3A_51 = arith.constant 8 : i32
      %mul3A_52 = arith.muli %while3A_49, %mul3A_51 : i32
      %add3A_53 = arith.constant 0 : i32
      %add3A_54 = arith.addi %mul3A_52, %add3A_53 : i32
      %dma_wait3A = arith.constant 0 : i32
      %dma_wait3A_55 = tpu.memref_slice %arg7[%add3A_54, %dma_wait3A] : memref<80x128xi32, #tpu.memory_space<vmem>> -> memref<1x128xi32, #tpu.memory_space<vmem>>
      %dma_wait3A_56 = tpu.memref_squeeze %dma_wait3A_55 : memref<1x128xi32, #tpu.memory_space<vmem>> -> memref<128xi32, #tpu.memory_space<vmem>>
      %dma_wait3A_57 = arith.constant 0 : i32
      %dma_wait3A_58 = arith.constant 0 : i32
      %dma_wait3A_59 = tpu.memref_slice %arg2[%dma_wait3A_57, %dma_wait3A_58] : memref<10000x128xf32, #tpu.memory_space<hbm>> -> memref<10000x128xf32, #tpu.memory_space<hbm>>
      tpu.wait_indirect_dma semaphore(%arg12 : memref<!tpu.dma_semaphore, #tpu.memory_space<semaphore_mem>>) src(%dma_wait3A_59 : memref<10000x128xf32, #tpu.memory_space<hbm>>) dst(%arg9 : memref<128x128xf32, #tpu.memory_space<vmem>>)
      %add3A_60 = arith.constant 1 : i32
      %add3A_61 = arith.addi %add3A_54, %add3A_60 : i32
      %dma_start3A_62 = arith.constant 0 : i32
      %dma_start3A_63 = tpu.memref_slice %arg7[%add3A_61, %dma_start3A_62] : memref<80x128xi32, #tpu.memory_space<vmem>> -> memref<1x128xi32, #tpu.memory_space<vmem>>
      %dma_start3A_64 = tpu.memref_squeeze %dma_start3A_63 : memref<1x128xi32, #tpu.memory_space<vmem>> -> memref<128xi32, #tpu.memory_space<vmem>>
      %dma_start3A_65 = arith.constant 0 : i32
      %dma_start3A_66 = arith.constant 0 : i32
      %dma_start3A_67 = tpu.memref_slice %arg2[%dma_start3A_65, %dma_start3A_66] : memref<10000x128xf32, #tpu.memory_space<hbm>> -> memref<10000x128xf32, #tpu.memory_space<hbm>>
      tpu.enqueue_indirect_dma source(%dma_start3A_67 : memref<10000x128xf32, #tpu.memory_space<hbm>>) target(%arg10 : memref<128x128xf32, #tpu.memory_space<vmem>>) offsets(%dma_start3A_64 : memref<128xi32, #tpu.memory_space<vmem>>) semaphore(%arg13 : memref<!tpu.dma_semaphore, #tpu.memory_space<semaphore_mem>>)
      %run_scoped3A = arith.constant 0 : i32
      "tpu.region"() ({
        %run_scoped3A_196 = tpu.sem_alloc : memref<!tpu.dma_semaphore, #tpu.memory_space<semaphore_mem>>
        %dma_start3A_197 = arith.constant 0 : i32
        %dma_start3A_198 = tpu.memref_slice %arg8[%run_scoped3A, %dma_start3A_197] : memref<8x128xi32, #tpu.memory_space<vmem>> -> memref<1x128xi32, #tpu.memory_space<vmem>>
        %dma_start3A_199 = tpu.memref_squeeze %dma_start3A_198 : memref<1x128xi32, #tpu.memory_space<vmem>> -> memref<128xi32, #tpu.memory_space<vmem>>
        %dma_start3A_200 = arith.constant 0 : i32
        %dma_start3A_201 = arith.constant 0 : i32
        %dma_start3A_202 = tpu.memref_slice %arg11[%dma_start3A_200, %dma_start3A_201] : memref<10240x128xf32, #tpu.memory_space<vmem_shared>> -> memref<10240x128xf32, #tpu.memory_space<vmem_shared>>
        tpu.enqueue_indirect_dma source(%arg9 : memref<128x128xf32, #tpu.memory_space<vmem>>) target(%dma_start3A_202 : memref<10240x128xf32, #tpu.memory_space<vmem_shared>>) offsets(%dma_start3A_199 : memref<128xi32, #tpu.memory_space<vmem>>) semaphore(%run_scoped3A_196 : memref<!tpu.dma_semaphore, #tpu.memory_space<semaphore_mem>>) {add = true}
        %dma_wait3A_203 = arith.constant 0 : i32
        %dma_wait3A_204 = tpu.memref_slice %arg8[%run_scoped3A, %dma_wait3A_203] : memref<8x128xi32, #tpu.memory_space<vmem>> -> memref<1x128xi32, #tpu.memory_space<vmem>>
        %dma_wait3A_205 = tpu.memref_squeeze %dma_wait3A_204 : memref<1x128xi32, #tpu.memory_space<vmem>> -> memref<128xi32, #tpu.memory_space<vmem>>
        %dma_wait3A_206 = arith.constant 0 : i32
        %dma_wait3A_207 = arith.constant 0 : i32
        %dma_wait3A_208 = tpu.memref_slice %arg11[%dma_wait3A_206, %dma_wait3A_207] : memref<10240x128xf32, #tpu.memory_space<vmem_shared>> -> memref<10240x128xf32, #tpu.memory_space<vmem_shared>>
        tpu.wait_indirect_dma semaphore(%run_scoped3A_196 : memref<!tpu.dma_semaphore, #tpu.memory_space<semaphore_mem>>) src(%arg9 : memref<128x128xf32, #tpu.memory_space<vmem>>) dst(%dma_wait3A_208 : memref<10240x128xf32, #tpu.memory_space<vmem_shared>>)
        tpu.yield
      }) : () -> ()
      %mul3A_68 = arith.constant 8 : i32
      %mul3A_69 = arith.muli %while3A_49, %mul3A_68 : i32
      %add3A_70 = arith.constant 1 : i32
      %add3A_71 = arith.addi %mul3A_69, %add3A_70 : i32
      %dma_wait3A_72 = arith.constant 0 : i32
      %dma_wait3A_73 = tpu.memref_slice %arg7[%add3A_71, %dma_wait3A_72] : memref<80x128xi32, #tpu.memory_space<vmem>> -> memref<1x128xi32, #tpu.memory_space<vmem>>
      %dma_wait3A_74 = tpu.memref_squeeze %dma_wait3A_73 : memref<1x128xi32, #tpu.memory_space<vmem>> -> memref<128xi32, #tpu.memory_space<vmem>>
      %dma_wait3A_75 = arith.constant 0 : i32
      %dma_wait3A_76 = arith.constant 0 : i32
      %dma_wait3A_77 = tpu.memref_slice %arg2[%dma_wait3A_75, %dma_wait3A_76] : memref<10000x128xf32, #tpu.memory_space<hbm>> -> memref<10000x128xf32, #tpu.memory_space<hbm>>
      tpu.wait_indirect_dma semaphore(%arg13 : memref<!tpu.dma_semaphore, #tpu.memory_space<semaphore_mem>>) src(%dma_wait3A_77 : memref<10000x128xf32, #tpu.memory_space<hbm>>) dst(%arg10 : memref<128x128xf32, #tpu.memory_space<vmem>>)
      %add3A_78 = arith.constant 1 : i32
      %add3A_79 = arith.addi %add3A_71, %add3A_78 : i32
      %dma_start3A_80 = arith.constant 0 : i32
      %dma_start3A_81 = tpu.memref_slice %arg7[%add3A_79, %dma_start3A_80] : memref<80x128xi32, #tpu.memory_space<vmem>> -> memref<1x128xi32, #tpu.memory_space<vmem>>
      %dma_start3A_82 = tpu.memref_squeeze %dma_start3A_81 : memref<1x128xi32, #tpu.memory_space<vmem>> -> memref<128xi32, #tpu.memory_space<vmem>>
      %dma_start3A_83 = arith.constant 0 : i32
      %dma_start3A_84 = arith.constant 0 : i32
      %dma_start3A_85 = tpu.memref_slice %arg2[%dma_start3A_83, %dma_start3A_84] : memref<10000x128xf32, #tpu.memory_space<hbm>> -> memref<10000x128xf32, #tpu.memory_space<hbm>>
      tpu.enqueue_indirect_dma source(%dma_start3A_85 : memref<10000x128xf32, #tpu.memory_space<hbm>>) target(%arg9 : memref<128x128xf32, #tpu.memory_space<vmem>>) offsets(%dma_start3A_82 : memref<128xi32, #tpu.memory_space<vmem>>) semaphore(%arg12 : memref<!tpu.dma_semaphore, #tpu.memory_space<semaphore_mem>>)
      %run_scoped3A_86 = arith.constant 1 : i32
      "tpu.region"() ({
        %run_scoped3A_196 = tpu.sem_alloc : memref<!tpu.dma_semaphore, #tpu.memory_space<semaphore_mem>>
        %dma_start3A_197 = arith.constant 0 : i32
        %dma_start3A_198 = tpu.memref_slice %arg8[%run_scoped3A_86, %dma_start3A_197] : memref<8x128xi32, #tpu.memory_space<vmem>> -> memref<1x128xi32, #tpu.memory_space<vmem>>
        %dma_start3A_199 = tpu.memref_squeeze %dma_start3A_198 : memref<1x128xi32, #tpu.memory_space<vmem>> -> memref<128xi32, #tpu.memory_space<vmem>>
        %dma_start3A_200 = arith.constant 0 : i32
        %dma_start3A_201 = arith.constant 0 : i32
        %dma_start3A_202 = tpu.memref_slice %arg11[%dma_start3A_200, %dma_start3A_201] : memref<10240x128xf32, #tpu.memory_space<vmem_shared>> -> memref<10240x128xf32, #tpu.memory_space<vmem_shared>>
        tpu.enqueue_indirect_dma source(%arg10 : memref<128x128xf32, #tpu.memory_space<vmem>>) target(%dma_start3A_202 : memref<10240x128xf32, #tpu.memory_space<vmem_shared>>) offsets(%dma_start3A_199 : memref<128xi32, #tpu.memory_space<vmem>>) semaphore(%run_scoped3A_196 : memref<!tpu.dma_semaphore, #tpu.memory_space<semaphore_mem>>) {add = true}
        %dma_wait3A_203 = arith.constant 0 : i32
        %dma_wait3A_204 = tpu.memref_slice %arg8[%run_scoped3A_86, %dma_wait3A_203] : memref<8x128xi32, #tpu.memory_space<vmem>> -> memref<1x128xi32, #tpu.memory_space<vmem>>
        %dma_wait3A_205 = tpu.memref_squeeze %dma_wait3A_204 : memref<1x128xi32, #tpu.memory_space<vmem>> -> memref<128xi32, #tpu.memory_space<vmem>>
        %dma_wait3A_206 = arith.constant 0 : i32
        %dma_wait3A_207 = arith.constant 0 : i32
        %dma_wait3A_208 = tpu.memref_slice %arg11[%dma_wait3A_206, %dma_wait3A_207] : memref<10240x128xf32, #tpu.memory_space<vmem_shared>> -> memref<10240x128xf32, #tpu.memory_space<vmem_shared>>
        tpu.wait_indirect_dma semaphore(%run_scoped3A_196 : memref<!tpu.dma_semaphore, #tpu.memory_space<semaphore_mem>>) src(%arg10 : memref<128x128xf32, #tpu.memory_space<vmem>>) dst(%dma_wait3A_208 : memref<10240x128xf32, #tpu.memory_space<vmem_shared>>)
        tpu.yield
      }) : () -> ()
      %mul3A_87 = arith.constant 8 : i32
      %mul3A_88 = arith.muli %while3A_49, %mul3A_87 : i32
      %add3A_89 = arith.constant 2 : i32
      %add3A_90 = arith.addi %mul3A_88, %add3A_89 : i32
      %dma_wait3A_91 = arith.constant 0 : i32
      %dma_wait3A_92 = tpu.memref_slice %arg7[%add3A_90, %dma_wait3A_91] : memref<80x128xi32, #tpu.memory_space<vmem>> -> memref<1x128xi32, #tpu.memory_space<vmem>>
      %dma_wait3A_93 = tpu.memref_squeeze %dma_wait3A_92 : memref<1x128xi32, #tpu.memory_space<vmem>> -> memref<128xi32, #tpu.memory_space<vmem>>
      %dma_wait3A_94 = arith.constant 0 : i32
      %dma_wait3A_95 = arith.constant 0 : i32
      %dma_wait3A_96 = tpu.memref_slice %arg2[%dma_wait3A_94, %dma_wait3A_95] : memref<10000x128xf32, #tpu.memory_space<hbm>> -> memref<10000x128xf32, #tpu.memory_space<hbm>>
      tpu.wait_indirect_dma semaphore(%arg12 : memref<!tpu.dma_semaphore, #tpu.memory_space<semaphore_mem>>) src(%dma_wait3A_96 : memref<10000x128xf32, #tpu.memory_space<hbm>>) dst(%arg9 : memref<128x128xf32, #tpu.memory_space<vmem>>)
      %add3A_97 = arith.constant 1 : i32
      %add3A_98 = arith.addi %add3A_90, %add3A_97 : i32
      %dma_start3A_99 = arith.constant 0 : i32
      %dma_start3A_100 = tpu.memref_slice %arg7[%add3A_98, %dma_start3A_99] : memref<80x128xi32, #tpu.memory_space<vmem>> -> memref<1x128xi32, #tpu.memory_space<vmem>>
      %dma_start3A_101 = tpu.memref_squeeze %dma_start3A_100 : memref<1x128xi32, #tpu.memory_space<vmem>> -> memref<128xi32, #tpu.memory_space<vmem>>
      %dma_start3A_102 = arith.constant 0 : i32
      %dma_start3A_103 = arith.constant 0 : i32
      %dma_start3A_104 = tpu.memref_slice %arg2[%dma_start3A_102, %dma_start3A_103] : memref<10000x128xf32, #tpu.memory_space<hbm>> -> memref<10000x128xf32, #tpu.memory_space<hbm>>
      tpu.enqueue_indirect_dma source(%dma_start3A_104 : memref<10000x128xf32, #tpu.memory_space<hbm>>) target(%arg10 : memref<128x128xf32, #tpu.memory_space<vmem>>) offsets(%dma_start3A_101 : memref<128xi32, #tpu.memory_space<vmem>>) semaphore(%arg13 : memref<!tpu.dma_semaphore, #tpu.memory_space<semaphore_mem>>)
      %run_scoped3A_105 = arith.constant 2 : i32
      "tpu.region"() ({
        %run_scoped3A_196 = tpu.sem_alloc : memref<!tpu.dma_semaphore, #tpu.memory_space<semaphore_mem>>
        %dma_start3A_197 = arith.constant 0 : i32
        %dma_start3A_198 = tpu.memref_slice %arg8[%run_scoped3A_105, %dma_start3A_197] : memref<8x128xi32, #tpu.memory_space<vmem>> -> memref<1x128xi32, #tpu.memory_space<vmem>>
        %dma_start3A_199 = tpu.memref_squeeze %dma_start3A_198 : memref<1x128xi32, #tpu.memory_space<vmem>> -> memref<128xi32, #tpu.memory_space<vmem>>
        %dma_start3A_200 = arith.constant 0 : i32
        %dma_start3A_201 = arith.constant 0 : i32
        %dma_start3A_202 = tpu.memref_slice %arg11[%dma_start3A_200, %dma_start3A_201] : memref<10240x128xf32, #tpu.memory_space<vmem_shared>> -> memref<10240x128xf32, #tpu.memory_space<vmem_shared>>
        tpu.enqueue_indirect_dma source(%arg9 : memref<128x128xf32, #tpu.memory_space<vmem>>) target(%dma_start3A_202 : memref<10240x128xf32, #tpu.memory_space<vmem_shared>>) offsets(%dma_start3A_199 : memref<128xi32, #tpu.memory_space<vmem>>) semaphore(%run_scoped3A_196 : memref<!tpu.dma_semaphore, #tpu.memory_space<semaphore_mem>>) {add = true}
        %dma_wait3A_203 = arith.constant 0 : i32
        %dma_wait3A_204 = tpu.memref_slice %arg8[%run_scoped3A_105, %dma_wait3A_203] : memref<8x128xi32, #tpu.memory_space<vmem>> -> memref<1x128xi32, #tpu.memory_space<vmem>>
        %dma_wait3A_205 = tpu.memref_squeeze %dma_wait3A_204 : memref<1x128xi32, #tpu.memory_space<vmem>> -> memref<128xi32, #tpu.memory_space<vmem>>
        %dma_wait3A_206 = arith.constant 0 : i32
        %dma_wait3A_207 = arith.constant 0 : i32
        %dma_wait3A_208 = tpu.memref_slice %arg11[%dma_wait3A_206, %dma_wait3A_207] : memref<10240x128xf32, #tpu.memory_space<vmem_shared>> -> memref<10240x128xf32, #tpu.memory_space<vmem_shared>>
        tpu.wait_indirect_dma semaphore(%run_scoped3A_196 : memref<!tpu.dma_semaphore, #tpu.memory_space<semaphore_mem>>) src(%arg9 : memref<128x128xf32, #tpu.memory_space<vmem>>) dst(%dma_wait3A_208 : memref<10240x128xf32, #tpu.memory_space<vmem_shared>>)
        tpu.yield
      }) : () -> ()
      %mul3A_106 = arith.constant 8 : i32
      %mul3A_107 = arith.muli %while3A_49, %mul3A_106 : i32
      %add3A_108 = arith.constant 3 : i32
      %add3A_109 = arith.addi %mul3A_107, %add3A_108 : i32
      %dma_wait3A_110 = arith.constant 0 : i32
      %dma_wait3A_111 = tpu.memref_slice %arg7[%add3A_109, %dma_wait3A_110] : memref<80x128xi32, #tpu.memory_space<vmem>> -> memref<1x128xi32, #tpu.memory_space<vmem>>
      %dma_wait3A_112 = tpu.memref_squeeze %dma_wait3A_111 : memref<1x128xi32, #tpu.memory_space<vmem>> -> memref<128xi32, #tpu.memory_space<vmem>>
      %dma_wait3A_113 = arith.constant 0 : i32
      %dma_wait3A_114 = arith.constant 0 : i32
      %dma_wait3A_115 = tpu.memref_slice %arg2[%dma_wait3A_113, %dma_wait3A_114] : memref<10000x128xf32, #tpu.memory_space<hbm>> -> memref<10000x128xf32, #tpu.memory_space<hbm>>
      tpu.wait_indirect_dma semaphore(%arg13 : memref<!tpu.dma_semaphore, #tpu.memory_space<semaphore_mem>>) src(%dma_wait3A_115 : memref<10000x128xf32, #tpu.memory_space<hbm>>) dst(%arg10 : memref<128x128xf32, #tpu.memory_space<vmem>>)
      %add3A_116 = arith.constant 1 : i32
      %add3A_117 = arith.addi %add3A_109, %add3A_116 : i32
      %dma_start3A_118 = arith.constant 0 : i32
      %dma_start3A_119 = tpu.memref_slice %arg7[%add3A_117, %dma_start3A_118] : memref<80x128xi32, #tpu.memory_space<vmem>> -> memref<1x128xi32, #tpu.memory_space<vmem>>
      %dma_start3A_120 = tpu.memref_squeeze %dma_start3A_119 : memref<1x128xi32, #tpu.memory_space<vmem>> -> memref<128xi32, #tpu.memory_space<vmem>>
      %dma_start3A_121 = arith.constant 0 : i32
      %dma_start3A_122 = arith.constant 0 : i32
      %dma_start3A_123 = tpu.memref_slice %arg2[%dma_start3A_121, %dma_start3A_122] : memref<10000x128xf32, #tpu.memory_space<hbm>> -> memref<10000x128xf32, #tpu.memory_space<hbm>>
      tpu.enqueue_indirect_dma source(%dma_start3A_123 : memref<10000x128xf32, #tpu.memory_space<hbm>>) target(%arg9 : memref<128x128xf32, #tpu.memory_space<vmem>>) offsets(%dma_start3A_120 : memref<128xi32, #tpu.memory_space<vmem>>) semaphore(%arg12 : memref<!tpu.dma_semaphore, #tpu.memory_space<semaphore_mem>>)
      %run_scoped3A_124 = arith.constant 3 : i32
      "tpu.region"() ({
        %run_scoped3A_196 = tpu.sem_alloc : memref<!tpu.dma_semaphore, #tpu.memory_space<semaphore_mem>>
        %dma_start3A_197 = arith.constant 0 : i32
        %dma_start3A_198 = tpu.memref_slice %arg8[%run_scoped3A_124, %dma_start3A_197] : memref<8x128xi32, #tpu.memory_space<vmem>> -> memref<1x128xi32, #tpu.memory_space<vmem>>
        %dma_start3A_199 = tpu.memref_squeeze %dma_start3A_198 : memref<1x128xi32, #tpu.memory_space<vmem>> -> memref<128xi32, #tpu.memory_space<vmem>>
        %dma_start3A_200 = arith.constant 0 : i32
        %dma_start3A_201 = arith.constant 0 : i32
        %dma_start3A_202 = tpu.memref_slice %arg11[%dma_start3A_200, %dma_start3A_201] : memref<10240x128xf32, #tpu.memory_space<vmem_shared>> -> memref<10240x128xf32, #tpu.memory_space<vmem_shared>>
        tpu.enqueue_indirect_dma source(%arg10 : memref<128x128xf32, #tpu.memory_space<vmem>>) target(%dma_start3A_202 : memref<10240x128xf32, #tpu.memory_space<vmem_shared>>) offsets(%dma_start3A_199 : memref<128xi32, #tpu.memory_space<vmem>>) semaphore(%run_scoped3A_196 : memref<!tpu.dma_semaphore, #tpu.memory_space<semaphore_mem>>) {add = true}
        %dma_wait3A_203 = arith.constant 0 : i32
        %dma_wait3A_204 = tpu.memref_slice %arg8[%run_scoped3A_124, %dma_wait3A_203] : memref<8x128xi32, #tpu.memory_space<vmem>> -> memref<1x128xi32, #tpu.memory_space<vmem>>
        %dma_wait3A_205 = tpu.memref_squeeze %dma_wait3A_204 : memref<1x128xi32, #tpu.memory_space<vmem>> -> memref<128xi32, #tpu.memory_space<vmem>>
        %dma_wait3A_206 = arith.constant 0 : i32
        %dma_wait3A_207 = arith.constant 0 : i32
        %dma_wait3A_208 = tpu.memref_slice %arg11[%dma_wait3A_206, %dma_wait3A_207] : memref<10240x128xf32, #tpu.memory_space<vmem_shared>> -> memref<10240x128xf32, #tpu.memory_space<vmem_shared>>
        tpu.wait_indirect_dma semaphore(%run_scoped3A_196 : memref<!tpu.dma_semaphore, #tpu.memory_space<semaphore_mem>>) src(%arg10 : memref<128x128xf32, #tpu.memory_space<vmem>>) dst(%dma_wait3A_208 : memref<10240x128xf32, #tpu.memory_space<vmem_shared>>)
        tpu.yield
      }) : () -> ()
      %mul3A_125 = arith.constant 8 : i32
      %mul3A_126 = arith.muli %while3A_49, %mul3A_125 : i32
      %add3A_127 = arith.constant 4 : i32
      %add3A_128 = arith.addi %mul3A_126, %add3A_127 : i32
      %dma_wait3A_129 = arith.constant 0 : i32
      %dma_wait3A_130 = tpu.memref_slice %arg7[%add3A_128, %dma_wait3A_129] : memref<80x128xi32, #tpu.memory_space<vmem>> -> memref<1x128xi32, #tpu.memory_space<vmem>>
      %dma_wait3A_131 = tpu.memref_squeeze %dma_wait3A_130 : memref<1x128xi32, #tpu.memory_space<vmem>> -> memref<128xi32, #tpu.memory_space<vmem>>
      %dma_wait3A_132 = arith.constant 0 : i32
      %dma_wait3A_133 = arith.constant 0 : i32
      %dma_wait3A_134 = tpu.memref_slice %arg2[%dma_wait3A_132, %dma_wait3A_133] : memref<10000x128xf32, #tpu.memory_space<hbm>> -> memref<10000x128xf32, #tpu.memory_space<hbm>>
      tpu.wait_indirect_dma semaphore(%arg12 : memref<!tpu.dma_semaphore, #tpu.memory_space<semaphore_mem>>) src(%dma_wait3A_134 : memref<10000x128xf32, #tpu.memory_space<hbm>>) dst(%arg9 : memref<128x128xf32, #tpu.memory_space<vmem>>)
      %add3A_135 = arith.constant 1 : i32
      %add3A_136 = arith.addi %add3A_128, %add3A_135 : i32
      %dma_start3A_137 = arith.constant 0 : i32
      %dma_start3A_138 = tpu.memref_slice %arg7[%add3A_136, %dma_start3A_137] : memref<80x128xi32, #tpu.memory_space<vmem>> -> memref<1x128xi32, #tpu.memory_space<vmem>>
      %dma_start3A_139 = tpu.memref_squeeze %dma_start3A_138 : memref<1x128xi32, #tpu.memory_space<vmem>> -> memref<128xi32, #tpu.memory_space<vmem>>
      %dma_start3A_140 = arith.constant 0 : i32
      %dma_start3A_141 = arith.constant 0 : i32
      %dma_start3A_142 = tpu.memref_slice %arg2[%dma_start3A_140, %dma_start3A_141] : memref<10000x128xf32, #tpu.memory_space<hbm>> -> memref<10000x128xf32, #tpu.memory_space<hbm>>
      tpu.enqueue_indirect_dma source(%dma_start3A_142 : memref<10000x128xf32, #tpu.memory_space<hbm>>) target(%arg10 : memref<128x128xf32, #tpu.memory_space<vmem>>) offsets(%dma_start3A_139 : memref<128xi32, #tpu.memory_space<vmem>>) semaphore(%arg13 : memref<!tpu.dma_semaphore, #tpu.memory_space<semaphore_mem>>)
      %run_scoped3A_143 = arith.constant 4 : i32
      "tpu.region"() ({
        %run_scoped3A_196 = tpu.sem_alloc : memref<!tpu.dma_semaphore, #tpu.memory_space<semaphore_mem>>
        %dma_start3A_197 = arith.constant 0 : i32
        %dma_start3A_198 = tpu.memref_slice %arg8[%run_scoped3A_143, %dma_start3A_197] : memref<8x128xi32, #tpu.memory_space<vmem>> -> memref<1x128xi32, #tpu.memory_space<vmem>>
        %dma_start3A_199 = tpu.memref_squeeze %dma_start3A_198 : memref<1x128xi32, #tpu.memory_space<vmem>> -> memref<128xi32, #tpu.memory_space<vmem>>
        %dma_start3A_200 = arith.constant 0 : i32
        %dma_start3A_201 = arith.constant 0 : i32
        %dma_start3A_202 = tpu.memref_slice %arg11[%dma_start3A_200, %dma_start3A_201] : memref<10240x128xf32, #tpu.memory_space<vmem_shared>> -> memref<10240x128xf32, #tpu.memory_space<vmem_shared>>
        tpu.enqueue_indirect_dma source(%arg9 : memref<128x128xf32, #tpu.memory_space<vmem>>) target(%dma_start3A_202 : memref<10240x128xf32, #tpu.memory_space<vmem_shared>>) offsets(%dma_start3A_199 : memref<128xi32, #tpu.memory_space<vmem>>) semaphore(%run_scoped3A_196 : memref<!tpu.dma_semaphore, #tpu.memory_space<semaphore_mem>>) {add = true}
        %dma_wait3A_203 = arith.constant 0 : i32
        %dma_wait3A_204 = tpu.memref_slice %arg8[%run_scoped3A_143, %dma_wait3A_203] : memref<8x128xi32, #tpu.memory_space<vmem>> -> memref<1x128xi32, #tpu.memory_space<vmem>>
        %dma_wait3A_205 = tpu.memref_squeeze %dma_wait3A_204 : memref<1x128xi32, #tpu.memory_space<vmem>> -> memref<128xi32, #tpu.memory_space<vmem>>
        %dma_wait3A_206 = arith.constant 0 : i32
        %dma_wait3A_207 = arith.constant 0 : i32
        %dma_wait3A_208 = tpu.memref_slice %arg11[%dma_wait3A_206, %dma_wait3A_207] : memref<10240x128xf32, #tpu.memory_space<vmem_shared>> -> memref<10240x128xf32, #tpu.memory_space<vmem_shared>>
        tpu.wait_indirect_dma semaphore(%run_scoped3A_196 : memref<!tpu.dma_semaphore, #tpu.memory_space<semaphore_mem>>) src(%arg9 : memref<128x128xf32, #tpu.memory_space<vmem>>) dst(%dma_wait3A_208 : memref<10240x128xf32, #tpu.memory_space<vmem_shared>>)
        tpu.yield
      }) : () -> ()
      %mul3A_144 = arith.constant 8 : i32
      %mul3A_145 = arith.muli %while3A_49, %mul3A_144 : i32
      %add3A_146 = arith.constant 5 : i32
      %add3A_147 = arith.addi %mul3A_145, %add3A_146 : i32
      %dma_wait3A_148 = arith.constant 0 : i32
      %dma_wait3A_149 = tpu.memref_slice %arg7[%add3A_147, %dma_wait3A_148] : memref<80x128xi32, #tpu.memory_space<vmem>> -> memref<1x128xi32, #tpu.memory_space<vmem>>
      %dma_wait3A_150 = tpu.memref_squeeze %dma_wait3A_149 : memref<1x128xi32, #tpu.memory_space<vmem>> -> memref<128xi32, #tpu.memory_space<vmem>>
      %dma_wait3A_151 = arith.constant 0 : i32
      %dma_wait3A_152 = arith.constant 0 : i32
      %dma_wait3A_153 = tpu.memref_slice %arg2[%dma_wait3A_151, %dma_wait3A_152] : memref<10000x128xf32, #tpu.memory_space<hbm>> -> memref<10000x128xf32, #tpu.memory_space<hbm>>
      tpu.wait_indirect_dma semaphore(%arg13 : memref<!tpu.dma_semaphore, #tpu.memory_space<semaphore_mem>>) src(%dma_wait3A_153 : memref<10000x128xf32, #tpu.memory_space<hbm>>) dst(%arg10 : memref<128x128xf32, #tpu.memory_space<vmem>>)
      %add3A_154 = arith.constant 1 : i32
      %add3A_155 = arith.addi %add3A_147, %add3A_154 : i32
      %dma_start3A_156 = arith.constant 0 : i32
      %dma_start3A_157 = tpu.memref_slice %arg7[%add3A_155, %dma_start3A_156] : memref<80x128xi32, #tpu.memory_space<vmem>> -> memref<1x128xi32, #tpu.memory_space<vmem>>
      %dma_start3A_158 = tpu.memref_squeeze %dma_start3A_157 : memref<1x128xi32, #tpu.memory_space<vmem>> -> memref<128xi32, #tpu.memory_space<vmem>>
      %dma_start3A_159 = arith.constant 0 : i32
      %dma_start3A_160 = arith.constant 0 : i32
      %dma_start3A_161 = tpu.memref_slice %arg2[%dma_start3A_159, %dma_start3A_160] : memref<10000x128xf32, #tpu.memory_space<hbm>> -> memref<10000x128xf32, #tpu.memory_space<hbm>>
      tpu.enqueue_indirect_dma source(%dma_start3A_161 : memref<10000x128xf32, #tpu.memory_space<hbm>>) target(%arg9 : memref<128x128xf32, #tpu.memory_space<vmem>>) offsets(%dma_start3A_158 : memref<128xi32, #tpu.memory_space<vmem>>) semaphore(%arg12 : memref<!tpu.dma_semaphore, #tpu.memory_space<semaphore_mem>>)
      %run_scoped3A_162 = arith.constant 5 : i32
      "tpu.region"() ({
        %run_scoped3A_196 = tpu.sem_alloc : memref<!tpu.dma_semaphore, #tpu.memory_space<semaphore_mem>>
        %dma_start3A_197 = arith.constant 0 : i32
        %dma_start3A_198 = tpu.memref_slice %arg8[%run_scoped3A_162, %dma_start3A_197] : memref<8x128xi32, #tpu.memory_space<vmem>> -> memref<1x128xi32, #tpu.memory_space<vmem>>
        %dma_start3A_199 = tpu.memref_squeeze %dma_start3A_198 : memref<1x128xi32, #tpu.memory_space<vmem>> -> memref<128xi32, #tpu.memory_space<vmem>>
        %dma_start3A_200 = arith.constant 0 : i32
        %dma_start3A_201 = arith.constant 0 : i32
        %dma_start3A_202 = tpu.memref_slice %arg11[%dma_start3A_200, %dma_start3A_201] : memref<10240x128xf32, #tpu.memory_space<vmem_shared>> -> memref<10240x128xf32, #tpu.memory_space<vmem_shared>>
        tpu.enqueue_indirect_dma source(%arg10 : memref<128x128xf32, #tpu.memory_space<vmem>>) target(%dma_start3A_202 : memref<10240x128xf32, #tpu.memory_space<vmem_shared>>) offsets(%dma_start3A_199 : memref<128xi32, #tpu.memory_space<vmem>>) semaphore(%run_scoped3A_196 : memref<!tpu.dma_semaphore, #tpu.memory_space<semaphore_mem>>) {add = true}
        %dma_wait3A_203 = arith.constant 0 : i32
        %dma_wait3A_204 = tpu.memref_slice %arg8[%run_scoped3A_162, %dma_wait3A_203] : memref<8x128xi32, #tpu.memory_space<vmem>> -> memref<1x128xi32, #tpu.memory_space<vmem>>
        %dma_wait3A_205 = tpu.memref_squeeze %dma_wait3A_204 : memref<1x128xi32, #tpu.memory_space<vmem>> -> memref<128xi32, #tpu.memory_space<vmem>>
        %dma_wait3A_206 = arith.constant 0 : i32
        %dma_wait3A_207 = arith.constant 0 : i32
        %dma_wait3A_208 = tpu.memref_slice %arg11[%dma_wait3A_206, %dma_wait3A_207] : memref<10240x128xf32, #tpu.memory_space<vmem_shared>> -> memref<10240x128xf32, #tpu.memory_space<vmem_shared>>
        tpu.wait_indirect_dma semaphore(%run_scoped3A_196 : memref<!tpu.dma_semaphore, #tpu.memory_space<semaphore_mem>>) src(%arg10 : memref<128x128xf32, #tpu.memory_space<vmem>>) dst(%dma_wait3A_208 : memref<10240x128xf32, #tpu.memory_space<vmem_shared>>)
        tpu.yield
      }) : () -> ()
      %mul3A_163 = arith.constant 8 : i32
      %mul3A_164 = arith.muli %while3A_49, %mul3A_163 : i32
      %add3A_165 = arith.constant 6 : i32
      %add3A_166 = arith.addi %mul3A_164, %add3A_165 : i32
      %dma_wait3A_167 = arith.constant 0 : i32
      %dma_wait3A_168 = tpu.memref_slice %arg7[%add3A_166, %dma_wait3A_167] : memref<80x128xi32, #tpu.memory_space<vmem>> -> memref<1x128xi32, #tpu.memory_space<vmem>>
      %dma_wait3A_169 = tpu.memref_squeeze %dma_wait3A_168 : memref<1x128xi32, #tpu.memory_space<vmem>> -> memref<128xi32, #tpu.memory_space<vmem>>
      %dma_wait3A_170 = arith.constant 0 : i32
      %dma_wait3A_171 = arith.constant 0 : i32
      %dma_wait3A_172 = tpu.memref_slice %arg2[%dma_wait3A_170, %dma_wait3A_171] : memref<10000x128xf32, #tpu.memory_space<hbm>> -> memref<10000x128xf32, #tpu.memory_space<hbm>>
      tpu.wait_indirect_dma semaphore(%arg12 : memref<!tpu.dma_semaphore, #tpu.memory_space<semaphore_mem>>) src(%dma_wait3A_172 : memref<10000x128xf32, #tpu.memory_space<hbm>>) dst(%arg9 : memref<128x128xf32, #tpu.memory_space<vmem>>)
      %add3A_173 = arith.constant 1 : i32
      %add3A_174 = arith.addi %add3A_166, %add3A_173 : i32
      %dma_start3A_175 = arith.constant 0 : i32
      %dma_start3A_176 = tpu.memref_slice %arg7[%add3A_174, %dma_start3A_175] : memref<80x128xi32, #tpu.memory_space<vmem>> -> memref<1x128xi32, #tpu.memory_space<vmem>>
      %dma_start3A_177 = tpu.memref_squeeze %dma_start3A_176 : memref<1x128xi32, #tpu.memory_space<vmem>> -> memref<128xi32, #tpu.memory_space<vmem>>
      %dma_start3A_178 = arith.constant 0 : i32
      %dma_start3A_179 = arith.constant 0 : i32
      %dma_start3A_180 = tpu.memref_slice %arg2[%dma_start3A_178, %dma_start3A_179] : memref<10000x128xf32, #tpu.memory_space<hbm>> -> memref<10000x128xf32, #tpu.memory_space<hbm>>
      tpu.enqueue_indirect_dma source(%dma_start3A_180 : memref<10000x128xf32, #tpu.memory_space<hbm>>) target(%arg10 : memref<128x128xf32, #tpu.memory_space<vmem>>) offsets(%dma_start3A_177 : memref<128xi32, #tpu.memory_space<vmem>>) semaphore(%arg13 : memref<!tpu.dma_semaphore, #tpu.memory_space<semaphore_mem>>)
      %run_scoped3A_181 = arith.constant 6 : i32
      "tpu.region"() ({
        %run_scoped3A_196 = tpu.sem_alloc : memref<!tpu.dma_semaphore, #tpu.memory_space<semaphore_mem>>
        %dma_start3A_197 = arith.constant 0 : i32
        %dma_start3A_198 = tpu.memref_slice %arg8[%run_scoped3A_181, %dma_start3A_197] : memref<8x128xi32, #tpu.memory_space<vmem>> -> memref<1x128xi32, #tpu.memory_space<vmem>>
        %dma_start3A_199 = tpu.memref_squeeze %dma_start3A_198 : memref<1x128xi32, #tpu.memory_space<vmem>> -> memref<128xi32, #tpu.memory_space<vmem>>
        %dma_start3A_200 = arith.constant 0 : i32
        %dma_start3A_201 = arith.constant 0 : i32
        %dma_start3A_202 = tpu.memref_slice %arg11[%dma_start3A_200, %dma_start3A_201] : memref<10240x128xf32, #tpu.memory_space<vmem_shared>> -> memref<10240x128xf32, #tpu.memory_space<vmem_shared>>
        tpu.enqueue_indirect_dma source(%arg9 : memref<128x128xf32, #tpu.memory_space<vmem>>) target(%dma_start3A_202 : memref<10240x128xf32, #tpu.memory_space<vmem_shared>>) offsets(%dma_start3A_199 : memref<128xi32, #tpu.memory_space<vmem>>) semaphore(%run_scoped3A_196 : memref<!tpu.dma_semaphore, #tpu.memory_space<semaphore_mem>>) {add = true}
        %dma_wait3A_203 = arith.constant 0 : i32
        %dma_wait3A_204 = tpu.memref_slice %arg8[%run_scoped3A_181, %dma_wait3A_203] : memref<8x128xi32, #tpu.memory_space<vmem>> -> memref<1x128xi32, #tpu.memory_space<vmem>>
        %dma_wait3A_205 = tpu.memref_squeeze %dma_wait3A_204 : memref<1x128xi32, #tpu.memory_space<vmem>> -> memref<128xi32, #tpu.memory_space<vmem>>
        %dma_wait3A_206 = arith.constant 0 : i32
        %dma_wait3A_207 = arith.constant 0 : i32
        %dma_wait3A_208 = tpu.memref_slice %arg11[%dma_wait3A_206, %dma_wait3A_207] : memref<10240x128xf32, #tpu.memory_space<vmem_shared>> -> memref<10240x128xf32, #tpu.memory_space<vmem_shared>>
        tpu.wait_indirect_dma semaphore(%run_scoped3A_196 : memref<!tpu.dma_semaphore, #tpu.memory_space<semaphore_mem>>) src(%arg9 : memref<128x128xf32, #tpu.memory_space<vmem>>) dst(%dma_wait3A_208 : memref<10240x128xf32, #tpu.memory_space<vmem_shared>>)
        tpu.yield
      }) : () -> ()
      %mul3A_182 = arith.constant 8 : i32
      %mul3A_183 = arith.muli %while3A_49, %mul3A_182 : i32
      %add3A_184 = arith.constant 7 : i32
      %add3A_185 = arith.addi %mul3A_183, %add3A_184 : i32
      %dma_wait3A_186 = arith.constant 0 : i32
      %dma_wait3A_187 = tpu.memref_slice %arg7[%add3A_185, %dma_wait3A_186] : memref<80x128xi32, #tpu.memory_space<vmem>> -> memref<1x128xi32, #tpu.memory_space<vmem>>
      %dma_wait3A_188 = tpu.memref_squeeze %dma_wait3A_187 : memref<1x128xi32, #tpu.memory_space<vmem>> -> memref<128xi32, #tpu.memory_space<vmem>>
      %dma_wait3A_189 = arith.constant 0 : i32
      %dma_wait3A_190 = arith.constant 0 : i32
      %dma_wait3A_191 = tpu.memref_slice %arg2[%dma_wait3A_189, %dma_wait3A_190] : memref<10000x128xf32, #tpu.memory_space<hbm>> -> memref<10000x128xf32, #tpu.memory_space<hbm>>
      tpu.wait_indirect_dma semaphore(%arg13 : memref<!tpu.dma_semaphore, #tpu.memory_space<semaphore_mem>>) src(%dma_wait3A_191 : memref<10000x128xf32, #tpu.memory_space<hbm>>) dst(%arg10 : memref<128x128xf32, #tpu.memory_space<vmem>>)
      %sub3A_192 = arith.constant 1 : i32
      %sub3A_193 = arith.subi %select_n3A_26, %sub3A_192 : i32
      %lt3A = arith.cmpi slt, %while3A_49, %sub3A_193 : i32
      %convert_element_type3A = arith.extui %lt3A : i1 to i32
      %cond3A = arith.constant 0 : i32
      %cond3A_194 = arith.cmpi ne, %convert_element_type3A, %cond3A : i32
      scf.if %cond3A_194 {
        %add3A_196 = arith.constant 1 : i32
        %add3A_197 = arith.addi %add3A_185, %add3A_196 : i32
        %dma_start3A_198 = arith.constant 0 : i32
        %dma_start3A_199 = tpu.memref_slice %arg7[%add3A_197, %dma_start3A_198] : memref<80x128xi32, #tpu.memory_space<vmem>> -> memref<1x128xi32, #tpu.memory_space<vmem>>
        %dma_start3A_200 = tpu.memref_squeeze %dma_start3A_199 : memref<1x128xi32, #tpu.memory_space<vmem>> -> memref<128xi32, #tpu.memory_space<vmem>>
        %dma_start3A_201 = arith.constant 0 : i32
        %dma_start3A_202 = arith.constant 0 : i32
        %dma_start3A_203 = tpu.memref_slice %arg2[%dma_start3A_201, %dma_start3A_202] : memref<10000x128xf32, #tpu.memory_space<hbm>> -> memref<10000x128xf32, #tpu.memory_space<hbm>>
        tpu.enqueue_indirect_dma source(%dma_start3A_203 : memref<10000x128xf32, #tpu.memory_space<hbm>>) target(%arg9 : memref<128x128xf32, #tpu.memory_space<vmem>>) offsets(%dma_start3A_200 : memref<128xi32, #tpu.memory_space<vmem>>) semaphore(%arg12 : memref<!tpu.dma_semaphore, #tpu.memory_space<semaphore_mem>>)
      } else {
      }
      %run_scoped3A_195 = arith.constant 7 : i32
      "tpu.region"() ({
        %run_scoped3A_196 = tpu.sem_alloc : memref<!tpu.dma_semaphore, #tpu.memory_space<semaphore_mem>>
        %dma_start3A_197 = arith.constant 0 : i32
        %dma_start3A_198 = tpu.memref_slice %arg8[%run_scoped3A_195, %dma_start3A_197] : memref<8x128xi32, #tpu.memory_space<vmem>> -> memref<1x128xi32, #tpu.memory_space<vmem>>
        %dma_start3A_199 = tpu.memref_squeeze %dma_start3A_198 : memref<1x128xi32, #tpu.memory_space<vmem>> -> memref<128xi32, #tpu.memory_space<vmem>>
        %dma_start3A_200 = arith.constant 0 : i32
        %dma_start3A_201 = arith.constant 0 : i32
        %dma_start3A_202 = tpu.memref_slice %arg11[%dma_start3A_200, %dma_start3A_201] : memref<10240x128xf32, #tpu.memory_space<vmem_shared>> -> memref<10240x128xf32, #tpu.memory_space<vmem_shared>>
        tpu.enqueue_indirect_dma source(%arg10 : memref<128x128xf32, #tpu.memory_space<vmem>>) target(%dma_start3A_202 : memref<10240x128xf32, #tpu.memory_space<vmem_shared>>) offsets(%dma_start3A_199 : memref<128xi32, #tpu.memory_space<vmem>>) semaphore(%run_scoped3A_196 : memref<!tpu.dma_semaphore, #tpu.memory_space<semaphore_mem>>) {add = true}
        %dma_wait3A_203 = arith.constant 0 : i32
        %dma_wait3A_204 = tpu.memref_slice %arg8[%run_scoped3A_195, %dma_wait3A_203] : memref<8x128xi32, #tpu.memory_space<vmem>> -> memref<1x128xi32, #tpu.memory_space<vmem>>
        %dma_wait3A_205 = tpu.memref_squeeze %dma_wait3A_204 : memref<1x128xi32, #tpu.memory_space<vmem>> -> memref<128xi32, #tpu.memory_space<vmem>>
        %dma_wait3A_206 = arith.constant 0 : i32
        %dma_wait3A_207 = arith.constant 0 : i32
        %dma_wait3A_208 = tpu.memref_slice %arg11[%dma_wait3A_206, %dma_wait3A_207] : memref<10240x128xf32, #tpu.memory_space<vmem_shared>> -> memref<10240x128xf32, #tpu.memory_space<vmem_shared>>
        tpu.wait_indirect_dma semaphore(%run_scoped3A_196 : memref<!tpu.dma_semaphore, #tpu.memory_space<semaphore_mem>>) src(%arg10 : memref<128x128xf32, #tpu.memory_space<vmem>>) dst(%dma_wait3A_208 : memref<10240x128xf32, #tpu.memory_space<vmem_shared>>)
        tpu.yield
      }) : () -> ()
    }
    %barrier3A_44 = arith.constant 0 : index
    tpu.barrier barrier_id(%barrier3A_44)
    %mul3A_45 = arith.constant 640 : i32
    %mul3A_46 = arith.muli %arg1, %mul3A_45 : i32
    %mul3A_47 = arith.constant 640 : i32
    %mul3A_48 = arith.muli %arg1, %mul3A_47 : i32
    "tpu.region"() ({
      %run_scoped3A = tpu.sem_alloc : memref<!tpu.dma_semaphore, #tpu.memory_space<semaphore_mem>>
      %dma_start3A_49 = arith.constant 0 : i32
      %dma_start3A_50 = tpu.memref_slice %arg6[%arg0, %mul3A_48, %dma_start3A_49] : memref<2x10240x128xf32, #tpu.memory_space<hbm>> -> memref<1x640x128xf32, #tpu.memory_space<hbm>>
      %dma_start3A_51 = tpu.memref_squeeze %dma_start3A_50 : memref<1x640x128xf32, #tpu.memory_space<hbm>> -> memref<640x128xf32, #tpu.memory_space<hbm>>
      %dma_start3A_52 = arith.constant 0 : i32
      %dma_start3A_53 = tpu.memref_slice %arg11[%mul3A_46, %dma_start3A_52] : memref<10240x128xf32, #tpu.memory_space<vmem_shared>> -> memref<640x128xf32, #tpu.memory_space<vmem_shared>>
      tpu.enqueue_dma source(%dma_start3A_53 : memref<640x128xf32, #tpu.memory_space<vmem_shared>>) target(%dma_start3A_51 : memref<640x128xf32, #tpu.memory_space<hbm>>) target_semaphore(%run_scoped3A : memref<!tpu.dma_semaphore, #tpu.memory_space<semaphore_mem>>)
      %dma_wait3A = arith.constant 0 : i32
      %dma_wait3A_54 = tpu.memref_slice %arg6[%arg0, %mul3A_48, %dma_wait3A] : memref<2x10240x128xf32, #tpu.memory_space<hbm>> -> memref<1x640x128xf32, #tpu.memory_space<hbm>>
      %dma_wait3A_55 = tpu.memref_squeeze %dma_wait3A_54 : memref<1x640x128xf32, #tpu.memory_space<hbm>> -> memref<640x128xf32, #tpu.memory_space<hbm>>
      %dma_wait3A_56 = arith.constant 0 : i32
      %dma_wait3A_57 = tpu.memref_slice %arg11[%mul3A_46, %dma_wait3A_56] : memref<10240x128xf32, #tpu.memory_space<vmem_shared>> -> memref<640x128xf32, #tpu.memory_space<vmem_shared>>
      tpu.wait_dma2 semaphore(%run_scoped3A : memref<!tpu.dma_semaphore, #tpu.memory_space<semaphore_mem>>) src(%dma_wait3A_57 : memref<640x128xf32, #tpu.memory_space<vmem_shared>>) dst(%dma_wait3A_55 : memref<640x128xf32, #tpu.memory_space<hbm>>)
      tpu.yield
    }) : () -> ()
    return
  }
}

module attributes {stable_mosaic.version = 14 : i64} {
  func.func @_layer_body(%arg0: i32, %arg1: memref<1x1000x128xf32, #tpu.memory_space<vmem>>, %arg2: memref<1x1000x128xf32, #tpu.memory_space<vmem>>, %arg3: memref<1000x32xf32, #tpu.memory_space<vmem>>, %arg4: memref<1000x128xf32, #tpu.memory_space<vmem>>, %arg5: memref<128x128xf32, #tpu.memory_space<vmem>>, %arg6: memref<128x128xf32, #tpu.memory_space<vmem>>, %arg7: memref<1x128xf32, #tpu.memory_space<vmem>>, %arg8: memref<1000x128xf32, #tpu.memory_space<vmem>>) attributes {dimension_semantics = [#tpu.dimension_semantics<arbitrary>], iteration_bounds = array<i64: 10>, scalar_prefetch = 0 : i64, scratch_operands = 0 : i64, tpu.core_type = #tpu.core_type<tc>, window_params = [{transform_indices = @transform_0, window_bounds = array<i64: 1, 1000, 128>}, {transform_indices = @transform_1, window_bounds = array<i64: 1, 1000, 128>}, {transform_indices = @transform_2, window_bounds = array<i64: 1000, 32>}, {transform_indices = @transform_3, window_bounds = array<i64: 1000, 128>}, {pipeline_mode = #tpu.pipeline_mode<synchronous>, transform_indices = @transform_4, window_bounds = array<i64: 128, 128>}, {pipeline_mode = #tpu.pipeline_mode<synchronous>, transform_indices = @transform_5, window_bounds = array<i64: 128, 128>}, {pipeline_mode = #tpu.pipeline_mode<synchronous>, transform_indices = @transform_6, window_bounds = array<i64: 1, 128>}, {transform_indices = @transform_7, window_bounds = array<i64: 1000, 128>}]} {
    %get3A = arith.constant 0 : index
    %get3A_0 = arith.constant 0 : index
    %get3A_1 = vector.load %arg3[%get3A, %get3A_0] : memref<1000x32xf32, #tpu.memory_space<vmem>>, vector<1000x32xf32>
    %reduce_sum3A = arith.constant dense<0.000000e+00> : vector<1000xf32>
    %reduce_sum3A_2 = vector.multi_reduction <add>, %get3A_1, %reduce_sum3A [1] : vector<1000x32xf32> to vector<1000xf32>
    %broadcast_in_dim3A = vector.shape_cast %reduce_sum3A_2 : vector<1000xf32> to vector<1000x1xf32>
    %get3A_3 = arith.constant 0 : index
    %get3A_4 = arith.constant 0 : index
    %get3A_5 = arith.constant 0 : index
    %get3A_6 = vector.load %arg1[%get3A_3, %get3A_4, %get3A_5] : memref<1x1000x128xf32, #tpu.memory_space<vmem>>, vector<1x1000x128xf32>
    %get3A_7 = vector.shape_cast %get3A_6 : vector<1x1000x128xf32> to vector<1000x128xf32>
    %get3A_8 = arith.constant 0 : index
    %get3A_9 = arith.constant 0 : index
    %get3A_10 = arith.constant 0 : index
    %get3A_11 = vector.load %arg2[%get3A_8, %get3A_9, %get3A_10] : memref<1x1000x128xf32, #tpu.memory_space<vmem>>, vector<1x1000x128xf32>
    %get3A_12 = vector.shape_cast %get3A_11 : vector<1x1000x128xf32> to vector<1000x128xf32>
    %add3A = arith.addf %get3A_7, %get3A_12 : vector<1000x128xf32>
    %max3A = arith.constant 1.000000e+00 : f32
    %max3A_13 = vector.broadcast %max3A : f32 to vector<1000x1xf32>
    %max3A_14 = arith.maximumf %broadcast_in_dim3A, %max3A_13 : vector<1000x1xf32>
    %div3A = vector.broadcast %max3A_14 : vector<1000x1xf32> to vector<1000x128xf32>
    %div3A_15 = arith.divf %add3A, %div3A : vector<1000x128xf32>
    %get3A_16 = arith.constant 0 : index
    %get3A_17 = arith.constant 0 : index
    %get3A_18 = vector.load %arg5[%get3A_16, %get3A_17] : memref<128x128xf32, #tpu.memory_space<vmem>>, vector<128x128xf32>
    %dot_general3A = arith.constant dense<0.000000e+00> : vector<1000x128xf32>
    %dot_general3A_19 = tpu.matmul %div3A_15, %get3A_18, %dot_general3A {dimension_numbers = #tpu.dot_dimension_numbers<[1], [0], [0], [1], [0, 0, 1, 1], [], []>, transpose_lhs_hint = false} : vector<1000x128xf32>, vector<128x128xf32>, vector<1000x128xf32> -> vector<1000x128xf32>
    %get3A_20 = arith.constant 0 : index
    %get3A_21 = arith.constant 0 : index
    %get3A_22 = vector.load %arg4[%get3A_20, %get3A_21] : memref<1000x128xf32, #tpu.memory_space<vmem>>, vector<1000x128xf32>
    %get3A_23 = arith.constant 0 : index
    %get3A_24 = arith.constant 0 : index
    %get3A_25 = vector.load %arg6[%get3A_23, %get3A_24] : memref<128x128xf32, #tpu.memory_space<vmem>>, vector<128x128xf32>
    %dot_general3A_26 = arith.constant dense<0.000000e+00> : vector<1000x128xf32>
    %dot_general3A_27 = tpu.matmul %get3A_22, %get3A_25, %dot_general3A_26 {dimension_numbers = #tpu.dot_dimension_numbers<[1], [0], [0], [1], [0, 0, 1, 1], [], []>, transpose_lhs_hint = false} : vector<1000x128xf32>, vector<128x128xf32>, vector<1000x128xf32> -> vector<1000x128xf32>
    %add3A_28 = arith.addf %dot_general3A_19, %dot_general3A_27 : vector<1000x128xf32>
    %get3A_29 = arith.constant 0 : index
    %get3A_30 = arith.constant 0 : index
    %get3A_31 = vector.load %arg7[%get3A_29, %get3A_30] : memref<1x128xf32, #tpu.memory_space<vmem>>, vector<1x128xf32>
    %add3A_32 = vector.broadcast %get3A_31 : vector<1x128xf32> to vector<1000x128xf32>
    %add3A_33 = arith.addf %add3A_28, %add3A_32 : vector<1000x128xf32>
    %max3A_34 = arith.constant 0.000000e+00 : f32
    %max3A_35 = vector.broadcast %max3A_34 : f32 to vector<1000x128xf32>
    %max3A_36 = arith.maximumf %add3A_33, %max3A_35 : vector<1000x128xf32>
    %swap3A = arith.constant 0 : index
    %swap3A_37 = arith.constant 0 : index
    %swap3A_38 = vector.load %arg8[%swap3A, %swap3A_37] : memref<1000x128xf32, #tpu.memory_space<vmem>>, vector<1000x128xf32>
    tpu.vector_store %arg8[%swap3A, %swap3A_37], %max3A_36 {strides = array<i32>} : memref<1000x128xf32, #tpu.memory_space<vmem>>, vector<1000x128xf32>,
    return
  }
  func.func @transform_0(%arg0: i32) -> (i32, i32, i32) {
    %c0_i32 = arith.constant 0 : i32
    %c0_i32_0 = arith.constant 0 : i32
    %c0_i32_1 = arith.constant 0 : i32
    return %c0_i32, %arg0, %c0_i32_0 : i32, i32, i32
  }
  func.func @transform_1(%arg0: i32) -> (i32, i32, i32) {
    %c1_i32 = arith.constant 1 : i32
    %c0_i32 = arith.constant 0 : i32
    %c0_i32_0 = arith.constant 0 : i32
    return %c1_i32, %arg0, %c0_i32 : i32, i32, i32
  }
  func.func @transform_2(%arg0: i32) -> (i32, i32) {
    %c0_i32 = arith.constant 0 : i32
    %c0_i32_0 = arith.constant 0 : i32
    return %arg0, %c0_i32 : i32, i32
  }
  func.func @transform_3(%arg0: i32) -> (i32, i32) {
    %c0_i32 = arith.constant 0 : i32
    %c0_i32_0 = arith.constant 0 : i32
    return %arg0, %c0_i32 : i32, i32
  }
  func.func @transform_4(%arg0: i32) -> (i32, i32) {
    %c0_i32 = arith.constant 0 : i32
    %c0_i32_0 = arith.constant 0 : i32
    %c0_i32_1 = arith.constant 0 : i32
    return %c0_i32, %c0_i32_0 : i32, i32
  }
  func.func @transform_5(%arg0: i32) -> (i32, i32) {
    %c0_i32 = arith.constant 0 : i32
    %c0_i32_0 = arith.constant 0 : i32
    %c0_i32_1 = arith.constant 0 : i32
    return %c0_i32, %c0_i32_0 : i32, i32
  }
  func.func @transform_6(%arg0: i32) -> (i32, i32) {
    %c0_i32 = arith.constant 0 : i32
    %c0_i32_0 = arith.constant 0 : i32
    %c0_i32_1 = arith.constant 0 : i32
    return %c0_i32, %c0_i32_0 : i32, i32
  }
  func.func @transform_7(%arg0: i32) -> (i32, i32) {
    %c0_i32 = arith.constant 0 : i32
    %c0_i32_0 = arith.constant 0 : i32
    return %arg0, %c0_i32 : i32, i32
  }
}

module attributes {stable_mosaic.version = 14 : i64} {
  func.func @_layer_body(%arg0: i32, %arg1: memref<1x1000x128xf32, #tpu.memory_space<vmem>>, %arg2: memref<1x1000x128xf32, #tpu.memory_space<vmem>>, %arg3: memref<1000x32xf32, #tpu.memory_space<vmem>>, %arg4: memref<1000x128xf32, #tpu.memory_space<vmem>>, %arg5: memref<128x128xf32, #tpu.memory_space<vmem>>, %arg6: memref<128x128xf32, #tpu.memory_space<vmem>>, %arg7: memref<1x128xf32, #tpu.memory_space<vmem>>, %arg8: memref<1000x128xf32, #tpu.memory_space<vmem>>) attributes {dimension_semantics = [#tpu.dimension_semantics<arbitrary>], iteration_bounds = array<i64: 10>, scalar_prefetch = 0 : i64, scratch_operands = 0 : i64, tpu.core_type = #tpu.core_type<tc>, window_params = [{transform_indices = @transform_0, window_bounds = array<i64: 1, 1000, 128>}, {transform_indices = @transform_1, window_bounds = array<i64: 1, 1000, 128>}, {transform_indices = @transform_2, window_bounds = array<i64: 1000, 32>}, {transform_indices = @transform_3, window_bounds = array<i64: 1000, 128>}, {pipeline_mode = #tpu.pipeline_mode<synchronous>, transform_indices = @transform_4, window_bounds = array<i64: 128, 128>}, {pipeline_mode = #tpu.pipeline_mode<synchronous>, transform_indices = @transform_5, window_bounds = array<i64: 128, 128>}, {pipeline_mode = #tpu.pipeline_mode<synchronous>, transform_indices = @transform_6, window_bounds = array<i64: 1, 128>}, {transform_indices = @transform_7, window_bounds = array<i64: 1000, 128>}]} {
    %get3A = arith.constant 0 : index
    %get3A_0 = arith.constant 0 : index
    %get3A_1 = vector.load %arg3[%get3A, %get3A_0] : memref<1000x32xf32, #tpu.memory_space<vmem>>, vector<1000x32xf32>
    %reduce_sum3A = arith.constant dense<0.000000e+00> : vector<1000xf32>
    %reduce_sum3A_2 = vector.multi_reduction <add>, %get3A_1, %reduce_sum3A [1] : vector<1000x32xf32> to vector<1000xf32>
    %broadcast_in_dim3A = vector.shape_cast %reduce_sum3A_2 : vector<1000xf32> to vector<1000x1xf32>
    %get3A_3 = arith.constant 0 : index
    %get3A_4 = arith.constant 0 : index
    %get3A_5 = arith.constant 0 : index
    %get3A_6 = vector.load %arg1[%get3A_3, %get3A_4, %get3A_5] : memref<1x1000x128xf32, #tpu.memory_space<vmem>>, vector<1x1000x128xf32>
    %get3A_7 = vector.shape_cast %get3A_6 : vector<1x1000x128xf32> to vector<1000x128xf32>
    %get3A_8 = arith.constant 0 : index
    %get3A_9 = arith.constant 0 : index
    %get3A_10 = arith.constant 0 : index
    %get3A_11 = vector.load %arg2[%get3A_8, %get3A_9, %get3A_10] : memref<1x1000x128xf32, #tpu.memory_space<vmem>>, vector<1x1000x128xf32>
    %get3A_12 = vector.shape_cast %get3A_11 : vector<1x1000x128xf32> to vector<1000x128xf32>
    %add3A = arith.addf %get3A_7, %get3A_12 : vector<1000x128xf32>
    %max3A = arith.constant 1.000000e+00 : f32
    %max3A_13 = vector.broadcast %max3A : f32 to vector<1000x1xf32>
    %max3A_14 = arith.maximumf %broadcast_in_dim3A, %max3A_13 : vector<1000x1xf32>
    %div3A = vector.broadcast %max3A_14 : vector<1000x1xf32> to vector<1000x128xf32>
    %div3A_15 = arith.divf %add3A, %div3A : vector<1000x128xf32>
    %get3A_16 = arith.constant 0 : index
    %get3A_17 = arith.constant 0 : index
    %get3A_18 = vector.load %arg5[%get3A_16, %get3A_17] : memref<128x128xf32, #tpu.memory_space<vmem>>, vector<128x128xf32>
    %dot_general3A = arith.constant dense<0.000000e+00> : vector<1000x128xf32>
    %dot_general3A_19 = tpu.matmul %div3A_15, %get3A_18, %dot_general3A {dimension_numbers = #tpu.dot_dimension_numbers<[1], [0], [0], [1], [0, 0, 1, 1], [], []>, transpose_lhs_hint = false} : vector<1000x128xf32>, vector<128x128xf32>, vector<1000x128xf32> -> vector<1000x128xf32>
    %get3A_20 = arith.constant 0 : index
    %get3A_21 = arith.constant 0 : index
    %get3A_22 = vector.load %arg4[%get3A_20, %get3A_21] : memref<1000x128xf32, #tpu.memory_space<vmem>>, vector<1000x128xf32>
    %get3A_23 = arith.constant 0 : index
    %get3A_24 = arith.constant 0 : index
    %get3A_25 = vector.load %arg6[%get3A_23, %get3A_24] : memref<128x128xf32, #tpu.memory_space<vmem>>, vector<128x128xf32>
    %dot_general3A_26 = arith.constant dense<0.000000e+00> : vector<1000x128xf32>
    %dot_general3A_27 = tpu.matmul %get3A_22, %get3A_25, %dot_general3A_26 {dimension_numbers = #tpu.dot_dimension_numbers<[1], [0], [0], [1], [0, 0, 1, 1], [], []>, transpose_lhs_hint = false} : vector<1000x128xf32>, vector<128x128xf32>, vector<1000x128xf32> -> vector<1000x128xf32>
    %add3A_28 = arith.addf %dot_general3A_19, %dot_general3A_27 : vector<1000x128xf32>
    %get3A_29 = arith.constant 0 : index
    %get3A_30 = arith.constant 0 : index
    %get3A_31 = vector.load %arg7[%get3A_29, %get3A_30] : memref<1x128xf32, #tpu.memory_space<vmem>>, vector<1x128xf32>
    %add3A_32 = vector.broadcast %get3A_31 : vector<1x128xf32> to vector<1000x128xf32>
    %add3A_33 = arith.addf %add3A_28, %add3A_32 : vector<1000x128xf32>
    %reduce_max3A = arith.constant dense<0xFF800000> : vector<1000xf32>
    %reduce_max3A_34 = vector.multi_reduction <maximumf>, %add3A_33, %reduce_max3A [1] : vector<1000x128xf32> to vector<1000xf32>
    %broadcast_in_dim3A_35 = vector.shape_cast %reduce_max3A_34 : vector<1000xf32> to vector<1000x1xf32>
    %sub3A = vector.broadcast %broadcast_in_dim3A_35 : vector<1000x1xf32> to vector<1000x128xf32>
    %sub3A_36 = arith.subf %add3A_33, %sub3A : vector<1000x128xf32>
    %exp3A = math.exp %sub3A_36 : vector<1000x128xf32>
    %sub3A_37 = vector.broadcast %broadcast_in_dim3A_35 : vector<1000x1xf32> to vector<1000x128xf32>
    %sub3A_38 = arith.subf %add3A_33, %sub3A_37 : vector<1000x128xf32>
    %reduce_sum3A_39 = arith.constant dense<0.000000e+00> : vector<1000xf32>
    %reduce_sum3A_40 = vector.multi_reduction <add>, %exp3A, %reduce_sum3A_39 [1] : vector<1000x128xf32> to vector<1000xf32>
    %broadcast_in_dim3A_41 = vector.shape_cast %reduce_sum3A_40 : vector<1000xf32> to vector<1000x1xf32>
    %log3A = math.log %broadcast_in_dim3A_41 : vector<1000x1xf32>
    %sub3A_42 = vector.broadcast %log3A : vector<1000x1xf32> to vector<1000x128xf32>
    %sub3A_43 = arith.subf %sub3A_38, %sub3A_42 : vector<1000x128xf32>
    %swap3A = arith.constant 0 : index
    %swap3A_44 = arith.constant 0 : index
    %swap3A_45 = vector.load %arg8[%swap3A, %swap3A_44] : memref<1000x128xf32, #tpu.memory_space<vmem>>, vector<1000x128xf32>
    tpu.vector_store %arg8[%swap3A, %swap3A_44], %sub3A_43 {strides = array<i32>} : memref<1000x128xf32, #tpu.memory_space<vmem>>, vector<1000x128xf32>,
    return
  }
  func.func @transform_0(%arg0: i32) -> (i32, i32, i32) {
    %c0_i32 = arith.constant 0 : i32
    %c0_i32_0 = arith.constant 0 : i32
    %c0_i32_1 = arith.constant 0 : i32
    return %c0_i32, %arg0, %c0_i32_0 : i32, i32, i32
  }
  func.func @transform_1(%arg0: i32) -> (i32, i32, i32) {
    %c1_i32 = arith.constant 1 : i32
    %c0_i32 = arith.constant 0 : i32
    %c0_i32_0 = arith.constant 0 : i32
    return %c1_i32, %arg0, %c0_i32 : i32, i32, i32
  }
  func.func @transform_2(%arg0: i32) -> (i32, i32) {
    %c0_i32 = arith.constant 0 : i32
    %c0_i32_0 = arith.constant 0 : i32
    return %arg0, %c0_i32 : i32, i32
  }
  func.func @transform_3(%arg0: i32) -> (i32, i32) {
    %c0_i32 = arith.constant 0 : i32
    %c0_i32_0 = arith.constant 0 : i32
    return %arg0, %c0_i32 : i32, i32
  }
  func.func @transform_4(%arg0: i32) -> (i32, i32) {
    %c0_i32 = arith.constant 0 : i32
    %c0_i32_0 = arith.constant 0 : i32
    %c0_i32_1 = arith.constant 0 : i32
    return %c0_i32, %c0_i32_0 : i32, i32
  }
  func.func @transform_5(%arg0: i32) -> (i32, i32) {
    %c0_i32 = arith.constant 0 : i32
    %c0_i32_0 = arith.constant 0 : i32
    %c0_i32_1 = arith.constant 0 : i32
    return %c0_i32, %c0_i32_0 : i32, i32
  }
  func.func @transform_6(%arg0: i32) -> (i32, i32) {
    %c0_i32 = arith.constant 0 : i32
    %c0_i32_0 = arith.constant 0 : i32
    %c0_i32_1 = arith.constant 0 : i32
    return %c0_i32, %c0_i32_0 : i32, i32
  }
  func.func @transform_7(%arg0: i32) -> (i32, i32) {
    %c0_i32 = arith.constant 0 : i32
    %c0_i32_0 = arith.constant 0 : i32
    return %arg0, %c0_i32 : i32, i32
  }
}

</mosaic_0001>

<sc_bundles>
// kernel: kernel.10.cloned.1.call-start
scs
__scs_entry_jumppad:
0x0: {  	(pc) =	sbr.rel $0x88, $3  }
0x1: {  	(tag) =	ssettag $0x0;
	lr =	simm.s32 $0x1  }
0x2: {  	[smem:$0x3F99] =	sst lr;
	_ =	strace $0xD0000000  }
0x3: {  	_ = 	snop  }
0x4: {  	_ = 	snop  }
0x5: {  	_ = 	snop  }
0x6: {  	_ = 	snop  }
0x7: {  	_ = 	snop  }
__scs_overlays_trampoline_lowered:
0x8: {  	[smem:$0x3FA8] =	sst s0  }
0x9: {  	[smem:$0x3FA9] =	sst s1  }
0xa: {  	[smem:$0x3FAA] =	sst s2  }
0xb: {  	[smem:$0x3FAB] =	sst s3  }
0xc: {  	[smem:$0x3FAC] =	sst s4  }
0xd: {  	[smem:$0x3FAD] =	sst s5  }
0xe: {  	[smem:$0x3FAE] =	sst s6  }
0xf: {  	[smem:$0x3FAF] =	sst s7  }
0x10: {  	[smem:$0x3FB0] =	sst s8  }
0x11: {  	[smem:$0x3FB1] =	sst s9;
	s0 =	simm.s32 @!p0 $0x0  }
0x12: {  	s1 =	sld [smem:$0x3F97];
	s0 =	simm.s32 @p0 $0x1  }
0x13: {  	[smem:$0x3FB2] =	sst s0;
	s0 =	simm.s32 @!p1 $0x0  }
0x14: {  	s2 =	sld [smem:$0x3F96];
	s0 =	simm.s32 @p1 $0x1  }
0x15: {  	[smem:$0x3FB3] =	sst s0;
	s0 =	simm.s32 @!p2 $0x0  }
0x16: {  	s3 =	sld [smem:$0x3FDB];
	s0 =	simm.s32 @p2 $0x1  }
0x17: {  	s4 =	simm.s32 $0x1BF5;
	[smem:$0x3FB5] =	sst s0  }
0x18: {  	s0 =	sld [smem:$0x3F98];
	_ =	swait.ge [sflag:s4], $0x0  }
0x19: {  	s7 =	sld [smem:$0x3F99]  }
0x1a: {  	s8 =	sadd.s32 $0xFFFFE003, lr  }
0x1b: {  	s9 =	sadd.s32 $0xFFFFFEF7, lr;
	s5 =	simm.s32 $0xFFFFFFFF;
	p2 =	slt.u32 s8, $0xFFFFF086  }
0x1c: {  	p1 =	slt.u32 s9, $0xF7A;
	s5 =	simm.s32 @!p2 $0x0  }
0x1d: {  	s5 =	simm.s32 @p1 $0x1;
	p0 =	seq.s32 s7, s2  }
0x1e: {  	s7 =	smul.u32 @!p0 $0xF7A, s2;
	p2 =	seq.s32 @!p0 s5, $0x0  }
0x1f: {  	s9 =	smul.u32 $0xF7A, s1;
	s8 =	simm.s32 @!p0 $0x1BF5;
	p2 =	por !p2, p0  }
0x20: {  	[sflag:s8] =	ssyncset.s32 @!p0 $0xFFFFF086;
	s6 =	sadd.s32 @!p0 s3, s7;
	s7 =	simm.s32 @!p0 $0x108  }
0x21: {  	s3 =	sadd.s32 s3, s9;
	s6 =	sadd.s32 @!p0 $0x88, s6;
	s7 =	simm.s32 @p2 $0x1082  }
0x22: {  	[simem:s7], [sflag:s8] =	dma.local @!p0 [hbm:s6], $0xF7A  }
0x23: {  	s9 =	sor.u32 $0xD0000000, s2;
	s6 =	simm.s32 $0x108;
	_ =	swait.ge @!p0 [sflag:s8], $0x0  }
0x24: {  	s3 =	sadd.s32 $0x88, s3;
	s6 =	simm.s32 @!p1 $0x1082;
	[sflag:s4] =	ssyncset.s32 $0xFFFFF086  }
0x25: {  	[simem:s6], [sflag:s4] =	dma.local [hbm:s3], $0xF7A  }
0x26: {  	[smem:$0x3F99] =	sst s1;
	(tag) =	ssettag s2;
	_ =	strace s9  }
0x27: {  	s1 =	sld [smem:$0x3FA9]  }
0x28: {  	s2 =	sld [smem:$0x3FAA]  }
0x29: {  	s4 =	sld [smem:$0x3FAC]  }
0x2a: {  	p0 =	seq.s32 s5, $0x0;
	s5 =	sld [smem:$0x3FAD]  }
0x2b: {  	s6 =	sld [smem:$0x3FAE]  }
0x2c: {  	s7 =	sld [smem:$0x3FAF]  }
0x2d: {  	s3 =	simm.s32 $0x108;
	s8 =	sld [smem:$0x3FB0]  }
0x2e: {  	s3 =	simm.s32 @!p0 $0x1082;
	s9 =	sld [smem:$0x3FB1]  }
0x2f: {  	lr =	sadd.s32 s0, s3;
	s0 =	sld [smem:$0x3FA8]  }
0x30: {  	s3 =	sld [smem:$0x3FAB]  }
0x31: {  	[smem:$0x3FB4] =	sst s10  }
0x32: {  	s10 =	sld [smem:$0x3FB2];
	_ =	sdelay $0x3  }
0x33: {  	p0 =	seq.s32 s10, $0x1;
	s10 =	sld [smem:$0x3FB4];
	_ =	sdelay $0x3  }
0x34: {  	[smem:$0x3FB4] =	sst s10  }
0x35: {  	s10 =	sld [smem:$0x3FB3];
	_ =	sdelay $0x3  }
0x36: {  	p1 =	seq.s32 s10, $0x1;
	s10 =	sld [smem:$0x3FB4];
	_ =	sdelay $0x3  }
0x37: {  	[smem:$0x3FB4] =	sst s10  }
0x38: {  	s10 =	sld [smem:$0x3FB5]  }
0x39: {  	_ = 	snop;
	(pc) =	sbr.ind lr, $3  }
0x3a: {  	_ = 	snop  }
0x3b: {  	_ = 	snop  }
0x3c: {  	p2 =	seq.s32 s10, $0x1;
	s10 =	sld [smem:$0x3FB4]  }
0x3d: {  	_ =	shalt  }
0x3e: {  	_ =	shalt  }
0x3f: {  	_ =	shalt  }
0x40: {  	_ =	shalt  }
0x41: {  	_ =	shalt  }
0x42: {  	_ =	shalt  }
0x43: {  	_ =	shalt  }
0x44: {  	_ =	shalt  }
0x45: {  	_ =	shalt  }
0x46: {  	_ =	shalt  }
0x47: {  	_ =	shalt  }
0x48: {  	_ =	shalt  }
0x49: {  	_ =	shalt  }
0x4a: {  	_ =	shalt  }
0x4b: {  	_ =	shalt  }
0x4c: {  	_ =	shalt  }
0x4d: {  	_ =	shalt  }
0x4e: {  	_ =	shalt  }
0x4f: {  	_ =	shalt  }
0x50: {  	_ =	shalt  }
0x51: {  	_ =	shalt  }
0x52: {  	_ =	shalt  }
0x53: {  	_ =	shalt  }
0x54: {  	_ =	shalt  }
0x55: {  	_ =	shalt  }
0x56: {  	_ =	shalt  }
0x57: {  	_ =	shalt  }
0x58: {  	_ =	shalt  }
0x59: {  	_ =	shalt  }
0x5a: {  	_ =	shalt  }
0x5b: {  	_ =	shalt  }
0x5c: {  	_ =	shalt  }
0x5d: {  	_ =	shalt  }
0x5e: {  	_ =	shalt  }
0x5f: {  	_ =	shalt  }
0x60: {  	_ =	shalt  }
0x61: {  	_ =	shalt  }
0x62: {  	_ =	shalt  }
0x63: {  	_ =	shalt  }
0x64: {  	_ =	shalt  }
0x65: {  	_ =	shalt  }
0x66: {  	_ =	shalt  }
0x67: {  	_ =	shalt  }
0x68: {  	_ =	shalt  }
0x69: {  	_ =	shalt  }
0x6a: {  	_ =	shalt  }
0x6b: {  	_ =	shalt  }
0x6c: {  	_ =	shalt  }
0x6d: {  	_ =	shalt  }
0x6e: {  	_ =	shalt  }
0x6f: {  	_ =	shalt  }
0x70: {  	_ =	shalt  }
0x71: {  	_ =	shalt  }
0x72: {  	_ =	shalt  }
0x73: {  	_ =	shalt  }
0x74: {  	_ =	shalt  }
0x75: {  	_ =	shalt  }
0x76: {  	_ =	shalt  }
0x77: {  	_ =	shalt  }
0x78: {  	_ =	shalt  }
0x79: {  	_ =	shalt  }
0x7a: {  	_ =	shalt  }
0x7b: {  	_ =	shalt  }
0x7c: {  	_ =	shalt  }
0x7d: {  	_ =	shalt  }
0x7e: {  	_ =	shalt  }
0x7f: {  	_ =	shalt  }
0x80: {  	_ =	shalt  }
0x81: {  	_ =	shalt  }
0x82: {  	_ =	shalt  }
0x83: {  	_ =	shalt  }
0x84: {  	_ =	shalt  }
0x85: {  	_ =	shalt  }
0x86: {  	_ =	shalt  }
0x87: {  	_ =	shalt  }
.Lfunc_end0:
.L_simem_size_0:
called_computation.1_lowered:
.L_overlay_start_0:
0x88: {  	s2 =	sld [smem:$0x3FD9]  }
0x89: {  	s3 =	sld [smem:$0x3FFE];
	_ =	sdelay $0x1  }
0x8a: {  	s1 =	srdreg.scid  }
0x8b: {  	s0 =	sand.u32 $0x1, s1  }
0x8c: {  	s17 =	sshll.u32 s0, $0xA;
	s2 =	sadd.s32 s3, s2  }
0x8d: {  	s2 =	sadd.s32 s2, s17  }
0x8e: {  	[smem:$0x3FC0] =	sst s2  }
0x8f: {  	_ = 	snop  }
0x90: {  	s18 =	sld [smem:$0x3FC9];
	(tm) =	ssettm $0x1  }
0x91: {  	s19 =	sld [smem:$0x3FFB];
	_ =	sdelay $0x3  }
0x92: {  	_ =	strace s19  }
0x93: {  	s2 =	sld [smem:$0x3FFC];
	_ =	sdelay $0x3  }
0x94: {  	_ =	strace s2  }
0x95: {  	s2 =	sld [smem:$0x3FFD];
	_ =	sdelay $0x3  }
0x96: {  	_ =	strace s2  }
0x97: {  	_ =	strace $0x8FFFFFFF  }
0x98: {  	s20 =	sld [smem:$0x3FDB];
	_ =	sdelay $0x1  }
0x99: {  	s4 =	simm.s32 $_scs_section_size  }
0x9a: {  	s5 =	simm.s32 $_size__tile_overlayer_lowered;
	s6 =	simm.s32 $_tile_overlayer_lowered  }
0x9b: {  	s7 =	simm.s32 $0x1BFF;
	s21 =	sshll.u32 s6, $0x1;
	s4 =	sadd.s32 s4, s20  }
0x9c: {  	s22 =	simm.s32 $0x0;
	s5 =	sshll.u32 s5, $0x1;
	s6 =	sadd.s32 s21, s4  }
0x9d: {  	[timem:s22], [sflag:s7] =	dma.local [hbm:s6], s5  }
0x9e: {  	_ =	swait.ge [sflag:s7], s5  }
0x9f: {  	s5 =	ssub.s32 $0x0, s5;
	[sflag:s7] =	ssyncset.done $0x0  }
0xa0: {  	[sflag:s7] =	ssyncadd.s32 s5;
	_ =	sdelay $0x1  }
0xa1: {  	s23 =	simm.s32 $0x1B8B  }
0xa2: {  	_ =	swait.ge [sflag:s23], $0x1  }
0xa3: {  	[sflag:s23] =	ssyncset.done $0x0  }
0xa4: {  	[sflag:s23] =	ssyncadd.s32 $0xFFFFFFFF  }
0xa5: {  	s5 =	sld [smem:$0x0]  }
0xa6: {  	s6 =	sand.u32 $0xFFFFFFFE, s1  }
0xa7: {  	p0 =	sne.s32 s1, s6  }
0xa8: {  	s6 =	sshll.u32 @p0 s6, $0xE  }
0xa9: {  	s6 =	sadd.s32 @p0 $0x11B8D, s6;
	s7 =	sshll.u32 @p0 s5, $0x11  }
0xaa: {  	s6 =	sor.u32 @p0 s7, s6  }
0xab: {  	[sflag:s6] =	ssyncadd.remote.s32 @p0 $0x1;
	_ =	sdelay $0x1  }
0xac: {  	s6 =	simm.s32 @p0 $0x1B8D  }
0xad: {  	_ =	swait.eq @p0 [sflag:s6], $0x1  }
0xae: {  	[sflag:s6] =	ssyncadd.s32 @p0 $0xFFFFFFFF  }
0xaf: {  	s7 =	sshll.u32 @!p0 s1, $0xE  }
0xb0: {  	s7 =	sor.u32 @!p0 $0x4000, s7;
	s6 =	simm.s32 @!p0 $0x1B8D  }
0xb1: {  	s5 =	sshll.u32 @!p0 s5, $0x11;
	s7 =	sadd.s32 @!p0 $0x11B8D, s7;
	_ =	swait.eq @!p0 [sflag:s6], $0x1  }
0xb2: {  	s5 =	sor.u32 @!p0 s5, s7;
	[sflag:s6] =	ssyncadd.s32 @!p0 $0xFFFFFFFF  }
0xb3: {  	s25 =	simm.s32 $0x1B8E;
	s24 =	sld [smem:$0x3FFE];
	[sflag:s5] =	ssyncadd.remote.s32 @!p0 $0x1  }
0xb4: {  	s26 =	simm.s32 $execute0_lowered;
	[smem:$0x3FD2] =	sst s25  }
0xb5: {  	s6 =	sshll.u32 s26, $0x1;
	_ =	strace $0x80000049;
	[dreg:$0x1] =	wrdreg $0xFFFFFFFF  }
0xb6: {  	s28 =	simm.s32 $_size_execute0_lowered;
	s4 =	sadd.s32 s4, s6;
	[dreg:$0x0] =	wrdreg $0x0  }
0xb7: {  	s6 =	sshll.u32 s28, $0x1;
	[dreg:$0x2] =	wrdreg s4  }
0xb8: {  	[dreg:$0x3] =	wrdreg s6  }
0xb9: {  	[dreg:$0x4] =	wrdreg $0xC0  }
0xba: {  	_ =	task [dreg:s22], $0x5FFFF  }
0xbb: {  	[dreg:$0x1] =	wrdreg $0xFFFFFFFF  }
0xbc: {  	[dreg:$0x0] =	wrdreg $0x60  }
0xbd: {  	[dreg:$0x2] =	wrdreg s18  }
0xbe: {  	[dreg:$0x3] =	wrdreg s24  }
0xbf: {  	[dreg:$0x4] =	wrdreg $0xAC000  }
0xc0: {  	[dreg:$0x5] =	wrdreg $0xA  }
0xc1: {  	_ =	task.clear_ibuf [dreg:s22], $0x6FFFF;
	_ =	strace $0x90000049  }
0xc2: {  	s29 =	simm.s32 $0xA;
	_ =	strace $0x8000004B  }
0xc3: {  	_ =	swait.ge [sflag:s29], $0x1  }
0xc4: {  	[sflag:s29] =	ssyncadd.s32 $0xFFFFFFFF  }
0xc5: {  	_ =	strace $0x9000004B  }
0xc6: {  	_ =	sfence  }
0xc7: {  	s30 =	sld [smem:$0x0];
	_ =	sdelay $0x2  }
0xc8: {  	s31 =	sshll.u32 s1, $0xD;
	s1 =	sshrl.u32 s1, $0x2  }
0xc9: {  	s4 =	sand.u32 $0x4000, s31;
	s1 =	sadd.s32 s1, s30  }
0xca: {  	s0 =	sor.u32 s4, s0;
	s1 =	sshll.u32 s1, $0x11  }
0xcb: {  	s0 =	sor.u32 s1, s0  }
0xcc: {  	s0 =	sadd.s32 $0x8F2B, s0  }
0xcd: {  	[sflag:s0] =	ssyncadd.remote.s32 $0x1  }
0xce: {  	_ =	sfence.sel $0xFFFF  }
0xcf: {  	[dreg:$0x0] =	wrdreg $0xFFFFFFFF;
	(pc) =	sbr.abs _section_cstart, $3  }
0xd0: {  	[dreg:$0x1] =	wrdreg $0xFFFFFFFF  }
0xd1: {  	_ =	task.clear_ibuf [dreg:s22], $0x2FFFF;
	_ =	strace $0x9FFFFFFF  }
0xd2: {  	(tm) =	ssettm $0x7FFFFFFF  }
0xd3: {  	_ =	shalt  }
tec
execute0_lowered:
.L_overlay_start_1:
0x0: {  	(tag) =	ssettag $0x1  }
0x1: {  	s1 =	rddreg [dreg:$0x0]  }
0x2: {  	s6 =	rddreg [dreg:$0x1];
	s0 =	stileid.u32  }
0x3: {  	s2 =	srdreg.scid;
	s3 =	rddreg [dreg:$0x2]  }
0x4: {  	s4 =	simm.s32 $0x0;
	s13 =	simm.s32 $0x80;
	s14 =	simm.s32 $0x2C00  }
0x5: {  	s15 =	simm.s32 $0x2800;
	s16 =	simm.s32 $0x1;
	s17 =	simm.s32 $0x6C00  }
0x6: {  	s19 =	simm.s32 $0x2880;
	s18 =	simm.s32 $0x2;
	s20 =	simm.s32 $0x2980  }
0x7: {  	s21 =	simm.s32 $0x2A00;
	s22 =	simm.s32 $0x2A80;
	s23 =	simm.s32 $0x2B00  }
0x8: {  	s24 =	simm.s32 $0x2B80;
	s25 =	simm.s32 $0x0;
	s5 =	smul.u32 $0x50, s0  }
0x9: {  	s7 =	sand.u32 $0x1, s2;
	[smem:$0x7FF] =	sst s4;
	s9 =	smul.u32 $0x14000, s0  }
0xa: {  	s29 =	smul.u32 $0x50000, s0;
	s31 =	sshll.u32 s0, $0x6;
	p0 =	seq.s32 s7, $0x0  }
0xb: {  	s26 =	smul.u32 $0x140000, s7;
	_ =	strace $0x8000004A;
	s7 =	ssub.s32 $0x2, s7  }
0xc: {  	[dreg:$0x4] =	wrdreg s19;
	s19 =	simm.s32 $0x2900;
	s8 =	sadd.s32 $0x500, s5  }
0xd: {  	s11 =	sshrl.u32 s7, $0x1;
	s30 =	sshrl.u32 s29, $0x2;
	s8 =	smov.u32 @p0 s5  }
0xe: {  	s28 =	sadd.s32 s9, s26;
	s5 =	sadd.s32 $0x1FC00, s6;
	s8 =	sshll.u32 s8, $0x4  }
0xf: {  	s12 =	sadd.s32 s30, s3;
	s10 =	sadd.s32 s8, s6;
	s8 =	sshrl.u32 s28, $0x3  }
0x10: {  	s11 =	ssub.s32 s7, s11;
	s12 =	sshrl.u32 s12, $0x3;
	s8 =	sadd.s32 s8, s6  }
0x11: {  	s6 =	sadd.s32 $0x15C00, s10;
	s9 =	sadd.s32 $0xBC00, s10;
	s10 =	simm.s32 $0x3  }
0x12: {  	s7 =	sadd.s32 $0x22400, s8;
	s8 =	smax.u32 s11, $0x1;
	s11 =	sor.u32 $0x1C03, s31  }
.LBB2_1:
0x13: {  	[tilespmem:s4], [sflag:$0x3] =	stream.linear.gather [hbm4b:s6+s4], $0x2800, $0x38;
	[tilespmem:$0x1EC00] =	vst v63  }
0x14: {  	_ =	swait.ge [sflag:s10], $0x2800  }
0x15: {  	[sflag:s10] =	ssyncset.done $0x0  }
0x16: {  	[sflag:s10] =	ssyncadd.s32 $0xFFFFD800  }
0x17: {  	[spmem:s12], [sflag:s11] =	dma.local [hbm:s5], $0x2800  }
0x18: {  	_ =	swait.ge [sflag:s10], $0x2800  }
0x19: {  	[sflag:s10] =	ssyncset.done $0x0  }
0x1a: {  	[sflag:s10] =	ssyncadd.s32 $0xFFFFD800  }
0x1b: {  	[bflag:$0x0] =	sbarrier.arrive $0xFFFF  }
0x1c: {  	[tilespmem:s14], [sflag:$0x1] =	stream.indirect.gather [hbm4b:s1+s13], $0x80, s4, s13, $0xb8;
	[tilespmem:$0x1EC00] =	vst v63  }
0x1d: {  	_ = 	snop  }
0x1e: {  	[tilespmem:s15], [sflag:$0x3] =	stream.linear.gather [hbm4b:s9+s4], $0x400, $0x38;
	[tilespmem:$0x1EC00] =	vst v63  }
0x1f: {  	_ =	swait.ge [sflag:s10], $0x400  }
0x20: {  	[sflag:s10] =	ssyncset.done $0x0  }
0x21: {  	[sflag:s10] =	ssyncadd.s32 $0xFFFFFC00  }
0x22: {  	_ =	swait.ge [sflag:s16], $0x4000  }
0x23: {  	[sflag:s16] =	ssyncset.done $0x0  }
0x24: {  	s26 =	simm.s32 $0x80;
	[sflag:s16] =	ssyncadd.s32 $0xFFFFC000  }
0x25: {  	[tilespmem:s17], [sflag:$0x2] =	stream.indirect.gather [hbm4b:s1+s13], $0x80, s26, s13, $0xb8;
	[tilespmem:$0x1EC00] =	vst v63  }
0x26: {  	_ = 	snop  }
0x27: {  	[spmem:s3] =	stream.indirect.scatter.add.f32 [tilespmem:s14], [sflag:$0x3], $0x80, s15, s13, $0xb8;
	[tilespmem:$0x1EC00] =	vst v63  }
0x28: {  	_ =	swait.ge [sflag:s10], $0x4000  }
0x29: {  	[sflag:s10] =	ssyncset.done $0x0  }
0x2a: {  	[sflag:s10] =	ssyncadd.s32 $0xFFFFC000  }
0x2b: {  	_ =	swait.ge [sflag:s18], $0x4000  }
0x2c: {  	[sflag:s18] =	ssyncset.done $0x0  }
0x2d: {  	s30 =	simm.s32 $0x100;
	[sflag:s18] =	ssyncadd.s32 $0xFFFFC000  }
0x2e: {  	[tilespmem:s14], [sflag:$0x1] =	stream.indirect.gather [hbm4b:s1+s13], $0x80, s30, s13, $0xb8;
	[tilespmem:$0x1EC00] =	vst v63  }
0x2f: {  	s28 =	rddreg [dreg:$0x4]  }
0x30: {  	[spmem:s3] =	stream.indirect.scatter.add.f32 [tilespmem:s17], [sflag:$0x3], $0x80, s28, s13, $0xb8;
	[tilespmem:$0x1EC00] =	vst v63  }
0x31: {  	_ =	swait.ge [sflag:s10], $0x4000  }
0x32: {  	[sflag:s10] =	ssyncset.done $0x0  }
0x33: {  	[sflag:s10] =	ssyncadd.s32 $0xFFFFC000  }
0x34: {  	_ =	swait.ge [sflag:s16], $0x4000  }
0x35: {  	[sflag:s16] =	ssyncset.done $0x0  }
0x36: {  	s31 =	simm.s32 $0x180;
	[sflag:s16] =	ssyncadd.s32 $0xFFFFC000  }
0x37: {  	[tilespmem:s17], [sflag:$0x2] =	stream.indirect.gather [hbm4b:s1+s13], $0x80, s31, s13, $0xb8;
	[tilespmem:$0x1EC00] =	vst v63  }
0x38: {  	_ = 	snop  }
0x39: {  	[spmem:s3] =	stream.indirect.scatter.add.f32 [tilespmem:s14], [sflag:$0x3], $0x80, s19, s13, $0xb8;
	[tilespmem:$0x1EC00] =	vst v63  }
0x3a: {  	_ =	swait.ge [sflag:s10], $0x4000  }
0x3b: {  	[sflag:s10] =	ssyncset.done $0x0  }
0x3c: {  	[sflag:s10] =	ssyncadd.s32 $0xFFFFC000  }
0x3d: {  	_ =	swait.ge [sflag:s18], $0x4000  }
0x3e: {  	[sflag:s18] =	ssyncset.done $0x0  }
0x3f: {  	s2 =	simm.s32 $0x200;
	[sflag:s18] =	ssyncadd.s32 $0xFFFFC000  }
0x40: {  	[tilespmem:s14], [sflag:$0x1] =	stream.indirect.gather [hbm4b:s1+s13], $0x80, s2, s13, $0xb8;
	[tilespmem:$0x1EC00] =	vst v63  }
0x41: {  	_ = 	snop  }
0x42: {  	[spmem:s3] =	stream.indirect.scatter.add.f32 [tilespmem:s17], [sflag:$0x3], $0x80, s20, s13, $0xb8;
	[tilespmem:$0x1EC00] =	vst v63  }
0x43: {  	_ =	swait.ge [sflag:s10], $0x4000  }
0x44: {  	[sflag:s10] =	ssyncset.done $0x0  }
0x45: {  	[sflag:s10] =	ssyncadd.s32 $0xFFFFC000  }
0x46: {  	_ =	swait.ge [sflag:s16], $0x4000  }
0x47: {  	[sflag:s16] =	ssyncset.done $0x0  }
0x48: {  	s29 =	simm.s32 $0x280;
	[sflag:s16] =	ssyncadd.s32 $0xFFFFC000  }
0x49: {  	[tilespmem:s17], [sflag:$0x2] =	stream.indirect.gather [hbm4b:s1+s13], $0x80, s29, s13, $0xb8;
	[tilespmem:$0x1EC00] =	vst v63  }
0x4a: {  	_ = 	snop  }
0x4b: {  	[spmem:s3] =	stream.indirect.scatter.add.f32 [tilespmem:s14], [sflag:$0x3], $0x80, s21, s13, $0xb8;
	[tilespmem:$0x1EC00] =	vst v63  }
0x4c: {  	_ =	swait.ge [sflag:s10], $0x4000  }
0x4d: {  	[sflag:s10] =	ssyncset.done $0x0  }
0x4e: {  	[sflag:s10] =	ssyncadd.s32 $0xFFFFC000  }
0x4f: {  	_ =	swait.ge [sflag:s18], $0x4000  }
0x50: {  	[sflag:s18] =	ssyncset.done $0x0  }
0x51: {  	s30 =	simm.s32 $0x300;
	[sflag:s18] =	ssyncadd.s32 $0xFFFFC000  }
0x52: {  	[tilespmem:s14], [sflag:$0x1] =	stream.indirect.gather [hbm4b:s1+s13], $0x80, s30, s13, $0xb8;
	[tilespmem:$0x1EC00] =	vst v63  }
0x53: {  	_ = 	snop  }
0x54: {  	[spmem:s3] =	stream.indirect.scatter.add.f32 [tilespmem:s17], [sflag:$0x3], $0x80, s22, s13, $0xb8;
	[tilespmem:$0x1EC00] =	vst v63  }
0x55: {  	_ =	swait.ge [sflag:s10], $0x4000  }
0x56: {  	[sflag:s10] =	ssyncset.done $0x0  }
0x57: {  	[sflag:s10] =	ssyncadd.s32 $0xFFFFC000  }
0x58: {  	_ =	swait.ge [sflag:s16], $0x4000  }
0x59: {  	[sflag:s16] =	ssyncset.done $0x0  }
0x5a: {  	s31 =	simm.s32 $0x380;
	[sflag:s16] =	ssyncadd.s32 $0xFFFFC000  }
0x5b: {  	[tilespmem:s17], [sflag:$0x2] =	stream.indirect.gather [hbm4b:s1+s13], $0x80, s31, s13, $0xb8;
	[tilespmem:$0x1EC00] =	vst v63  }
0x5c: {  	_ = 	snop  }
0x5d: {  	[spmem:s3] =	stream.indirect.scatter.add.f32 [tilespmem:s14], [sflag:$0x3], $0x80, s23, s13, $0xb8;
	[tilespmem:$0x1EC00] =	vst v63  }
0x5e: {  	_ =	swait.ge [sflag:s10], $0x4000  }
0x5f: {  	[sflag:s10] =	ssyncset.done $0x0  }
0x60: {  	[sflag:s10] =	ssyncadd.s32 $0xFFFFC000  }
0x61: {  	p0 =	por $0x0, $0x0;
	_ =	swait.ge [sflag:s18], $0x4000  }
0x62: {  	s26 =	simm.s32 @!p0 $0x2C00;
	[sflag:s18] =	ssyncset.done $0x0  }
0x63: {  	s28 =	simm.s32 @!p0 $0x400;
	s29 =	simm.s32 @!p0 $0x80;
	[sflag:s18] =	ssyncadd.s32 $0xFFFFC000  }
0x64: {  	[tilespmem:s26], [sflag:$0x1] =	stream.indirect.gather @!p0 [hbm4b:s1+s29], $0x80, s28, s29, $0xb8;
	[tilespmem:$0x1EC00] =	vst v63  }
0x65: {  	_ = 	snop  }
0x66: {  	[spmem:s3] =	stream.indirect.scatter.add.f32 [tilespmem:s17], [sflag:$0x3], $0x80, s24, s13, $0xb8;
	[tilespmem:$0x1EC00] =	vst v63  }
0x67: {  	_ =	swait.ge [sflag:s10], $0x4000  }
0x68: {  	s26 =	simm.s32 $0x1000;
	s28 =	smov.u32 s9;
	[sflag:s10] =	ssyncset.done $0x0  }
.LBB2_2:
0x69: {  	[sflag:s10] =	ssyncadd.s32 $0xFFFFC000;
	s28 =	sadd.s32 $0x80, s28  }
0x6a: {  	[tilespmem:s15], [sflag:$0x3] =	stream.linear.gather [hbm4b:s28+s4], $0x400, $0x38;
	[tilespmem:$0x1EC00] =	vst v63  }
0x6b: {  	_ =	swait.ge [sflag:s10], $0x400  }
0x6c: {  	[sflag:s10] =	ssyncset.done $0x0  }
0x6d: {  	[sflag:s10] =	ssyncadd.s32 $0xFFFFFC00  }
0x6e: {  	s29 =	smov.u32 s26;
	_ =	swait.ge [sflag:s16], $0x4000  }
0x6f: {  	s30 =	sshra.s32 s29, $0x2;
	[sflag:s16] =	ssyncset.done $0x0  }
0x70: {  	s31 =	sadd.s32 $0x80, s30;
	[sflag:s16] =	ssyncadd.s32 $0xFFFFC000  }
0x71: {  	[tilespmem:s17], [sflag:$0x2] =	stream.indirect.gather [hbm4b:s1+s13], $0x80, s31, s13, $0xb8;
	[tilespmem:$0x1EC00] =	vst v63  }
0x72: {  	_ = 	snop  }
0x73: {  	[spmem:s3] =	stream.indirect.scatter.add.f32 [tilespmem:s14], [sflag:$0x3], $0x80, s15, s13, $0xb8;
	[tilespmem:$0x1EC00] =	vst v63  }
0x74: {  	_ =	swait.ge [sflag:s10], $0x4000  }
0x75: {  	[sflag:s10] =	ssyncset.done $0x0  }
0x76: {  	[sflag:s10] =	ssyncadd.s32 $0xFFFFC000  }
0x77: {  	_ =	swait.ge [sflag:s18], $0x4000  }
0x78: {  	[sflag:s18] =	ssyncset.done $0x0  }
0x79: {  	s31 =	sadd.s32 $0x100, s30;
	[sflag:s18] =	ssyncadd.s32 $0xFFFFC000  }
0x7a: {  	[tilespmem:s14], [sflag:$0x1] =	stream.indirect.gather [hbm4b:s1+s13], $0x80, s31, s13, $0xb8;
	[tilespmem:$0x1EC00] =	vst v63  }
0x7b: {  	s2 =	rddreg [dreg:$0x4]  }
0x7c: {  	[spmem:s3] =	stream.indirect.scatter.add.f32 [tilespmem:s17], [sflag:$0x3], $0x80, s2, s13, $0xb8;
	[tilespmem:$0x1EC00] =	vst v63  }
0x7d: {  	_ =	swait.ge [sflag:s10], $0x4000  }
0x7e: {  	[sflag:s10] =	ssyncset.done $0x0  }
0x7f: {  	[sflag:s10] =	ssyncadd.s32 $0xFFFFC000  }
0x80: {  	_ =	swait.ge [sflag:s16], $0x4000  }
0x81: {  	[sflag:s16] =	ssyncset.done $0x0  }
0x82: {  	s31 =	sadd.s32 $0x180, s30;
	[sflag:s16] =	ssyncadd.s32 $0xFFFFC000  }
0x83: {  	[tilespmem:s17], [sflag:$0x2] =	stream.indirect.gather [hbm4b:s1+s13], $0x80, s31, s13, $0xb8;
	[tilespmem:$0x1EC00] =	vst v63  }
0x84: {  	_ = 	snop  }
0x85: {  	[spmem:s3] =	stream.indirect.scatter.add.f32 [tilespmem:s14], [sflag:$0x3], $0x80, s19, s13, $0xb8;
	[tilespmem:$0x1EC00] =	vst v63  }
0x86: {  	_ =	swait.ge [sflag:s10], $0x4000  }
0x87: {  	[sflag:s10] =	ssyncset.done $0x0  }
0x88: {  	[sflag:s10] =	ssyncadd.s32 $0xFFFFC000  }
0x89: {  	_ =	swait.ge [sflag:s18], $0x4000  }
0x8a: {  	[sflag:s18] =	ssyncset.done $0x0  }
0x8b: {  	s31 =	sadd.s32 $0x200, s30;
	[sflag:s18] =	ssyncadd.s32 $0xFFFFC000  }
0x8c: {  	[tilespmem:s14], [sflag:$0x1] =	stream.indirect.gather [hbm4b:s1+s13], $0x80, s31, s13, $0xb8;
	[tilespmem:$0x1EC00] =	vst v63  }
0x8d: {  	_ = 	snop  }
0x8e: {  	[spmem:s3] =	stream.indirect.scatter.add.f32 [tilespmem:s17], [sflag:$0x3], $0x80, s20, s13, $0xb8;
	[tilespmem:$0x1EC00] =	vst v63  }
0x8f: {  	_ =	swait.ge [sflag:s10], $0x4000  }
0x90: {  	[sflag:s10] =	ssyncset.done $0x0  }
0x91: {  	[sflag:s10] =	ssyncadd.s32 $0xFFFFC000  }
0x92: {  	_ =	swait.ge [sflag:s16], $0x4000  }
0x93: {  	[sflag:s16] =	ssyncset.done $0x0  }
0x94: {  	s31 =	sadd.s32 $0x280, s30;
	[sflag:s16] =	ssyncadd.s32 $0xFFFFC000  }
0x95: {  	[tilespmem:s17], [sflag:$0x2] =	stream.indirect.gather [hbm4b:s1+s13], $0x80, s31, s13, $0xb8;
	[tilespmem:$0x1EC00] =	vst v63  }
0x96: {  	_ = 	snop  }
0x97: {  	[spmem:s3] =	stream.indirect.scatter.add.f32 [tilespmem:s14], [sflag:$0x3], $0x80, s21, s13, $0xb8;
	[tilespmem:$0x1EC00] =	vst v63  }
0x98: {  	_ =	swait.ge [sflag:s10], $0x4000  }
0x99: {  	[sflag:s10] =	ssyncset.done $0x0  }
0x9a: {  	[sflag:s10] =	ssyncadd.s32 $0xFFFFC000  }
0x9b: {  	_ =	swait.ge [sflag:s18], $0x4000  }
0x9c: {  	[sflag:s18] =	ssyncset.done $0x0  }
0x9d: {  	s31 =	sadd.s32 $0x300, s30;
	[sflag:s18] =	ssyncadd.s32 $0xFFFFC000  }
0x9e: {  	[tilespmem:s14], [sflag:$0x1] =	stream.indirect.gather [hbm4b:s1+s13], $0x80, s31, s13, $0xb8;
	[tilespmem:$0x1EC00] =	vst v63  }
0x9f: {  	_ = 	snop  }
0xa0: {  	[spmem:s3] =	stream.indirect.scatter.add.f32 [tilespmem:s17], [sflag:$0x3], $0x80, s22, s13, $0xb8;
	[tilespmem:$0x1EC00] =	vst v63  }
0xa1: {  	_ =	swait.ge [sflag:s10], $0x4000  }
0xa2: {  	[sflag:s10] =	ssyncset.done $0x0  }
0xa3: {  	[sflag:s10] =	ssyncadd.s32 $0xFFFFC000  }
0xa4: {  	_ =	swait.ge [sflag:s16], $0x4000  }
0xa5: {  	[sflag:s16] =	ssyncset.done $0x0  }
0xa6: {  	s31 =	sadd.s32 $0x380, s30;
	[sflag:s16] =	ssyncadd.s32 $0xFFFFC000  }
0xa7: {  	[tilespmem:s17], [sflag:$0x2] =	stream.indirect.gather [hbm4b:s1+s13], $0x80, s31, s13, $0xb8;
	[tilespmem:$0x1EC00] =	vst v63  }
0xa8: {  	_ = 	snop  }
0xa9: {  	[spmem:s3] =	stream.indirect.scatter.add.f32 [tilespmem:s14], [sflag:$0x3], $0x80, s23, s13, $0xb8;
	[tilespmem:$0x1EC00] =	vst v63  }
0xaa: {  	_ =	swait.ge [sflag:s10], $0x4000  }
0xab: {  	[sflag:s10] =	ssyncset.done $0x0  }
0xac: {  	s26 =	sadd.s32 $0x1000, s26;
	[sflag:s10] =	ssyncadd.s32 $0xFFFFC000  }
0xad: {  	p0 =	sne.s32 s26, $0xA000;
	p1 =	seq.s32 s29, $0x9000;
	_ =	swait.ge [sflag:s18], $0x4000  }
0xae: {  	s2 =	sshra.s32 @!p1 s29, $0x2;
	s29 =	simm.s32 @!p1 $0x2C00;
	[sflag:s18] =	ssyncset.done $0x0  }
0xaf: {  	s2 =	sadd.s32 @!p1 $0x400, s2;
	s30 =	simm.s32 @!p1 $0x80;
	[sflag:s18] =	ssyncadd.s32 $0xFFFFC000  }
0xb0: {  	[tilespmem:s29], [sflag:$0x1] =	stream.indirect.gather @!p1 [hbm4b:s1+s30], $0x80, s2, s30, $0xb8;
	[tilespmem:$0x1EC00] =	vst v63  }
.Ltmp0:
0xb1: {  	_ = 	snop;
	(pc) =	sbr.rel @p0 .LBB2_2-.Ltmp0, $4  }
0xb2: {  	_ = 	snop  }
0xb3: {  	[spmem:s3] =	stream.indirect.scatter.add.f32 [tilespmem:s17], [sflag:$0x3], $0x80, s24, s13, $0xb8;
	[tilespmem:$0x1EC00] =	vst v63  }
0xb4: {  	_ =	swait.ge [sflag:s10], $0x4000  }
0xb5: {  	[sflag:s10] =	ssyncset.done $0x0  }
0xb6: {  	s25 =	sadd.s32 $0x1, s25  }
0xb7: {  	[sflag:s10] =	ssyncadd.s32 $0xFFFFC000;
	p0 =	sne.s32 s25, s8  }
.Ltmp1:
0xb8: {  	[bflag:$0x0] =	sbarrier.arrive $0xFFFF;
	(pc) =	sbr.rel @p0 .LBB2_1-.Ltmp1, $4  }
0xb9: {  	[hbm:s7], [sflag:s11] =	dma.local [spmem:s12], $0x2800  }
0xba: {  	_ =	swait.ge [sflag:s10], $0x2800  }
0xbb: {  	[sflag:s10] =	ssyncset.done $0x0  }
0xbc: {  	[sflag:s10] =	ssyncadd.s32 $0xFFFFD800  }
0xbd: {  	_ =	sfence.sel $0x180000  }
0xbe: {  	[bflag:$0x0] =	sbarrier.arrive $0xFFFF  }
0xbf: {  	_ =	strace $0x9000004A  }
0xc0: {  	[bflag:$0x2] =	sbarrier.arrive $0xFFFF  }
0xc1: {  	p0 =	sne.s32 s0, $0x0;
	s0 =	rddreg [dreg:$0x3]  }
0xc2: {  	s0 =	sadd.s32 @!p0 $0x100000, s0  }
0xc3: {  	[sflag:s0] =	ssyncadd.tile.s32 @!p0 $0x1;
	_ =	shalt  }
.Lfunc_end2:
_tile_overlayer_lowered:
.L_overlay_start_2:
0xc4: {  	(tag) =	ssettag $0x2  }
0xc5: {  	s0 =	rddreg [dreg:$0x0];
	s2 =	stileid.u32  }
0xc6: {  	s1 =	rddreg [dreg:$0x1];
	p0 =	sne.s32 s2, $0x0  }
0xc7: {  	s3 =	rddreg [dreg:$0x2];
	[bflag:$0x3] =	sbarrier.arrive $0xFFFF;
	s2 =	simm.s32 @!p0 $0x1C03  }
0xc8: {  	[timem:s3], [sflag:s2] =	dma.local @!p0 [hbm:s0], s1  }
0xc9: {  	s0 =	simm.s32 @!p0 $0x3  }
0xca: {  	_ =	swait.ge @!p0 [sflag:s0], s1  }
0xcb: {  	s1 =	ssub.s32 @!p0 $0x0, s1;
	[sflag:s0] =	ssyncset.done @!p0 $0x0  }
0xcc: {  	[sflag:s0] =	ssyncadd.s32 @!p0 s1  }
0xcd: {  	[bflag:$0x3] =	sbarrier.arrive $0xFFFF  }
0xce: {  	_ =	shalt  }

// kernel: kernel.13.cloned.1.call-start
scs
__scs_entry_jumppad:
0x0: {  	(pc) =	sbr.rel $0x88, $3  }
0x1: {  	(tag) =	ssettag $0x0;
	lr =	simm.s32 $0x1  }
0x2: {  	[smem:$0x3F99] =	sst lr;
	_ =	strace $0xD0000000  }
0x3: {  	_ = 	snop  }
0x4: {  	_ = 	snop  }
0x5: {  	_ = 	snop  }
0x6: {  	_ = 	snop  }
0x7: {  	_ = 	snop  }
__scs_overlays_trampoline_lowered:
0x8: {  	[smem:$0x3FA8] =	sst s0  }
0x9: {  	[smem:$0x3FA9] =	sst s1  }
0xa: {  	[smem:$0x3FAA] =	sst s2  }
0xb: {  	[smem:$0x3FAB] =	sst s3  }
0xc: {  	[smem:$0x3FAC] =	sst s4  }
0xd: {  	[smem:$0x3FAD] =	sst s5  }
0xe: {  	[smem:$0x3FAE] =	sst s6  }
0xf: {  	[smem:$0x3FAF] =	sst s7  }
0x10: {  	[smem:$0x3FB0] =	sst s8  }
0x11: {  	[smem:$0x3FB1] =	sst s9;
	s0 =	simm.s32 @!p0 $0x0  }
0x12: {  	s1 =	sld [smem:$0x3F97];
	s0 =	simm.s32 @p0 $0x1  }
0x13: {  	[smem:$0x3FB2] =	sst s0;
	s0 =	simm.s32 @!p1 $0x0  }
0x14: {  	s2 =	sld [smem:$0x3F96];
	s0 =	simm.s32 @p1 $0x1  }
0x15: {  	[smem:$0x3FB3] =	sst s0;
	s0 =	simm.s32 @!p2 $0x0  }
0x16: {  	s3 =	sld [smem:$0x3FDB];
	s0 =	simm.s32 @p2 $0x1  }
0x17: {  	s4 =	simm.s32 $0x1BF5;
	[smem:$0x3FB5] =	sst s0  }
0x18: {  	s0 =	sld [smem:$0x3F98];
	_ =	swait.ge [sflag:s4], $0x0  }
0x19: {  	s7 =	sld [smem:$0x3F99]  }
0x1a: {  	s8 =	sadd.s32 $0xFFFFE003, lr  }
0x1b: {  	s9 =	sadd.s32 $0xFFFFFEF7, lr;
	s5 =	simm.s32 $0xFFFFFFFF;
	p2 =	slt.u32 s8, $0xFFFFF086  }
0x1c: {  	p1 =	slt.u32 s9, $0xF7A;
	s5 =	simm.s32 @!p2 $0x0  }
0x1d: {  	s5 =	simm.s32 @p1 $0x1;
	p0 =	seq.s32 s7, s2  }
0x1e: {  	s7 =	smul.u32 @!p0 $0xF7A, s2;
	p2 =	seq.s32 @!p0 s5, $0x0  }
0x1f: {  	s9 =	smul.u32 $0xF7A, s1;
	s8 =	simm.s32 @!p0 $0x1BF5;
	p2 =	por !p2, p0  }
0x20: {  	[sflag:s8] =	ssyncset.s32 @!p0 $0xFFFFF086;
	s6 =	sadd.s32 @!p0 s3, s7;
	s7 =	simm.s32 @!p0 $0x108  }
0x21: {  	s3 =	sadd.s32 s3, s9;
	s6 =	sadd.s32 @!p0 $0x88, s6;
	s7 =	simm.s32 @p2 $0x1082  }
0x22: {  	[simem:s7], [sflag:s8] =	dma.local @!p0 [hbm:s6], $0xF7A  }
0x23: {  	s9 =	sor.u32 $0xD0000000, s2;
	s6 =	simm.s32 $0x108;
	_ =	swait.ge @!p0 [sflag:s8], $0x0  }
0x24: {  	s3 =	sadd.s32 $0x88, s3;
	s6 =	simm.s32 @!p1 $0x1082;
	[sflag:s4] =	ssyncset.s32 $0xFFFFF086  }
0x25: {  	[simem:s6], [sflag:s4] =	dma.local [hbm:s3], $0xF7A  }
0x26: {  	[smem:$0x3F99] =	sst s1;
	(tag) =	ssettag s2;
	_ =	strace s9  }
0x27: {  	s1 =	sld [smem:$0x3FA9]  }
0x28: {  	s2 =	sld [smem:$0x3FAA]  }
0x29: {  	s4 =	sld [smem:$0x3FAC]  }
0x2a: {  	p0 =	seq.s32 s5, $0x0;
	s5 =	sld [smem:$0x3FAD]  }
0x2b: {  	s6 =	sld [smem:$0x3FAE]  }
0x2c: {  	s7 =	sld [smem:$0x3FAF]  }
0x2d: {  	s3 =	simm.s32 $0x108;
	s8 =	sld [smem:$0x3FB0]  }
0x2e: {  	s3 =	simm.s32 @!p0 $0x1082;
	s9 =	sld [smem:$0x3FB1]  }
0x2f: {  	lr =	sadd.s32 s0, s3;
	s0 =	sld [smem:$0x3FA8]  }
0x30: {  	s3 =	sld [smem:$0x3FAB]  }
0x31: {  	[smem:$0x3FB4] =	sst s10  }
0x32: {  	s10 =	sld [smem:$0x3FB2];
	_ =	sdelay $0x3  }
0x33: {  	p0 =	seq.s32 s10, $0x1;
	s10 =	sld [smem:$0x3FB4];
	_ =	sdelay $0x3  }
0x34: {  	[smem:$0x3FB4] =	sst s10  }
0x35: {  	s10 =	sld [smem:$0x3FB3];
	_ =	sdelay $0x3  }
0x36: {  	p1 =	seq.s32 s10, $0x1;
	s10 =	sld [smem:$0x3FB4];
	_ =	sdelay $0x3  }
0x37: {  	[smem:$0x3FB4] =	sst s10  }
0x38: {  	s10 =	sld [smem:$0x3FB5]  }
0x39: {  	_ = 	snop;
	(pc) =	sbr.ind lr, $3  }
0x3a: {  	_ = 	snop  }
0x3b: {  	_ = 	snop  }
0x3c: {  	p2 =	seq.s32 s10, $0x1;
	s10 =	sld [smem:$0x3FB4]  }
0x3d: {  	_ =	shalt  }
0x3e: {  	_ =	shalt  }
0x3f: {  	_ =	shalt  }
0x40: {  	_ =	shalt  }
0x41: {  	_ =	shalt  }
0x42: {  	_ =	shalt  }
0x43: {  	_ =	shalt  }
0x44: {  	_ =	shalt  }
0x45: {  	_ =	shalt  }
0x46: {  	_ =	shalt  }
0x47: {  	_ =	shalt  }
0x48: {  	_ =	shalt  }
0x49: {  	_ =	shalt  }
0x4a: {  	_ =	shalt  }
0x4b: {  	_ =	shalt  }
0x4c: {  	_ =	shalt  }
0x4d: {  	_ =	shalt  }
0x4e: {  	_ =	shalt  }
0x4f: {  	_ =	shalt  }
0x50: {  	_ =	shalt  }
0x51: {  	_ =	shalt  }
0x52: {  	_ =	shalt  }
0x53: {  	_ =	shalt  }
0x54: {  	_ =	shalt  }
0x55: {  	_ =	shalt  }
0x56: {  	_ =	shalt  }
0x57: {  	_ =	shalt  }
0x58: {  	_ =	shalt  }
0x59: {  	_ =	shalt  }
0x5a: {  	_ =	shalt  }
0x5b: {  	_ =	shalt  }
0x5c: {  	_ =	shalt  }
0x5d: {  	_ =	shalt  }
0x5e: {  	_ =	shalt  }
0x5f: {  	_ =	shalt  }
0x60: {  	_ =	shalt  }
0x61: {  	_ =	shalt  }
0x62: {  	_ =	shalt  }
0x63: {  	_ =	shalt  }
0x64: {  	_ =	shalt  }
0x65: {  	_ =	shalt  }
0x66: {  	_ =	shalt  }
0x67: {  	_ =	shalt  }
0x68: {  	_ =	shalt  }
0x69: {  	_ =	shalt  }
0x6a: {  	_ =	shalt  }
0x6b: {  	_ =	shalt  }
0x6c: {  	_ =	shalt  }
0x6d: {  	_ =	shalt  }
0x6e: {  	_ =	shalt  }
0x6f: {  	_ =	shalt  }
0x70: {  	_ =	shalt  }
0x71: {  	_ =	shalt  }
0x72: {  	_ =	shalt  }
0x73: {  	_ =	shalt  }
0x74: {  	_ =	shalt  }
0x75: {  	_ =	shalt  }
0x76: {  	_ =	shalt  }
0x77: {  	_ =	shalt  }
0x78: {  	_ =	shalt  }
0x79: {  	_ =	shalt  }
0x7a: {  	_ =	shalt  }
0x7b: {  	_ =	shalt  }
0x7c: {  	_ =	shalt  }
0x7d: {  	_ =	shalt  }
0x7e: {  	_ =	shalt  }
0x7f: {  	_ =	shalt  }
0x80: {  	_ =	shalt  }
0x81: {  	_ =	shalt  }
0x82: {  	_ =	shalt  }
0x83: {  	_ =	shalt  }
0x84: {  	_ =	shalt  }
0x85: {  	_ =	shalt  }
0x86: {  	_ =	shalt  }
0x87: {  	_ =	shalt  }
.Lfunc_end0:
.L_simem_size_0:
called_computation.2_lowered:
.L_overlay_start_0:
0x88: {  	s2 =	sld [smem:$0x3FD9]  }
0x89: {  	s3 =	sld [smem:$0x3FFE];
	_ =	sdelay $0x1  }
0x8a: {  	s1 =	srdreg.scid  }
0x8b: {  	s0 =	sand.u32 $0x1, s1  }
0x8c: {  	s17 =	sshll.u32 s0, $0xA;
	s2 =	sadd.s32 s3, s2  }
0x8d: {  	s2 =	sadd.s32 s2, s17  }
0x8e: {  	[smem:$0x3FC0] =	sst s2  }
0x8f: {  	_ = 	snop  }
0x90: {  	s2 =	sld [smem:$0x3FD0];
	(tm) =	ssettm $0x1  }
0x91: {  	s18 =	sld [smem:$0x3FFB];
	_ =	sdelay $0x3  }
0x92: {  	_ =	strace s18  }
0x93: {  	s3 =	sld [smem:$0x3FFC];
	_ =	sdelay $0x3  }
0x94: {  	_ =	strace s3  }
0x95: {  	s3 =	sld [smem:$0x3FFD];
	_ =	sdelay $0x3  }
0x96: {  	_ =	strace s3  }
0x97: {  	_ =	strace $0x8FFFFFFF  }
0x98: {  	s19 =	sld [smem:$0x3FDB];
	_ =	sdelay $0x1  }
0x99: {  	s4 =	simm.s32 $_scs_section_size  }
0x9a: {  	s5 =	simm.s32 $_size__tile_overlayer_lowered;
	s6 =	simm.s32 $_tile_overlayer_lowered  }
0x9b: {  	s22 =	simm.s32 $0x1BFF;
	s21 =	sshll.u32 s6, $0x1;
	s3 =	sadd.s32 s4, s19  }
0x9c: {  	s7 =	simm.s32 $0x0;
	s20 =	sshll.u32 s5, $0x1;
	s5 =	sadd.s32 s21, s3  }
0x9d: {  	[timem:s7], [sflag:s22] =	dma.local [hbm:s5], s20  }
0x9e: {  	_ =	swait.ge [sflag:s22], s20  }
0x9f: {  	s4 =	ssub.s32 $0x0, s20;
	[sflag:s22] =	ssyncset.done $0x0  }
0xa0: {  	[sflag:s22] =	ssyncadd.s32 s4;
	_ =	sdelay $0x1  }
0xa1: {  	s23 =	simm.s32 $0x1B8B  }
0xa2: {  	_ =	swait.ge [sflag:s23], $0x1  }
0xa3: {  	[sflag:s23] =	ssyncset.done $0x0  }
0xa4: {  	s25 =	simm.s32 $0x1B8E;
	s24 =	sld [smem:$0x3FFE];
	[sflag:s23] =	ssyncadd.s32 $0xFFFFFFFF  }
0xa5: {  	s26 =	simm.s32 $execute0_lowered;
	[smem:$0x3FD2] =	sst s25  }
0xa6: {  	s5 =	sshll.u32 s26, $0x1;
	_ =	strace $0x8000004C;
	[dreg:$0x1] =	wrdreg $0xFFFFFFFF  }
0xa7: {  	s28 =	simm.s32 $_size_execute0_lowered;
	s3 =	sadd.s32 s3, s5;
	[dreg:$0x0] =	wrdreg $0x0  }
0xa8: {  	s5 =	sshll.u32 s28, $0x1;
	[dreg:$0x2] =	wrdreg s3  }
0xa9: {  	[dreg:$0x3] =	wrdreg s5  }
0xaa: {  	[dreg:$0x4] =	wrdreg $0xC0  }
0xab: {  	_ =	task [dreg:s7], $0x5FFFF  }
0xac: {  	[dreg:$0x1] =	wrdreg $0xFFFFFFFF  }
0xad: {  	[dreg:$0x0] =	wrdreg $0x60  }
0xae: {  	[dreg:$0x2] =	wrdreg s2  }
0xaf: {  	[dreg:$0x3] =	wrdreg s24  }
0xb0: {  	[dreg:$0x4] =	wrdreg $0xAC000  }
0xb1: {  	[dreg:$0x5] =	wrdreg $0x9  }
0xb2: {  	_ =	task.clear_ibuf [dreg:s7], $0x6FFFF;
	_ =	strace $0x9000004C  }
0xb3: {  	s29 =	simm.s32 $0x9;
	_ =	strace $0x8000004E  }
0xb4: {  	_ =	swait.ge [sflag:s29], $0x1  }
0xb5: {  	[sflag:s29] =	ssyncadd.s32 $0xFFFFFFFF  }
0xb6: {  	_ =	strace $0x9000004E  }
0xb7: {  	_ =	sfence  }
0xb8: {  	s30 =	sld [smem:$0x0];
	_ =	sdelay $0x2  }
0xb9: {  	s31 =	sshll.u32 s1, $0xD;
	s1 =	sshrl.u32 s1, $0x2  }
0xba: {  	s3 =	sand.u32 $0x4000, s31;
	s1 =	sadd.s32 s1, s30  }
0xbb: {  	s0 =	sor.u32 s3, s0;
	s1 =	sshll.u32 s1, $0x11  }
0xbc: {  	s0 =	sor.u32 s1, s0  }
0xbd: {  	s0 =	sadd.s32 $0x8F2B, s0  }
0xbe: {  	[sflag:s0] =	ssyncadd.remote.s32 $0x1  }
0xbf: {  	_ =	sfence.sel $0xFFFF  }
0xc0: {  	[dreg:$0x0] =	wrdreg $0xFFFFFFFF;
	(pc) =	sbr.abs _section_cstart, $3  }
0xc1: {  	[dreg:$0x1] =	wrdreg $0xFFFFFFFF  }
0xc2: {  	_ =	task.clear_ibuf [dreg:s7], $0x2FFFF;
	_ =	strace $0x9FFFFFFF  }
0xc3: {  	(tm) =	ssettm $0x7FFFFFFF  }
tec
execute0_lowered:
.L_overlay_start_1:
0x0: {  	(tag) =	ssettag $0x1  }
0x1: {  	s1 =	rddreg [dreg:$0x0]  }
0x2: {  	s6 =	rddreg [dreg:$0x1];
	s0 =	stileid.u32  }
0x3: {  	s2 =	srdreg.scid;
	s3 =	rddreg [dreg:$0x2]  }
0x4: {  	s4 =	simm.s32 $0x0;
	s13 =	simm.s32 $0x80;
	s14 =	simm.s32 $0x2C00  }
0x5: {  	s15 =	simm.s32 $0x2800;
	s16 =	simm.s32 $0x1;
	s17 =	simm.s32 $0x6C00  }
0x6: {  	s19 =	simm.s32 $0x2880;
	s18 =	simm.s32 $0x2;
	s20 =	simm.s32 $0x2980  }
0x7: {  	s21 =	simm.s32 $0x2A00;
	s22 =	simm.s32 $0x2A80;
	s23 =	simm.s32 $0x2B00  }
0x8: {  	s24 =	simm.s32 $0x2B80;
	s25 =	simm.s32 $0x0;
	s5 =	smul.u32 $0x50, s0  }
0x9: {  	s7 =	sand.u32 $0x1, s2;
	[smem:$0x7FF] =	sst s4;
	s9 =	smul.u32 $0x14000, s0  }
0xa: {  	s29 =	smul.u32 $0x50000, s0;
	s31 =	sshll.u32 s0, $0x6;
	p0 =	seq.s32 s7, $0x0  }
0xb: {  	s26 =	smul.u32 $0x140000, s7;
	_ =	strace $0x8000004D;
	s7 =	ssub.s32 $0x2, s7  }
0xc: {  	[dreg:$0x4] =	wrdreg s19;
	s19 =	simm.s32 $0x2900;
	s8 =	sadd.s32 $0x500, s5  }
0xd: {  	s11 =	sshrl.u32 s7, $0x1;
	s30 =	sshrl.u32 s29, $0x2;
	s8 =	smov.u32 @p0 s5  }
0xe: {  	s28 =	sadd.s32 s9, s26;
	s5 =	sadd.s32 $0x1FC00, s6;
	s8 =	sshll.u32 s8, $0x4  }
0xf: {  	s12 =	sadd.s32 s30, s3;
	s10 =	sadd.s32 s8, s6;
	s8 =	sshrl.u32 s28, $0x3  }
0x10: {  	s11 =	ssub.s32 s7, s11;
	s12 =	sshrl.u32 s12, $0x3;
	s8 =	sadd.s32 s8, s6  }
0x11: {  	s6 =	sadd.s32 $0x15C00, s10;
	s9 =	sadd.s32 $0xBC00, s10;
	s10 =	simm.s32 $0x3  }
0x12: {  	s7 =	sadd.s32 $0x22400, s8;
	s8 =	smax.u32 s11, $0x1;
	s11 =	sor.u32 $0x1C03, s31  }
.LBB2_1:
0x13: {  	[tilespmem:s4], [sflag:$0x3] =	stream.linear.gather [hbm4b:s6+s4], $0x2800, $0x38;
	[tilespmem:$0x1EC00] =	vst v63  }
0x14: {  	_ =	swait.ge [sflag:s10], $0x2800  }
0x15: {  	[sflag:s10] =	ssyncset.done $0x0  }
0x16: {  	[sflag:s10] =	ssyncadd.s32 $0xFFFFD800  }
0x17: {  	[spmem:s12], [sflag:s11] =	dma.local [hbm:s5], $0x2800  }
0x18: {  	_ =	swait.ge [sflag:s10], $0x2800  }
0x19: {  	[sflag:s10] =	ssyncset.done $0x0  }
0x1a: {  	[sflag:s10] =	ssyncadd.s32 $0xFFFFD800  }
0x1b: {  	[bflag:$0x0] =	sbarrier.arrive $0xFFFF  }
0x1c: {  	[tilespmem:s14], [sflag:$0x1] =	stream.indirect.gather [hbm4b:s1+s13], $0x80, s4, s13, $0xb8;
	[tilespmem:$0x1EC00] =	vst v63  }
0x1d: {  	_ = 	snop  }
0x1e: {  	[tilespmem:s15], [sflag:$0x3] =	stream.linear.gather [hbm4b:s9+s4], $0x400, $0x38;
	[tilespmem:$0x1EC00] =	vst v63  }
0x1f: {  	_ =	swait.ge [sflag:s10], $0x400  }
0x20: {  	[sflag:s10] =	ssyncset.done $0x0  }
0x21: {  	[sflag:s10] =	ssyncadd.s32 $0xFFFFFC00  }
0x22: {  	_ =	swait.ge [sflag:s16], $0x4000  }
0x23: {  	[sflag:s16] =	ssyncset.done $0x0  }
0x24: {  	s26 =	simm.s32 $0x80;
	[sflag:s16] =	ssyncadd.s32 $0xFFFFC000  }
0x25: {  	[tilespmem:s17], [sflag:$0x2] =	stream.indirect.gather [hbm4b:s1+s13], $0x80, s26, s13, $0xb8;
	[tilespmem:$0x1EC00] =	vst v63  }
0x26: {  	_ = 	snop  }
0x27: {  	[spmem:s3] =	stream.indirect.scatter.add.f32 [tilespmem:s14], [sflag:$0x3], $0x80, s15, s13, $0xb8;
	[tilespmem:$0x1EC00] =	vst v63  }
0x28: {  	_ =	swait.ge [sflag:s10], $0x4000  }
0x29: {  	[sflag:s10] =	ssyncset.done $0x0  }
0x2a: {  	[sflag:s10] =	ssyncadd.s32 $0xFFFFC000  }
0x2b: {  	_ =	swait.ge [sflag:s18], $0x4000  }
0x2c: {  	[sflag:s18] =	ssyncset.done $0x0  }
0x2d: {  	s30 =	simm.s32 $0x100;
	[sflag:s18] =	ssyncadd.s32 $0xFFFFC000  }
0x2e: {  	[tilespmem:s14], [sflag:$0x1] =	stream.indirect.gather [hbm4b:s1+s13], $0x80, s30, s13, $0xb8;
	[tilespmem:$0x1EC00] =	vst v63  }
0x2f: {  	s28 =	rddreg [dreg:$0x4]  }
0x30: {  	[spmem:s3] =	stream.indirect.scatter.add.f32 [tilespmem:s17], [sflag:$0x3], $0x80, s28, s13, $0xb8;
	[tilespmem:$0x1EC00] =	vst v63  }
0x31: {  	_ =	swait.ge [sflag:s10], $0x4000  }
0x32: {  	[sflag:s10] =	ssyncset.done $0x0  }
0x33: {  	[sflag:s10] =	ssyncadd.s32 $0xFFFFC000  }
0x34: {  	_ =	swait.ge [sflag:s16], $0x4000  }
0x35: {  	[sflag:s16] =	ssyncset.done $0x0  }
0x36: {  	s31 =	simm.s32 $0x180;
	[sflag:s16] =	ssyncadd.s32 $0xFFFFC000  }
0x37: {  	[tilespmem:s17], [sflag:$0x2] =	stream.indirect.gather [hbm4b:s1+s13], $0x80, s31, s13, $0xb8;
	[tilespmem:$0x1EC00] =	vst v63  }
0x38: {  	_ = 	snop  }
0x39: {  	[spmem:s3] =	stream.indirect.scatter.add.f32 [tilespmem:s14], [sflag:$0x3], $0x80, s19, s13, $0xb8;
	[tilespmem:$0x1EC00] =	vst v63  }
0x3a: {  	_ =	swait.ge [sflag:s10], $0x4000  }
0x3b: {  	[sflag:s10] =	ssyncset.done $0x0  }
0x3c: {  	[sflag:s10] =	ssyncadd.s32 $0xFFFFC000  }
0x3d: {  	_ =	swait.ge [sflag:s18], $0x4000  }
0x3e: {  	[sflag:s18] =	ssyncset.done $0x0  }
0x3f: {  	s2 =	simm.s32 $0x200;
	[sflag:s18] =	ssyncadd.s32 $0xFFFFC000  }
0x40: {  	[tilespmem:s14], [sflag:$0x1] =	stream.indirect.gather [hbm4b:s1+s13], $0x80, s2, s13, $0xb8;
	[tilespmem:$0x1EC00] =	vst v63  }
0x41: {  	_ = 	snop  }
0x42: {  	[spmem:s3] =	stream.indirect.scatter.add.f32 [tilespmem:s17], [sflag:$0x3], $0x80, s20, s13, $0xb8;
	[tilespmem:$0x1EC00] =	vst v63  }
0x43: {  	_ =	swait.ge [sflag:s10], $0x4000  }
0x44: {  	[sflag:s10] =	ssyncset.done $0x0  }
0x45: {  	[sflag:s10] =	ssyncadd.s32 $0xFFFFC000  }
0x46: {  	_ =	swait.ge [sflag:s16], $0x4000  }
0x47: {  	[sflag:s16] =	ssyncset.done $0x0  }
0x48: {  	s29 =	simm.s32 $0x280;
	[sflag:s16] =	ssyncadd.s32 $0xFFFFC000  }
0x49: {  	[tilespmem:s17], [sflag:$0x2] =	stream.indirect.gather [hbm4b:s1+s13], $0x80, s29, s13, $0xb8;
	[tilespmem:$0x1EC00] =	vst v63  }
0x4a: {  	_ = 	snop  }
0x4b: {  	[spmem:s3] =	stream.indirect.scatter.add.f32 [tilespmem:s14], [sflag:$0x3], $0x80, s21, s13, $0xb8;
	[tilespmem:$0x1EC00] =	vst v63  }
0x4c: {  	_ =	swait.ge [sflag:s10], $0x4000  }
0x4d: {  	[sflag:s10] =	ssyncset.done $0x0  }
0x4e: {  	[sflag:s10] =	ssyncadd.s32 $0xFFFFC000  }
0x4f: {  	_ =	swait.ge [sflag:s18], $0x4000  }
0x50: {  	[sflag:s18] =	ssyncset.done $0x0  }
0x51: {  	s30 =	simm.s32 $0x300;
	[sflag:s18] =	ssyncadd.s32 $0xFFFFC000  }
0x52: {  	[tilespmem:s14], [sflag:$0x1] =	stream.indirect.gather [hbm4b:s1+s13], $0x80, s30, s13, $0xb8;
	[tilespmem:$0x1EC00] =	vst v63  }
0x53: {  	_ = 	snop  }
0x54: {  	[spmem:s3] =	stream.indirect.scatter.add.f32 [tilespmem:s17], [sflag:$0x3], $0x80, s22, s13, $0xb8;
	[tilespmem:$0x1EC00] =	vst v63  }
0x55: {  	_ =	swait.ge [sflag:s10], $0x4000  }
0x56: {  	[sflag:s10] =	ssyncset.done $0x0  }
0x57: {  	[sflag:s10] =	ssyncadd.s32 $0xFFFFC000  }
0x58: {  	_ =	swait.ge [sflag:s16], $0x4000  }
0x59: {  	[sflag:s16] =	ssyncset.done $0x0  }
0x5a: {  	s31 =	simm.s32 $0x380;
	[sflag:s16] =	ssyncadd.s32 $0xFFFFC000  }
0x5b: {  	[tilespmem:s17], [sflag:$0x2] =	stream.indirect.gather [hbm4b:s1+s13], $0x80, s31, s13, $0xb8;
	[tilespmem:$0x1EC00] =	vst v63  }
0x5c: {  	_ = 	snop  }
0x5d: {  	[spmem:s3] =	stream.indirect.scatter.add.f32 [tilespmem:s14], [sflag:$0x3], $0x80, s23, s13, $0xb8;
	[tilespmem:$0x1EC00] =	vst v63  }
0x5e: {  	_ =	swait.ge [sflag:s10], $0x4000  }
0x5f: {  	[sflag:s10] =	ssyncset.done $0x0  }
0x60: {  	[sflag:s10] =	ssyncadd.s32 $0xFFFFC000  }
0x61: {  	p0 =	por $0x0, $0x0;
	_ =	swait.ge [sflag:s18], $0x4000  }
0x62: {  	s26 =	simm.s32 @!p0 $0x2C00;
	[sflag:s18] =	ssyncset.done $0x0  }
0x63: {  	s28 =	simm.s32 @!p0 $0x400;
	s29 =	simm.s32 @!p0 $0x80;
	[sflag:s18] =	ssyncadd.s32 $0xFFFFC000  }
0x64: {  	[tilespmem:s26], [sflag:$0x1] =	stream.indirect.gather @!p0 [hbm4b:s1+s29], $0x80, s28, s29, $0xb8;
	[tilespmem:$0x1EC00] =	vst v63  }
0x65: {  	_ = 	snop  }
0x66: {  	[spmem:s3] =	stream.indirect.scatter.add.f32 [tilespmem:s17], [sflag:$0x3], $0x80, s24, s13, $0xb8;
	[tilespmem:$0x1EC00] =	vst v63  }
0x67: {  	_ =	swait.ge [sflag:s10], $0x4000  }
0x68: {  	s26 =	simm.s32 $0x1000;
	s28 =	smov.u32 s9;
	[sflag:s10] =	ssyncset.done $0x0  }
.LBB2_2:
0x69: {  	[sflag:s10] =	ssyncadd.s32 $0xFFFFC000;
	s28 =	sadd.s32 $0x80, s28  }
0x6a: {  	[tilespmem:s15], [sflag:$0x3] =	stream.linear.gather [hbm4b:s28+s4], $0x400, $0x38;
	[tilespmem:$0x1EC00] =	vst v63  }
0x6b: {  	_ =	swait.ge [sflag:s10], $0x400  }
0x6c: {  	[sflag:s10] =	ssyncset.done $0x0  }
0x6d: {  	[sflag:s10] =	ssyncadd.s32 $0xFFFFFC00  }
0x6e: {  	s29 =	smov.u32 s26;
	_ =	swait.ge [sflag:s16], $0x4000  }
0x6f: {  	s30 =	sshra.s32 s29, $0x2;
	[sflag:s16] =	ssyncset.done $0x0  }
0x70: {  	s31 =	sadd.s32 $0x80, s30;
	[sflag:s16] =	ssyncadd.s32 $0xFFFFC000  }
0x71: {  	[tilespmem:s17], [sflag:$0x2] =	stream.indirect.gather [hbm4b:s1+s13], $0x80, s31, s13, $0xb8;
	[tilespmem:$0x1EC00] =	vst v63  }
0x72: {  	_ = 	snop  }
0x73: {  	[spmem:s3] =	stream.indirect.scatter.add.f32 [tilespmem:s14], [sflag:$0x3], $0x80, s15, s13, $0xb8;
	[tilespmem:$0x1EC00] =	vst v63  }
0x74: {  	_ =	swait.ge [sflag:s10], $0x4000  }
0x75: {  	[sflag:s10] =	ssyncset.done $0x0  }
0x76: {  	[sflag:s10] =	ssyncadd.s32 $0xFFFFC000  }
0x77: {  	_ =	swait.ge [sflag:s18], $0x4000  }
0x78: {  	[sflag:s18] =	ssyncset.done $0x0  }
0x79: {  	s31 =	sadd.s32 $0x100, s30;
	[sflag:s18] =	ssyncadd.s32 $0xFFFFC000  }
0x7a: {  	[tilespmem:s14], [sflag:$0x1] =	stream.indirect.gather [hbm4b:s1+s13], $0x80, s31, s13, $0xb8;
	[tilespmem:$0x1EC00] =	vst v63  }
0x7b: {  	s2 =	rddreg [dreg:$0x4]  }
0x7c: {  	[spmem:s3] =	stream.indirect.scatter.add.f32 [tilespmem:s17], [sflag:$0x3], $0x80, s2, s13, $0xb8;
	[tilespmem:$0x1EC00] =	vst v63  }
0x7d: {  	_ =	swait.ge [sflag:s10], $0x4000  }
0x7e: {  	[sflag:s10] =	ssyncset.done $0x0  }
0x7f: {  	[sflag:s10] =	ssyncadd.s32 $0xFFFFC000  }
0x80: {  	_ =	swait.ge [sflag:s16], $0x4000  }
0x81: {  	[sflag:s16] =	ssyncset.done $0x0  }
0x82: {  	s31 =	sadd.s32 $0x180, s30;
	[sflag:s16] =	ssyncadd.s32 $0xFFFFC000  }
0x83: {  	[tilespmem:s17], [sflag:$0x2] =	stream.indirect.gather [hbm4b:s1+s13], $0x80, s31, s13, $0xb8;
	[tilespmem:$0x1EC00] =	vst v63  }
0x84: {  	_ = 	snop  }
0x85: {  	[spmem:s3] =	stream.indirect.scatter.add.f32 [tilespmem:s14], [sflag:$0x3], $0x80, s19, s13, $0xb8;
	[tilespmem:$0x1EC00] =	vst v63  }
0x86: {  	_ =	swait.ge [sflag:s10], $0x4000  }
0x87: {  	[sflag:s10] =	ssyncset.done $0x0  }
0x88: {  	[sflag:s10] =	ssyncadd.s32 $0xFFFFC000  }
0x89: {  	_ =	swait.ge [sflag:s18], $0x4000  }
0x8a: {  	[sflag:s18] =	ssyncset.done $0x0  }
0x8b: {  	s31 =	sadd.s32 $0x200, s30;
	[sflag:s18] =	ssyncadd.s32 $0xFFFFC000  }
0x8c: {  	[tilespmem:s14], [sflag:$0x1] =	stream.indirect.gather [hbm4b:s1+s13], $0x80, s31, s13, $0xb8;
	[tilespmem:$0x1EC00] =	vst v63  }
0x8d: {  	_ = 	snop  }
0x8e: {  	[spmem:s3] =	stream.indirect.scatter.add.f32 [tilespmem:s17], [sflag:$0x3], $0x80, s20, s13, $0xb8;
	[tilespmem:$0x1EC00] =	vst v63  }
0x8f: {  	_ =	swait.ge [sflag:s10], $0x4000  }
0x90: {  	[sflag:s10] =	ssyncset.done $0x0  }
0x91: {  	[sflag:s10] =	ssyncadd.s32 $0xFFFFC000  }
0x92: {  	_ =	swait.ge [sflag:s16], $0x4000  }
0x93: {  	[sflag:s16] =	ssyncset.done $0x0  }
0x94: {  	s31 =	sadd.s32 $0x280, s30;
	[sflag:s16] =	ssyncadd.s32 $0xFFFFC000  }
0x95: {  	[tilespmem:s17], [sflag:$0x2] =	stream.indirect.gather [hbm4b:s1+s13], $0x80, s31, s13, $0xb8;
	[tilespmem:$0x1EC00] =	vst v63  }
0x96: {  	_ = 	snop  }
0x97: {  	[spmem:s3] =	stream.indirect.scatter.add.f32 [tilespmem:s14], [sflag:$0x3], $0x80, s21, s13, $0xb8;
	[tilespmem:$0x1EC00] =	vst v63  }
0x98: {  	_ =	swait.ge [sflag:s10], $0x4000  }
0x99: {  	[sflag:s10] =	ssyncset.done $0x0  }
0x9a: {  	[sflag:s10] =	ssyncadd.s32 $0xFFFFC000  }
0x9b: {  	_ =	swait.ge [sflag:s18], $0x4000  }
0x9c: {  	[sflag:s18] =	ssyncset.done $0x0  }
0x9d: {  	s31 =	sadd.s32 $0x300, s30;
	[sflag:s18] =	ssyncadd.s32 $0xFFFFC000  }
0x9e: {  	[tilespmem:s14], [sflag:$0x1] =	stream.indirect.gather [hbm4b:s1+s13], $0x80, s31, s13, $0xb8;
	[tilespmem:$0x1EC00] =	vst v63  }
0x9f: {  	_ = 	snop  }
0xa0: {  	[spmem:s3] =	stream.indirect.scatter.add.f32 [tilespmem:s17], [sflag:$0x3], $0x80, s22, s13, $0xb8;
	[tilespmem:$0x1EC00] =	vst v63  }
0xa1: {  	_ =	swait.ge [sflag:s10], $0x4000  }
0xa2: {  	[sflag:s10] =	ssyncset.done $0x0  }
0xa3: {  	[sflag:s10] =	ssyncadd.s32 $0xFFFFC000  }
0xa4: {  	_ =	swait.ge [sflag:s16], $0x4000  }
0xa5: {  	[sflag:s16] =	ssyncset.done $0x0  }
0xa6: {  	s31 =	sadd.s32 $0x380, s30;
	[sflag:s16] =	ssyncadd.s32 $0xFFFFC000  }
0xa7: {  	[tilespmem:s17], [sflag:$0x2] =	stream.indirect.gather [hbm4b:s1+s13], $0x80, s31, s13, $0xb8;
	[tilespmem:$0x1EC00] =	vst v63  }
0xa8: {  	_ = 	snop  }
0xa9: {  	[spmem:s3] =	stream.indirect.scatter.add.f32 [tilespmem:s14], [sflag:$0x3], $0x80, s23, s13, $0xb8;
	[tilespmem:$0x1EC00] =	vst v63  }
0xaa: {  	_ =	swait.ge [sflag:s10], $0x4000  }
0xab: {  	[sflag:s10] =	ssyncset.done $0x0  }
0xac: {  	s26 =	sadd.s32 $0x1000, s26;
	[sflag:s10] =	ssyncadd.s32 $0xFFFFC000  }
0xad: {  	p0 =	sne.s32 s26, $0xA000;
	p1 =	seq.s32 s29, $0x9000;
	_ =	swait.ge [sflag:s18], $0x4000  }
0xae: {  	s2 =	sshra.s32 @!p1 s29, $0x2;
	s29 =	simm.s32 @!p1 $0x2C00;
	[sflag:s18] =	ssyncset.done $0x0  }
0xaf: {  	s2 =	sadd.s32 @!p1 $0x400, s2;
	s30 =	simm.s32 @!p1 $0x80;
	[sflag:s18] =	ssyncadd.s32 $0xFFFFC000  }
0xb0: {  	[tilespmem:s29], [sflag:$0x1] =	stream.indirect.gather @!p1 [hbm4b:s1+s30], $0x80, s2, s30, $0xb8;
	[tilespmem:$0x1EC00] =	vst v63  }
.Ltmp0:
0xb1: {  	_ = 	snop;
	(pc) =	sbr.rel @p0 .LBB2_2-.Ltmp0, $4  }
0xb2: {  	_ = 	snop  }
0xb3: {  	[spmem:s3] =	stream.indirect.scatter.add.f32 [tilespmem:s17], [sflag:$0x3], $0x80, s24, s13, $0xb8;
	[tilespmem:$0x1EC00] =	vst v63  }
0xb4: {  	_ =	swait.ge [sflag:s10], $0x4000  }
0xb5: {  	[sflag:s10] =	ssyncset.done $0x0  }
0xb6: {  	s25 =	sadd.s32 $0x1, s25  }
0xb7: {  	[sflag:s10] =	ssyncadd.s32 $0xFFFFC000;
	p0 =	sne.s32 s25, s8  }
.Ltmp1:
0xb8: {  	[bflag:$0x0] =	sbarrier.arrive $0xFFFF;
	(pc) =	sbr.rel @p0 .LBB2_1-.Ltmp1, $4  }
0xb9: {  	[hbm:s7], [sflag:s11] =	dma.local [spmem:s12], $0x2800  }
0xba: {  	_ =	swait.ge [sflag:s10], $0x2800  }
0xbb: {  	[sflag:s10] =	ssyncset.done $0x0  }
0xbc: {  	[sflag:s10] =	ssyncadd.s32 $0xFFFFD800  }
0xbd: {  	_ =	sfence.sel $0x180000  }
0xbe: {  	[bflag:$0x0] =	sbarrier.arrive $0xFFFF  }
0xbf: {  	_ =	strace $0x9000004D  }
0xc0: {  	[bflag:$0x2] =	sbarrier.arrive $0xFFFF  }
0xc1: {  	p0 =	sne.s32 s0, $0x0;
	s0 =	rddreg [dreg:$0x3]  }
0xc2: {  	s0 =	sadd.s32 @!p0 $0x100000, s0  }
0xc3: {  	[sflag:s0] =	ssyncadd.tile.s32 @!p0 $0x1;
	_ =	shalt  }
.Lfunc_end2:
_tile_overlayer_lowered:
.L_overlay_start_2:
0xc4: {  	(tag) =	ssettag $0x2  }
0xc5: {  	s0 =	rddreg [dreg:$0x0];
	s2 =	stileid.u32  }
0xc6: {  	s1 =	rddreg [dreg:$0x1];
	p0 =	sne.s32 s2, $0x0  }
0xc7: {  	s3 =	rddreg [dreg:$0x2];
	[bflag:$0x3] =	sbarrier.arrive $0xFFFF;
	s2 =	simm.s32 @!p0 $0x1C03  }
0xc8: {  	[timem:s3], [sflag:s2] =	dma.local @!p0 [hbm:s0], s1  }
0xc9: {  	s0 =	simm.s32 @!p0 $0x3  }
0xca: {  	_ =	swait.ge @!p0 [sflag:s0], s1  }
0xcb: {  	s1 =	ssub.s32 @!p0 $0x0, s1;
	[sflag:s0] =	ssyncset.done @!p0 $0x0  }
0xcc: {  	[sflag:s0] =	ssyncadd.s32 @!p0 s1  }
0xcd: {  	[bflag:$0x3] =	sbarrier.arrive $0xFFFF  }
0xce: {  	_ =	shalt  }

// kernel: kernel.7.cloned.1.call-start
scs
__scs_entry_jumppad:
0x0: {  	(pc) =	sbr.rel $0x88, $3  }
0x1: {  	(tag) =	ssettag $0x0;
	lr =	simm.s32 $0x1  }
0x2: {  	[smem:$0x3F99] =	sst lr;
	_ =	strace $0xD0000000  }
0x3: {  	_ = 	snop  }
0x4: {  	_ = 	snop  }
0x5: {  	_ = 	snop  }
0x6: {  	_ = 	snop  }
0x7: {  	_ = 	snop  }
__scs_overlays_trampoline_lowered:
0x8: {  	[smem:$0x3FA8] =	sst s0  }
0x9: {  	[smem:$0x3FA9] =	sst s1  }
0xa: {  	[smem:$0x3FAA] =	sst s2  }
0xb: {  	[smem:$0x3FAB] =	sst s3  }
0xc: {  	[smem:$0x3FAC] =	sst s4  }
0xd: {  	[smem:$0x3FAD] =	sst s5  }
0xe: {  	[smem:$0x3FAE] =	sst s6  }
0xf: {  	[smem:$0x3FAF] =	sst s7  }
0x10: {  	[smem:$0x3FB0] =	sst s8  }
0x11: {  	[smem:$0x3FB1] =	sst s9;
	s0 =	simm.s32 @!p0 $0x0  }
0x12: {  	s1 =	sld [smem:$0x3F97];
	s0 =	simm.s32 @p0 $0x1  }
0x13: {  	[smem:$0x3FB2] =	sst s0;
	s0 =	simm.s32 @!p1 $0x0  }
0x14: {  	s2 =	sld [smem:$0x3F96];
	s0 =	simm.s32 @p1 $0x1  }
0x15: {  	[smem:$0x3FB3] =	sst s0;
	s0 =	simm.s32 @!p2 $0x0  }
0x16: {  	s3 =	sld [smem:$0x3FDB];
	s0 =	simm.s32 @p2 $0x1  }
0x17: {  	s4 =	simm.s32 $0x1BF5;
	[smem:$0x3FB5] =	sst s0  }
0x18: {  	s0 =	sld [smem:$0x3F98];
	_ =	swait.ge [sflag:s4], $0x0  }
0x19: {  	s7 =	sld [smem:$0x3F99]  }
0x1a: {  	s8 =	sadd.s32 $0xFFFFE003, lr  }
0x1b: {  	s9 =	sadd.s32 $0xFFFFFEF7, lr;
	s5 =	simm.s32 $0xFFFFFFFF;
	p2 =	slt.u32 s8, $0xFFFFF086  }
0x1c: {  	p1 =	slt.u32 s9, $0xF7A;
	s5 =	simm.s32 @!p2 $0x0  }
0x1d: {  	s5 =	simm.s32 @p1 $0x1;
	p0 =	seq.s32 s7, s2  }
0x1e: {  	s7 =	smul.u32 @!p0 $0xF7A, s2;
	p2 =	seq.s32 @!p0 s5, $0x0  }
0x1f: {  	s9 =	smul.u32 $0xF7A, s1;
	s8 =	simm.s32 @!p0 $0x1BF5;
	p2 =	por !p2, p0  }
0x20: {  	[sflag:s8] =	ssyncset.s32 @!p0 $0xFFFFF086;
	s6 =	sadd.s32 @!p0 s3, s7;
	s7 =	simm.s32 @!p0 $0x108  }
0x21: {  	s3 =	sadd.s32 s3, s9;
	s6 =	sadd.s32 @!p0 $0x88, s6;
	s7 =	simm.s32 @p2 $0x1082  }
0x22: {  	[simem:s7], [sflag:s8] =	dma.local @!p0 [hbm:s6], $0xF7A  }
0x23: {  	s9 =	sor.u32 $0xD0000000, s2;
	s6 =	simm.s32 $0x108;
	_ =	swait.ge @!p0 [sflag:s8], $0x0  }
0x24: {  	s3 =	sadd.s32 $0x88, s3;
	s6 =	simm.s32 @!p1 $0x1082;
	[sflag:s4] =	ssyncset.s32 $0xFFFFF086  }
0x25: {  	[simem:s6], [sflag:s4] =	dma.local [hbm:s3], $0xF7A  }
0x26: {  	[smem:$0x3F99] =	sst s1;
	(tag) =	ssettag s2;
	_ =	strace s9  }
0x27: {  	s1 =	sld [smem:$0x3FA9]  }
0x28: {  	s2 =	sld [smem:$0x3FAA]  }
0x29: {  	s4 =	sld [smem:$0x3FAC]  }
0x2a: {  	p0 =	seq.s32 s5, $0x0;
	s5 =	sld [smem:$0x3FAD]  }
0x2b: {  	s6 =	sld [smem:$0x3FAE]  }
0x2c: {  	s7 =	sld [smem:$0x3FAF]  }
0x2d: {  	s3 =	simm.s32 $0x108;
	s8 =	sld [smem:$0x3FB0]  }
0x2e: {  	s3 =	simm.s32 @!p0 $0x1082;
	s9 =	sld [smem:$0x3FB1]  }
0x2f: {  	lr =	sadd.s32 s0, s3;
	s0 =	sld [smem:$0x3FA8]  }
0x30: {  	s3 =	sld [smem:$0x3FAB]  }
0x31: {  	[smem:$0x3FB4] =	sst s10  }
0x32: {  	s10 =	sld [smem:$0x3FB2];
	_ =	sdelay $0x3  }
0x33: {  	p0 =	seq.s32 s10, $0x1;
	s10 =	sld [smem:$0x3FB4];
	_ =	sdelay $0x3  }
0x34: {  	[smem:$0x3FB4] =	sst s10  }
0x35: {  	s10 =	sld [smem:$0x3FB3];
	_ =	sdelay $0x3  }
0x36: {  	p1 =	seq.s32 s10, $0x1;
	s10 =	sld [smem:$0x3FB4];
	_ =	sdelay $0x3  }
0x37: {  	[smem:$0x3FB4] =	sst s10  }
0x38: {  	s10 =	sld [smem:$0x3FB5]  }
0x39: {  	_ = 	snop;
	(pc) =	sbr.ind lr, $3  }
0x3a: {  	_ = 	snop  }
0x3b: {  	_ = 	snop  }
0x3c: {  	p2 =	seq.s32 s10, $0x1;
	s10 =	sld [smem:$0x3FB4]  }
0x3d: {  	_ =	shalt  }
0x3e: {  	_ =	shalt  }
0x3f: {  	_ =	shalt  }
0x40: {  	_ =	shalt  }
0x41: {  	_ =	shalt  }
0x42: {  	_ =	shalt  }
0x43: {  	_ =	shalt  }
0x44: {  	_ =	shalt  }
0x45: {  	_ =	shalt  }
0x46: {  	_ =	shalt  }
0x47: {  	_ =	shalt  }
0x48: {  	_ =	shalt  }
0x49: {  	_ =	shalt  }
0x4a: {  	_ =	shalt  }
0x4b: {  	_ =	shalt  }
0x4c: {  	_ =	shalt  }
0x4d: {  	_ =	shalt  }
0x4e: {  	_ =	shalt  }
0x4f: {  	_ =	shalt  }
0x50: {  	_ =	shalt  }
0x51: {  	_ =	shalt  }
0x52: {  	_ =	shalt  }
0x53: {  	_ =	shalt  }
0x54: {  	_ =	shalt  }
0x55: {  	_ =	shalt  }
0x56: {  	_ =	shalt  }
0x57: {  	_ =	shalt  }
0x58: {  	_ =	shalt  }
0x59: {  	_ =	shalt  }
0x5a: {  	_ =	shalt  }
0x5b: {  	_ =	shalt  }
0x5c: {  	_ =	shalt  }
0x5d: {  	_ =	shalt  }
0x5e: {  	_ =	shalt  }
0x5f: {  	_ =	shalt  }
0x60: {  	_ =	shalt  }
0x61: {  	_ =	shalt  }
0x62: {  	_ =	shalt  }
0x63: {  	_ =	shalt  }
0x64: {  	_ =	shalt  }
0x65: {  	_ =	shalt  }
0x66: {  	_ =	shalt  }
0x67: {  	_ =	shalt  }
0x68: {  	_ =	shalt  }
0x69: {  	_ =	shalt  }
0x6a: {  	_ =	shalt  }
0x6b: {  	_ =	shalt  }
0x6c: {  	_ =	shalt  }
0x6d: {  	_ =	shalt  }
0x6e: {  	_ =	shalt  }
0x6f: {  	_ =	shalt  }
0x70: {  	_ =	shalt  }
0x71: {  	_ =	shalt  }
0x72: {  	_ =	shalt  }
0x73: {  	_ =	shalt  }
0x74: {  	_ =	shalt  }
0x75: {  	_ =	shalt  }
0x76: {  	_ =	shalt  }
0x77: {  	_ =	shalt  }
0x78: {  	_ =	shalt  }
0x79: {  	_ =	shalt  }
0x7a: {  	_ =	shalt  }
0x7b: {  	_ =	shalt  }
0x7c: {  	_ =	shalt  }
0x7d: {  	_ =	shalt  }
0x7e: {  	_ =	shalt  }
0x7f: {  	_ =	shalt  }
0x80: {  	_ =	shalt  }
0x81: {  	_ =	shalt  }
0x82: {  	_ =	shalt  }
0x83: {  	_ =	shalt  }
0x84: {  	_ =	shalt  }
0x85: {  	_ =	shalt  }
0x86: {  	_ =	shalt  }
0x87: {  	_ =	shalt  }
.Lfunc_end0:
.L_simem_size_0:
called_computation_lowered:
.L_overlay_start_0:
0x88: {  	s2 =	sld [smem:$0x3FD9]  }
0x89: {  	s3 =	sld [smem:$0x3FFE];
	_ =	sdelay $0x1  }
0x8a: {  	s1 =	srdreg.scid  }
0x8b: {  	s0 =	sand.u32 $0x1, s1  }
0x8c: {  	s17 =	sshll.u32 s0, $0xA;
	s2 =	sadd.s32 s3, s2  }
0x8d: {  	s2 =	sadd.s32 s2, s17  }
0x8e: {  	[smem:$0x3FC0] =	sst s2  }
0x8f: {  	_ = 	snop  }
0x90: {  	s2 =	sld [smem:$0x3FD0];
	(tm) =	ssettm $0x1  }
0x91: {  	s18 =	sld [smem:$0x3FFB];
	_ =	sdelay $0x3  }
0x92: {  	_ =	strace s18  }
0x93: {  	s3 =	sld [smem:$0x3FFC];
	_ =	sdelay $0x3  }
0x94: {  	_ =	strace s3  }
0x95: {  	s3 =	sld [smem:$0x3FFD];
	_ =	sdelay $0x3  }
0x96: {  	_ =	strace s3  }
0x97: {  	_ =	strace $0x8FFFFFFF  }
0x98: {  	s19 =	sld [smem:$0x3FDB];
	_ =	sdelay $0x1  }
0x99: {  	s4 =	simm.s32 $_scs_section_size  }
0x9a: {  	s5 =	simm.s32 $_size__tile_overlayer_lowered;
	s6 =	simm.s32 $_tile_overlayer_lowered  }
0x9b: {  	s22 =	simm.s32 $0x1BFF;
	s21 =	sshll.u32 s6, $0x1;
	s3 =	sadd.s32 s4, s19  }
0x9c: {  	s7 =	simm.s32 $0x0;
	s20 =	sshll.u32 s5, $0x1;
	s5 =	sadd.s32 s21, s3  }
0x9d: {  	[timem:s7], [sflag:s22] =	dma.local [hbm:s5], s20  }
0x9e: {  	_ =	swait.ge [sflag:s22], s20  }
0x9f: {  	s4 =	ssub.s32 $0x0, s20;
	[sflag:s22] =	ssyncset.done $0x0  }
0xa0: {  	[sflag:s22] =	ssyncadd.s32 s4;
	_ =	sdelay $0x1  }
0xa1: {  	s23 =	simm.s32 $0x1B8B  }
0xa2: {  	_ =	swait.ge [sflag:s23], $0x1  }
0xa3: {  	[sflag:s23] =	ssyncset.done $0x0  }
0xa4: {  	s25 =	simm.s32 $0x1B8E;
	s24 =	sld [smem:$0x3FFE];
	[sflag:s23] =	ssyncadd.s32 $0xFFFFFFFF  }
0xa5: {  	s26 =	simm.s32 $execute0_lowered;
	[smem:$0x3FD2] =	sst s25  }
0xa6: {  	s5 =	sshll.u32 s26, $0x1;
	_ =	strace $0x80000046;
	[dreg:$0x1] =	wrdreg $0xFFFFFFFF  }
0xa7: {  	s28 =	simm.s32 $_size_execute0_lowered;
	s3 =	sadd.s32 s3, s5;
	[dreg:$0x0] =	wrdreg $0x0  }
0xa8: {  	s5 =	sshll.u32 s28, $0x1;
	[dreg:$0x2] =	wrdreg s3  }
0xa9: {  	[dreg:$0x3] =	wrdreg s5  }
0xaa: {  	[dreg:$0x4] =	wrdreg $0xC0  }
0xab: {  	_ =	task [dreg:s7], $0x5FFFF  }
0xac: {  	[dreg:$0x1] =	wrdreg $0xFFFFFFFF  }
0xad: {  	[dreg:$0x0] =	wrdreg $0x60  }
0xae: {  	[dreg:$0x2] =	wrdreg s24  }
0xaf: {  	[dreg:$0x3] =	wrdreg s2  }
0xb0: {  	[dreg:$0x4] =	wrdreg $0x9  }
0xb1: {  	_ =	task.clear_ibuf [dreg:s7], $0x5FFFF;
	_ =	strace $0x90000046  }
0xb2: {  	s29 =	simm.s32 $0x9;
	_ =	strace $0x80000048  }
0xb3: {  	_ =	swait.ge [sflag:s29], $0x1  }
0xb4: {  	[sflag:s29] =	ssyncadd.s32 $0xFFFFFFFF  }
0xb5: {  	_ =	strace $0x90000048  }
0xb6: {  	_ =	sfence  }
0xb7: {  	s30 =	sld [smem:$0x0];
	_ =	sdelay $0x2  }
0xb8: {  	s31 =	sshll.u32 s1, $0xD;
	s1 =	sshrl.u32 s1, $0x2  }
0xb9: {  	s3 =	sand.u32 $0x4000, s31;
	s1 =	sadd.s32 s1, s30  }
0xba: {  	s0 =	sor.u32 s3, s0;
	s1 =	sshll.u32 s1, $0x11  }
0xbb: {  	s0 =	sor.u32 s1, s0  }
0xbc: {  	s0 =	sadd.s32 $0x8F2B, s0  }
0xbd: {  	[sflag:s0] =	ssyncadd.remote.s32 $0x1  }
0xbe: {  	_ =	sfence.sel $0xFFFF  }
0xbf: {  	[dreg:$0x0] =	wrdreg $0xFFFFFFFF;
	(pc) =	sbr.abs _section_cstart, $3  }
0xc0: {  	[dreg:$0x1] =	wrdreg $0xFFFFFFFF  }
0xc1: {  	_ =	task.clear_ibuf [dreg:s7], $0x2FFFF;
	_ =	strace $0x9FFFFFFF  }
0xc2: {  	(tm) =	ssettm $0x7FFFFFFF  }
0xc3: {  	_ =	shalt  }
tec
execute0_lowered:
.L_overlay_start_1:
0x0: {  	(tag) =	ssettag $0x1  }
0x1: {  	s0 =	srdreg.scid  }
0x2: {  	s3 =	sand.u32 $0x1, s0  }
0x3: {  	s4 =	rddreg [dreg:$0x0];
	s0 =	stileid.u32;
	s1 =	sshll.u32 s3, $0x4  }
0x4: {  	s5 =	rddreg [dreg:$0x1];
	s9 =	simm.s32 $0x2780;
	s2 =	sor.u32 s0, s1  }
0x5: {  	s10 =	simm.s32 $0x0;
	s7 =	sshll.u32 s0, $0x7;
	s6 =	sshrl.u32 s2, $0x3  }
0x6: {  	s3 =	ssub.s32 $0x2, s3;
	s1 =	rddreg [dreg:$0x2];
	s8 =	smul.u32 $0x13C00, s6  }
0x7: {  	s7 =	sand.u32 $0x380, s7;
	s2 =	simm.s32 $0x0;
	s6 =	smul.u32 $0x14000, s6  }
0x8: {  	s31 =	sshrl.u32 s3, $0x1;
	[smem:$0x7FF] =	sst s2;
	s8 =	sor.u32 s7, s8  }
0x9: {  	_ =	strace $0x80000047;
	s6 =	sor.u32 s7, s6;
	s8 =	sshrl.u32 s8, $0x3  }
0xa: {  	s7 =	ssub.s32 s3, s31;
	s6 =	sshrl.u32 s6, $0x3;
	s4 =	sadd.s32 s8, s4  }
0xb: {  	s8 =	simm.s32 $0x1;
	s3 =	sadd.s32 $0x1E00, s4;
	s4 =	sadd.s32 s5, s6  }
0xc: {  	v0 =	vimm.f32 $0.0e+00;
	v1 =	vimm.f32 $1.000000000e+00;
	s5 =	smax.u32 s7, $0x1;
	s6 =	simm.s32 $0x80;
	s7 =	simm.s32 $0x400  }
.LBB2_1:
0xd: {  	[tilespmem:s2], [sflag:$0x1] =	stream.strided.gather [hbm4b:s3+s6], $0x2780, s7, s6, $0x38;
	[tilespmem:$0x4F80] =	vst v63  }
0xe: {  	_ =	swait.ge [sflag:s8], $0x2780  }
0xf: {  	[sflag:s8] =	ssyncset.done $0x0  }
0x10: {  	s11 =	simm.s32 $0x0;
	[sflag:s8] =	ssyncadd.s32 $0xFFFFD880  }
.LBB2_2:
0x11: {  	p0 =	sne.s32 s11, $0x9FC0  }
.Ltmp0:
0x12: {  	_ = 	snop;
	(pc) =	sbr.rel @p0 .LBB2_2-.Ltmp0, $3  }
0x13: {  	_ =	sdelay $0x1  }
0x14: {  	s12 =	sshra.s32 s11, $0x2  }
0x15: {  	s11 =	sadd.s32 $0x40, s11;
	[tilespmem:s12+$0x2780] =	vst v0  }
0x16: {  	s12 =	simm.s32 $0x0;
	s11 =	simm.s32 $0x40  }
.LBB2_4:
0x17: {  	p0 =	sne.s32 s11, $0x9C00;
	v2 =	vld [tilespmem:s12+$0x0];
	_ =	sdelay $0x3  }
.Ltmp1:
0x18: {  	(pc) =	sbr.rel @p0 .LBB2_4-.Ltmp1, $2  }
0x19: {  	_ =	sdelay $0x2  }
0x1a: {  	s12 =	sshra.s32 s11, $0x2;
	s11 =	sadd.s32 $0x40, s11;
	[tilespmem:v2+s9+$0x0] =	vst.idx.add.f32.msk $0xffff, v1  }
0x1b: {  	v2 =	vld [tilespmem:s12+$0x0];
	_ =	sdelay $0x5  }
0x1c: {  	s10 =	sadd.s32 $0x1, s10  }
0x1d: {  	p0 =	sne.s32 s10, s5  }
.Ltmp2:
0x1e: {  	[tilespmem:v2+s9+$0x0] =	vst.idx.add.f32.msk $0xffff, v1;
	(pc) =	sbr.rel @p0 .LBB2_1-.Ltmp2, $4  }
0x1f: {  	[hbm4b:s4+s6] =	stream.strided.scatter [tilespmem:s9], [sflag:$0x1], $0x2800, s7, s6, $0x38;
	[tilespmem:$0x4F80] =	vst v63  }
0x20: {  	_ =	swait.ge [sflag:s8], $0x2800  }
0x21: {  	[sflag:s8] =	ssyncset.done $0x0  }
0x22: {  	[sflag:s8] =	ssyncadd.s32 $0xFFFFD800  }
0x23: {  	_ =	sfence.sel $0x180000  }
0x24: {  	[bflag:$0x0] =	sbarrier.arrive $0xFFFF  }
0x25: {  	p0 =	sne.s32 s0, $0x0;
	_ =	strace $0x90000047  }
0x26: {  	s0 =	sadd.s32 @!p0 $0x100000, s1;
	[bflag:$0x2] =	sbarrier.arrive $0xFFFF  }
0x27: {  	[sflag:s0] =	ssyncadd.tile.s32 @!p0 $0x1;
	_ =	shalt  }
.Lfunc_end2:
_tile_overlayer_lowered:
.L_overlay_start_2:
0x28: {  	(tag) =	ssettag $0x2  }
0x29: {  	s0 =	rddreg [dreg:$0x0];
	s2 =	stileid.u32  }
0x2a: {  	s1 =	rddreg [dreg:$0x1];
	p0 =	sne.s32 s2, $0x0  }
0x2b: {  	s3 =	rddreg [dreg:$0x2];
	[bflag:$0x3] =	sbarrier.arrive $0xFFFF;
	s2 =	simm.s32 @!p0 $0x1C01  }
0x2c: {  	[timem:s3], [sflag:s2] =	dma.local @!p0 [hbm:s0], s1  }
0x2d: {  	s0 =	simm.s32 @!p0 $0x1  }
0x2e: {  	_ =	swait.ge @!p0 [sflag:s0], s1  }
0x2f: {  	s1 =	ssub.s32 @!p0 $0x0, s1;
	[sflag:s0] =	ssyncset.done @!p0 $0x0  }
0x30: {  	[sflag:s0] =	ssyncadd.s32 @!p0 s1  }
0x31: {  	[bflag:$0x3] =	sbarrier.arrive $0xFFFF  }
0x32: {  	_ =	shalt  }

</sc_bundles>
